<compile_context>
chip_gen: v7x
topology: tpu7x:2x2x1
jax: 0.10.2.dev20260603
libtpu: 0.0.44.dev20260713+nightly
codegen_flags: <defaults>
</compile_context>

<pallas_src>
import functools

import jax
import jax.numpy as jnp
from jax import lax
from jax.experimental import pallas as pl
from jax.experimental.pallas import tpu as pltpu
from jax.experimental.pallas import tpu_sc as plsc

N = 10000
E = 320000
D = 128
H = 128
G = 128

_info = plsc.get_sparse_core_info()
NC = _info.num_cores
NS = _info.num_subcores
NW = NC * NS
NG = E // G
GPT_LO = NG // NW
N_HI = NG % NW
ROWS_PT = 632
ACC_ROWS = ROWS_PT * NS


def _bn_body(x_ref, w_ref, b_ref, xn_ref):
    x = x_ref[...]
    mu = jnp.mean(x, axis=0, keepdims=True)
    xc = x - mu
    var = jnp.mean(xc * xc, axis=0, keepdims=True)
    xn_ref[...] = xc * lax.rsqrt(var + 1e-5) * w_ref[...] + b_ref[...]


_bn_call = pl.pallas_call(
    _bn_body,
    out_shape=jax.ShapeDtypeStruct((N, D), jnp.float32),
)


_mesh = plsc.VectorSubcoreMesh(core_axis_name="c", subcore_axis_name="s")


CW = 16


@functools.partial(
    pl.kernel,
    out_type=(jax.ShapeDtypeStruct((NC, ACC_ROWS, D), jnp.float32),
              jax.ShapeDtypeStruct((NC, ACC_ROWS, CW), jnp.float32)),
    mesh=_mesh,
    scratch_types=[
        pltpu.VMEM((4, G), jnp.int32),
        pltpu.VMEM((4, G), jnp.int32),
        pltpu.VMEM((2, G, D), jnp.float32),
        pltpu.VMEM((G, CW), jnp.float32),
        pltpu.VMEM_SHARED((ACC_ROWS, D), jnp.float32),
        pltpu.VMEM_SHARED((ACC_ROWS, CW), jnp.float32),
        pltpu.SemaphoreType.DMA,
        pltpu.SemaphoreType.DMA,
        pltpu.SemaphoreType.DMA,
        pltpu.SemaphoreType.DMA,
        pltpu.SemaphoreType.DMA,
        pltpu.SemaphoreType.DMA,
        pltpu.SemaphoreType.DMA,
        pltpu.SemaphoreType.DMA,
        pltpu.SemaphoreType.DMA,
        pltpu.SemaphoreType.DMA,
    ],
    compiler_params=pltpu.CompilerParams(use_tc_tiling_on_sc=False),
)
def _sc_scatter(xn_hbm, edge_hbm, zeros_hbm, zeros16_hbm, ones_hbm,
                out_hbm, cnt_hbm,
                src_v, dst_v, rows_v, ones_v, acc_sh, cnt_sh,
                isem0, isem1, isem2, isem3,
                grsem0, grsem1, fsem0, fsem1, csem0, csem1):
    c = lax.axis_index("c")
    s = lax.axis_index("s")
    wid = s * NC + c
    n_g = GPT_LO + jnp.where(wid < N_HI, 1, 0)
    base = wid * GPT_LO + jnp.minimum(wid, N_HI)
    isems = (isem0, isem1, isem2, isem3)
    grsems = (grsem0, grsem1)
    fsems = (fsem0, fsem1)
    csems = (csem0, csem1)

    def idx_fetch(g, r):
        off = (base + g) * G
        pltpu.async_copy(edge_hbm.at[0].at[pl.ds(off, G)], src_v.at[r],
                         isems[r])
        pltpu.async_copy(edge_hbm.at[1].at[pl.ds(off, G)], dst_v.at[r],
                         isems[r])

    def idx_wait(g, r):
        off = (base + g) * G
        pltpu.make_async_copy(edge_hbm.at[0].at[pl.ds(off, G)], src_v.at[r],
                              isems[r]).wait()
        pltpu.make_async_copy(edge_hbm.at[1].at[pl.ds(off, G)], dst_v.at[r],
                              isems[r]).wait()

    def feat_wait(p):
        pltpu.make_async_copy(rows_v.at[p], acc_sh.at[dst_v.at[0]],
                              fsems[p]).wait()

    def cnt_wait(p):
        pltpu.make_async_copy(ones_v, cnt_sh.at[dst_v.at[0]],
                              csems[p]).wait()

    idx_fetch(0, 0)
    idx_fetch(1, 1)
    idx_fetch(2, 2)
    idx_fetch(3, 3)
    pltpu.sync_copy(ones_hbm, ones_v)
    pltpu.sync_copy(zeros_hbm.at[pl.ds(s * ROWS_PT, ROWS_PT)],
                    acc_sh.at[pl.ds(s * ROWS_PT, ROWS_PT)])
    pltpu.sync_copy(zeros16_hbm.at[pl.ds(s * ROWS_PT, ROWS_PT)],
                    cnt_sh.at[pl.ds(s * ROWS_PT, ROWS_PT)])
    plsc.subcore_barrier()

    idx_wait(0, 0)
    pltpu.async_copy(xn_hbm.at[src_v.at[0]], rows_v.at[0], grsem0)

    def step(g, k):
        p = k % 2
        q = 1 - p
        pltpu.make_async_copy(xn_hbm.at[src_v.at[k]], rows_v.at[p],
                              grsems[p]).wait()

        @pl.when(g >= 1)
        def _():
            feat_wait(q)
            cnt_wait(q)

        @pl.when(g + 1 < n_g)
        def _():
            idx_wait(g + 1, (k + 1) % 4)
            pltpu.async_copy(xn_hbm.at[src_v.at[(k + 1) % 4]], rows_v.at[q],
                             grsems[q])

        pltpu.async_copy(rows_v.at[p], acc_sh.at[dst_v.at[k]], fsems[p],
                         add=True)
        pltpu.async_copy(ones_v, cnt_sh.at[dst_v.at[k]], csems[p],
                         add=True)

        @pl.when((g + 3 < n_g) & (g >= 1))
        def _():
            idx_fetch(g + 3, (k + 3) % 4)

    def body(ii, carry):
        g0 = ii * 4
        step(g0, 0)
        for k in (1, 2, 3):
            @pl.when(g0 + k < n_g)
            def _(k=k):
                step(g0 + k, k)

        return carry

    lax.fori_loop(0, (n_g + 3) // 4, body, 0)
    last_p = (n_g - 1) % 2

    @pl.when(last_p == 0)
    def _():
        feat_wait(0)
        cnt_wait(0)

    @pl.when(last_p == 1)
    def _():
        feat_wait(1)
        cnt_wait(1)

    plsc.subcore_barrier()
    pltpu.sync_copy(acc_sh.at[pl.ds(s * ROWS_PT, ROWS_PT)],
                    out_hbm.at[c].at[pl.ds(s * ROWS_PT, ROWS_PT)])
    pltpu.sync_copy(cnt_sh.at[pl.ds(s * ROWS_PT, ROWS_PT)],
                    cnt_hbm.at[c].at[pl.ds(s * ROWS_PT, ROWS_PT)])


_DN = (((1,), (1,)), ((), ()))


def _head_body(a_ref, cnt_ref, xn_ref, wl_ref, bl_ref, wr_ref,
               wc1_ref, bc1_ref, wc2_ref, bc2_ref, out_ref):
    a = a_ref[0] + a_ref[1]
    cnt = (cnt_ref[0] + cnt_ref[1])[:, :1]
    agg = a / jnp.maximum(cnt, 1.0)
    xn = xn_ref[...]
    hp = lax.Precision.DEFAULT
    h = (lax.dot_general(agg, wl_ref[...], _DN, precision=hp)
         + lax.dot_general(xn, wr_ref[...], _DN, precision=hp)
         + bl_ref[...])
    h = jnp.maximum(h, 0.0)
    h1 = jnp.maximum(
        lax.dot_general(h, wc1_ref[...], _DN, precision=hp) + bc1_ref[...],
        0.0)
    out_ref[...] = (lax.dot_general(h1, wc2_ref[...], _DN, precision=hp)
                    + bc2_ref[...])


_BN = 2000

_head_call = pl.pallas_call(
    _head_body,
    grid=(N // _BN,),
    in_specs=[
        pl.BlockSpec((2, _BN, D), lambda i: (0, i, 0)),
        pl.BlockSpec((2, _BN, CW), lambda i: (0, i, 0)),
        pl.BlockSpec((_BN, D), lambda i: (i, 0)),
        pl.BlockSpec((H, D), lambda i: (0, 0)),
        pl.BlockSpec((1, H), lambda i: (0, 0)),
        pl.BlockSpec((H, D), lambda i: (0, 0)),
        pl.BlockSpec((16, H), lambda i: (0, 0)),
        pl.BlockSpec((1, 16), lambda i: (0, 0)),
        pl.BlockSpec((2, 16), lambda i: (0, 0)),
        pl.BlockSpec((1, 2), lambda i: (0, 0)),
    ],
    out_specs=pl.BlockSpec((_BN, 2), lambda i: (i, 0)),
    out_shape=jax.ShapeDtypeStruct((N, 2), jnp.float32),
)


def kernel(x, edge_index, edge_weight, edge_features, adj, T,
           bn_weight, bn_bias, W_l, b_l, W_r, Wc1, bc1, Wc2, bc2):
    xn = _bn_call(x, bn_weight.reshape(1, D), bn_bias.reshape(1, D))
    zeros = jnp.zeros((ACC_ROWS, D), jnp.float32)
    zeros16 = jnp.zeros((ACC_ROWS, CW), jnp.float32)
    ones = jnp.ones((G, CW), jnp.float32)
    acc, cnts = _sc_scatter(xn, edge_index, zeros, zeros16, ones)
    out = _head_call(acc, cnts, xn, W_l, b_l.reshape(1, H), W_r,
                     Wc1, bc1.reshape(1, 16), Wc2, bc2.reshape(1, 2))
    return out

# --- scband reference (transcript-rebuilt; emitter-appended) ---
"""Pipeline reference for scband-graph-sagemodel-12927851561250 (READ-ONLY COPY).

The authoritative reference and input builder live on the scoring server;
editing this copy changes nothing except your own understanding.
"""

import jax, jax.numpy as jnp
import numpy as np

N = 10000
E = 320000
D = 128   # num_features + edge_features_size = 112 + 16
H = 128   # hidden_size


def setup_inputs(seed: int = 0) -> dict:
    key = jax.random.key(seed)
    ks = jax.random.split(key, 16)
    x = jax.random.normal(ks[0], (N, D), dtype=jnp.float32)
    edge_index = jax.random.randint(ks[1], (2, E), 0, N, dtype=jnp.int32)
    edge_weight = jax.random.uniform(ks[2], (E,), dtype=jnp.float32)
    edge_features = jax.random.normal(ks[3], (E, 16), dtype=jnp.float32)
    adj = jnp.zeros((1, 1), dtype=jnp.float32)
    T = 2
    # parameters
    def lin(k, fan_out, fan_in):
        lim = 1.0 / np.sqrt(fan_in)
        return jax.random.uniform(k, (fan_out, fan_in), jnp.float32, -lim, lim)
    bn_weight = jnp.ones((D,), jnp.float32)
    bn_bias = jnp.zeros((D,), jnp.float32)
    W_l = lin(ks[4], H, D)            # SAGEConv lin_l (applied to aggregated neighbors)
    b_l = jnp.zeros((H,), jnp.float32)
    W_r = lin(ks[5], H, D)            # SAGEConv lin_r (root weight, no bias)
    Wc1 = lin(ks[6], 16, H)
    bc1 = jnp.zeros((16,), jnp.float32)
    Wc2 = lin(ks[7], 2, 16)
    bc2 = jnp.zeros((2,), jnp.float32)
    return {"x": x, "edge_index": edge_index, "edge_weight": edge_weight,
            "edge_features": edge_features, "adj": adj, "T": T,
            "bn_weight": bn_weight, "bn_bias": bn_bias,
            "W_l": W_l, "b_l": b_l, "W_r": W_r,
            "Wc1": Wc1, "bc1": bc1, "Wc2": Wc2, "bc2": bc2}


def reference(x, edge_index, edge_weight, edge_features, adj, T,
              bn_weight, bn_bias, W_l, b_l, W_r, Wc1, bc1, Wc2, bc2):
    # BatchNorm1d (training-mode batch statistics, eps=1e-5)
    mean = jnp.mean(x, axis=0)
    var = jnp.var(x, axis=0)
    xn = (x - mean) / jnp.sqrt(var + 1e-5) * bn_weight + bn_bias
    # SAGEConv: mean aggregation of source features onto destination nodes
    src = edge_index[0]
    dst = edge_index[1]
    msg = jnp.take(xn, src, axis=0)                              # gather
    agg = jax.ops.segment_sum(msg, dst, num_segments=N)          # scatter-add
    cnt = jax.ops.segment_sum(jnp.ones((src.shape[0],), jnp.float32), dst, num_segments=N)
    agg = agg / jnp.maximum(cnt, 1.0)[:, None]
    h = agg @ W_l.T + b_l + xn @ W_r.T
    h = jax.nn.relu(h)
    # class classifier: Linear(H,16) -> ReLU -> Linear(16,2)
    h1 = jax.nn.relu(h @ Wc1.T + bc1)
    out = h1 @ Wc2.T + bc2
    return out

if __name__ == "__main__":
    import jax
    _d = setup_inputs()
    print(jax.jit(kernel)(*tuple(_d.values())))

</pallas_src>

<mosaic_0001>
#map = affine_map<(d0, d1) -> (0, 0)>
#map1 = affine_map<(d0, d1) -> (0, 0, 0)>
module attributes {stable_mosaic.version = 14 : i64} {
  func.func @_sc_scatter(%arg0: i32, %arg1: i32, %arg2: memref<10000x128xf32, #tpu.memory_space<hbm>>, %arg3: memref<2x320000xi32, #tpu.memory_space<hbm>>, %arg4: memref<10112x128xf32, #tpu.memory_space<hbm>>, %arg5: memref<10112x16xf32, #tpu.memory_space<hbm>>, %arg6: memref<128x16xf32, #tpu.memory_space<hbm>>, %arg7: memref<2x10112x128xf32, #tpu.memory_space<hbm>>, %arg8: memref<2x10112x16xf32, #tpu.memory_space<hbm>>, %arg9: memref<4x128xi32, #tpu.memory_space<vmem>>, %arg10: memref<4x128xi32, #tpu.memory_space<vmem>>, %arg11: memref<2x128x128xf32, #tpu.memory_space<vmem>>, %arg12: memref<128x16xf32, #tpu.memory_space<vmem>>, %arg13: memref<10112x128xf32, #tpu.memory_space<vmem_shared>>, %arg14: memref<10112x16xf32, #tpu.memory_space<vmem_shared>>, %arg15: memref<!tpu.dma_semaphore, #tpu.memory_space<semaphore_mem>>, %arg16: memref<!tpu.dma_semaphore, #tpu.memory_space<semaphore_mem>>, %arg17: memref<!tpu.dma_semaphore, #tpu.memory_space<semaphore_mem>>, %arg18: memref<!tpu.dma_semaphore, #tpu.memory_space<semaphore_mem>>, %arg19: memref<!tpu.dma_semaphore, #tpu.memory_space<semaphore_mem>>, %arg20: memref<!tpu.dma_semaphore, #tpu.memory_space<semaphore_mem>>, %arg21: memref<!tpu.dma_semaphore, #tpu.memory_space<semaphore_mem>>, %arg22: memref<!tpu.dma_semaphore, #tpu.memory_space<semaphore_mem>>, %arg23: memref<!tpu.dma_semaphore, #tpu.memory_space<semaphore_mem>>, %arg24: memref<!tpu.dma_semaphore, #tpu.memory_space<semaphore_mem>>) attributes {dimension_semantics = [#tpu.dimension_semantics<core_parallel>, #tpu.dimension_semantics<subcore_parallel>], iteration_bounds = array<i64: 2, 16>, scalar_prefetch = 0 : i64, scratch_operands = 16 : i64, tpu.core_type = #tpu.core_type<sc_vector_subcore>, window_params = [{transform_indices = #map}, {transform_indices = #map}, {transform_indices = #map}, {transform_indices = #map}, {transform_indices = #map}, {transform_indices = #map1}, {transform_indices = #map1}]} {
    %mul3A = arith.constant 2 : i32
    %mul3A_0 = arith.muli %arg1, %mul3A : i32
    %add3A = arith.addi %mul3A_0, %arg0 : i32
    %lt3A = arith.constant 4 : i32
    %lt3A_1 = arith.cmpi slt, %add3A, %lt3A : i32
    %jit3A = arith.constant 1 : i32
    %jit3A_2 = arith.constant 0 : i32
    %select_n3A = arith.select %lt3A_1, %jit3A, %jit3A_2 : i32
    %add3A_3 = arith.constant 78 : i32
    %add3A_4 = arith.addi %add3A_3, %select_n3A : i32
    %mul3A_5 = arith.constant 78 : i32
    %mul3A_6 = arith.muli %add3A, %mul3A_5 : i32
    %min3A = arith.constant 4 : i32
    %min3A_7 = arith.minsi %add3A, %min3A : i32
    %add3A_8 = arith.addi %mul3A_6, %min3A_7 : i32
    %add3A_9 = arith.constant 0 : i32
    %add3A_10 = arith.addi %add3A_8, %add3A_9 : i32
    %mul3A_11 = arith.constant 128 : i32
    %mul3A_12 = arith.muli %add3A_10, %mul3A_11 : i32
    %dma_start3A = arith.constant 0 : i32
    %dma_start3A_13 = arith.constant 0 : i32
    %dma_start3A_14 = arith.constant 0 : i32
    %dma_start3A_15 = tpu.memref_slice %arg9[%dma_start3A_13, %dma_start3A_14] : memref<4x128xi32, #tpu.memory_space<vmem>> -> memref<1x128xi32, #tpu.memory_space<vmem>>
    %dma_start3A_16 = tpu.memref_squeeze %dma_start3A_15 : memref<1x128xi32, #tpu.memory_space<vmem>> -> memref<128xi32, #tpu.memory_space<vmem>>
    %dma_start3A_17 = arith.constant 0 : i32
    %dma_start3A_18 = tpu.memref_slice %arg3[%dma_start3A, %dma_start3A_17] : memref<2x320000xi32, #tpu.memory_space<hbm>> -> memref<1x320000xi32, #tpu.memory_space<hbm>>
    %dma_start3A_19 = tpu.memref_squeeze %dma_start3A_18 : memref<1x320000xi32, #tpu.memory_space<hbm>> -> memref<320000xi32, #tpu.memory_space<hbm>>
    %dma_start3A_20 = tpu.memref_slice %dma_start3A_19[%mul3A_12] : memref<320000xi32, #tpu.memory_space<hbm>> -> memref<128xi32, #tpu.memory_space<hbm>>
    %dma_start3A_21 = arith.constant 0 : i32
    %dma_start3A_22 = tpu.memref_slice %arg9[%dma_start3A_13, %dma_start3A_21] : memref<4x128xi32, #tpu.memory_space<vmem>> -> memref<1x128xi32, #tpu.memory_space<vmem>>
    %dma_start3A_23 = tpu.memref_squeeze %dma_start3A_22 : memref<1x128xi32, #tpu.memory_space<vmem>> -> memref<128xi32, #tpu.memory_space<vmem>>
    %dma_start3A_24 = arith.constant 0 : i32
    %dma_start3A_25 = tpu.memref_slice %arg3[%dma_start3A, %dma_start3A_24] : memref<2x320000xi32, #tpu.memory_space<hbm>> -> memref<1x320000xi32, #tpu.memory_space<hbm>>
    %dma_start3A_26 = tpu.memref_squeeze %dma_start3A_25 : memref<1x320000xi32, #tpu.memory_space<hbm>> -> memref<320000xi32, #tpu.memory_space<hbm>>
    %dma_start3A_27 = tpu.memref_slice %dma_start3A_26[%mul3A_12] : memref<320000xi32, #tpu.memory_space<hbm>> -> memref<128xi32, #tpu.memory_space<hbm>>
    tpu.enqueue_dma source(%dma_start3A_27 : memref<128xi32, #tpu.memory_space<hbm>>) target(%dma_start3A_23 : memref<128xi32, #tpu.memory_space<vmem>>) target_semaphore(%arg15 : memref<!tpu.dma_semaphore, #tpu.memory_space<semaphore_mem>>)
    %dma_start3A_28 = arith.constant 1 : i32
    %dma_start3A_29 = arith.constant 0 : i32
    %dma_start3A_30 = arith.constant 0 : i32
    %dma_start3A_31 = tpu.memref_slice %arg10[%dma_start3A_29, %dma_start3A_30] : memref<4x128xi32, #tpu.memory_space<vmem>> -> memref<1x128xi32, #tpu.memory_space<vmem>>
    %dma_start3A_32 = tpu.memref_squeeze %dma_start3A_31 : memref<1x128xi32, #tpu.memory_space<vmem>> -> memref<128xi32, #tpu.memory_space<vmem>>
    %dma_start3A_33 = arith.constant 0 : i32
    %dma_start3A_34 = tpu.memref_slice %arg3[%dma_start3A_28, %dma_start3A_33] : memref<2x320000xi32, #tpu.memory_space<hbm>> -> memref<1x320000xi32, #tpu.memory_space<hbm>>
    %dma_start3A_35 = tpu.memref_squeeze %dma_start3A_34 : memref<1x320000xi32, #tpu.memory_space<hbm>> -> memref<320000xi32, #tpu.memory_space<hbm>>
    %dma_start3A_36 = tpu.memref_slice %dma_start3A_35[%mul3A_12] : memref<320000xi32, #tpu.memory_space<hbm>> -> memref<128xi32, #tpu.memory_space<hbm>>
    %dma_start3A_37 = arith.constant 0 : i32
    %dma_start3A_38 = tpu.memref_slice %arg10[%dma_start3A_29, %dma_start3A_37] : memref<4x128xi32, #tpu.memory_space<vmem>> -> memref<1x128xi32, #tpu.memory_space<vmem>>
    %dma_start3A_39 = tpu.memref_squeeze %dma_start3A_38 : memref<1x128xi32, #tpu.memory_space<vmem>> -> memref<128xi32, #tpu.memory_space<vmem>>
    %dma_start3A_40 = arith.constant 0 : i32
    %dma_start3A_41 = tpu.memref_slice %arg3[%dma_start3A_28, %dma_start3A_40] : memref<2x320000xi32, #tpu.memory_space<hbm>> -> memref<1x320000xi32, #tpu.memory_space<hbm>>
    %dma_start3A_42 = tpu.memref_squeeze %dma_start3A_41 : memref<1x320000xi32, #tpu.memory_space<hbm>> -> memref<320000xi32, #tpu.memory_space<hbm>>
    %dma_start3A_43 = tpu.memref_slice %dma_start3A_42[%mul3A_12] : memref<320000xi32, #tpu.memory_space<hbm>> -> memref<128xi32, #tpu.memory_space<hbm>>
    tpu.enqueue_dma source(%dma_start3A_43 : memref<128xi32, #tpu.memory_space<hbm>>) target(%dma_start3A_39 : memref<128xi32, #tpu.memory_space<vmem>>) target_semaphore(%arg15 : memref<!tpu.dma_semaphore, #tpu.memory_space<semaphore_mem>>)
    %add3A_44 = arith.constant 1 : i32
    %add3A_45 = arith.addi %add3A_8, %add3A_44 : i32
    %mul3A_46 = arith.constant 128 : i32
    %mul3A_47 = arith.muli %add3A_45, %mul3A_46 : i32
    %dma_start3A_48 = arith.constant 0 : i32
    %dma_start3A_49 = arith.constant 1 : i32
    %dma_start3A_50 = arith.constant 0 : i32
    %dma_start3A_51 = tpu.memref_slice %arg9[%dma_start3A_49, %dma_start3A_50] : memref<4x128xi32, #tpu.memory_space<vmem>> -> memref<1x128xi32, #tpu.memory_space<vmem>>
    %dma_start3A_52 = tpu.memref_squeeze %dma_start3A_51 : memref<1x128xi32, #tpu.memory_space<vmem>> -> memref<128xi32, #tpu.memory_space<vmem>>
    %dma_start3A_53 = arith.constant 0 : i32
    %dma_start3A_54 = tpu.memref_slice %arg3[%dma_start3A_48, %dma_start3A_53] : memref<2x320000xi32, #tpu.memory_space<hbm>> -> memref<1x320000xi32, #tpu.memory_space<hbm>>
    %dma_start3A_55 = tpu.memref_squeeze %dma_start3A_54 : memref<1x320000xi32, #tpu.memory_space<hbm>> -> memref<320000xi32, #tpu.memory_space<hbm>>
    %dma_start3A_56 = tpu.memref_slice %dma_start3A_55[%mul3A_47] : memref<320000xi32, #tpu.memory_space<hbm>> -> memref<128xi32, #tpu.memory_space<hbm>>
    %dma_start3A_57 = arith.constant 0 : i32
    %dma_start3A_58 = tpu.memref_slice %arg9[%dma_start3A_49, %dma_start3A_57] : memref<4x128xi32, #tpu.memory_space<vmem>> -> memref<1x128xi32, #tpu.memory_space<vmem>>
    %dma_start3A_59 = tpu.memref_squeeze %dma_start3A_58 : memref<1x128xi32, #tpu.memory_space<vmem>> -> memref<128xi32, #tpu.memory_space<vmem>>
    %dma_start3A_60 = arith.constant 0 : i32
    %dma_start3A_61 = tpu.memref_slice %arg3[%dma_start3A_48, %dma_start3A_60] : memref<2x320000xi32, #tpu.memory_space<hbm>> -> memref<1x320000xi32, #tpu.memory_space<hbm>>
    %dma_start3A_62 = tpu.memref_squeeze %dma_start3A_61 : memref<1x320000xi32, #tpu.memory_space<hbm>> -> memref<320000xi32, #tpu.memory_space<hbm>>
    %dma_start3A_63 = tpu.memref_slice %dma_start3A_62[%mul3A_47] : memref<320000xi32, #tpu.memory_space<hbm>> -> memref<128xi32, #tpu.memory_space<hbm>>
    tpu.enqueue_dma source(%dma_start3A_63 : memref<128xi32, #tpu.memory_space<hbm>>) target(%dma_start3A_59 : memref<128xi32, #tpu.memory_space<vmem>>) target_semaphore(%arg16 : memref<!tpu.dma_semaphore, #tpu.memory_space<semaphore_mem>>)
    %dma_start3A_64 = arith.constant 1 : i32
    %dma_start3A_65 = arith.constant 1 : i32
    %dma_start3A_66 = arith.constant 0 : i32
    %dma_start3A_67 = tpu.memref_slice %arg10[%dma_start3A_65, %dma_start3A_66] : memref<4x128xi32, #tpu.memory_space<vmem>> -> memref<1x128xi32, #tpu.memory_space<vmem>>
    %dma_start3A_68 = tpu.memref_squeeze %dma_start3A_67 : memref<1x128xi32, #tpu.memory_space<vmem>> -> memref<128xi32, #tpu.memory_space<vmem>>
    %dma_start3A_69 = arith.constant 0 : i32
    %dma_start3A_70 = tpu.memref_slice %arg3[%dma_start3A_64, %dma_start3A_69] : memref<2x320000xi32, #tpu.memory_space<hbm>> -> memref<1x320000xi32, #tpu.memory_space<hbm>>
    %dma_start3A_71 = tpu.memref_squeeze %dma_start3A_70 : memref<1x320000xi32, #tpu.memory_space<hbm>> -> memref<320000xi32, #tpu.memory_space<hbm>>
    %dma_start3A_72 = tpu.memref_slice %dma_start3A_71[%mul3A_47] : memref<320000xi32, #tpu.memory_space<hbm>> -> memref<128xi32, #tpu.memory_space<hbm>>
    %dma_start3A_73 = arith.constant 0 : i32
    %dma_start3A_74 = tpu.memref_slice %arg10[%dma_start3A_65, %dma_start3A_73] : memref<4x128xi32, #tpu.memory_space<vmem>> -> memref<1x128xi32, #tpu.memory_space<vmem>>
    %dma_start3A_75 = tpu.memref_squeeze %dma_start3A_74 : memref<1x128xi32, #tpu.memory_space<vmem>> -> memref<128xi32, #tpu.memory_space<vmem>>
    %dma_start3A_76 = arith.constant 0 : i32
    %dma_start3A_77 = tpu.memref_slice %arg3[%dma_start3A_64, %dma_start3A_76] : memref<2x320000xi32, #tpu.memory_space<hbm>> -> memref<1x320000xi32, #tpu.memory_space<hbm>>
    %dma_start3A_78 = tpu.memref_squeeze %dma_start3A_77 : memref<1x320000xi32, #tpu.memory_space<hbm>> -> memref<320000xi32, #tpu.memory_space<hbm>>
    %dma_start3A_79 = tpu.memref_slice %dma_start3A_78[%mul3A_47] : memref<320000xi32, #tpu.memory_space<hbm>> -> memref<128xi32, #tpu.memory_space<hbm>>
    tpu.enqueue_dma source(%dma_start3A_79 : memref<128xi32, #tpu.memory_space<hbm>>) target(%dma_start3A_75 : memref<128xi32, #tpu.memory_space<vmem>>) target_semaphore(%arg16 : memref<!tpu.dma_semaphore, #tpu.memory_space<semaphore_mem>>)
    %add3A_80 = arith.constant 2 : i32
    %add3A_81 = arith.addi %add3A_8, %add3A_80 : i32
    %mul3A_82 = arith.constant 128 : i32
    %mul3A_83 = arith.muli %add3A_81, %mul3A_82 : i32
    %dma_start3A_84 = arith.constant 0 : i32
    %dma_start3A_85 = arith.constant 2 : i32
    %dma_start3A_86 = arith.constant 0 : i32
    %dma_start3A_87 = tpu.memref_slice %arg9[%dma_start3A_85, %dma_start3A_86] : memref<4x128xi32, #tpu.memory_space<vmem>> -> memref<1x128xi32, #tpu.memory_space<vmem>>
    %dma_start3A_88 = tpu.memref_squeeze %dma_start3A_87 : memref<1x128xi32, #tpu.memory_space<vmem>> -> memref<128xi32, #tpu.memory_space<vmem>>
    %dma_start3A_89 = arith.constant 0 : i32
    %dma_start3A_90 = tpu.memref_slice %arg3[%dma_start3A_84, %dma_start3A_89] : memref<2x320000xi32, #tpu.memory_space<hbm>> -> memref<1x320000xi32, #tpu.memory_space<hbm>>
    %dma_start3A_91 = tpu.memref_squeeze %dma_start3A_90 : memref<1x320000xi32, #tpu.memory_space<hbm>> -> memref<320000xi32, #tpu.memory_space<hbm>>
    %dma_start3A_92 = tpu.memref_slice %dma_start3A_91[%mul3A_83] : memref<320000xi32, #tpu.memory_space<hbm>> -> memref<128xi32, #tpu.memory_space<hbm>>
    %dma_start3A_93 = arith.constant 0 : i32
    %dma_start3A_94 = tpu.memref_slice %arg9[%dma_start3A_85, %dma_start3A_93] : memref<4x128xi32, #tpu.memory_space<vmem>> -> memref<1x128xi32, #tpu.memory_space<vmem>>
    %dma_start3A_95 = tpu.memref_squeeze %dma_start3A_94 : memref<1x128xi32, #tpu.memory_space<vmem>> -> memref<128xi32, #tpu.memory_space<vmem>>
    %dma_start3A_96 = arith.constant 0 : i32
    %dma_start3A_97 = tpu.memref_slice %arg3[%dma_start3A_84, %dma_start3A_96] : memref<2x320000xi32, #tpu.memory_space<hbm>> -> memref<1x320000xi32, #tpu.memory_space<hbm>>
    %dma_start3A_98 = tpu.memref_squeeze %dma_start3A_97 : memref<1x320000xi32, #tpu.memory_space<hbm>> -> memref<320000xi32, #tpu.memory_space<hbm>>
    %dma_start3A_99 = tpu.memref_slice %dma_start3A_98[%mul3A_83] : memref<320000xi32, #tpu.memory_space<hbm>> -> memref<128xi32, #tpu.memory_space<hbm>>
    tpu.enqueue_dma source(%dma_start3A_99 : memref<128xi32, #tpu.memory_space<hbm>>) target(%dma_start3A_95 : memref<128xi32, #tpu.memory_space<vmem>>) target_semaphore(%arg17 : memref<!tpu.dma_semaphore, #tpu.memory_space<semaphore_mem>>)
    %dma_start3A_100 = arith.constant 1 : i32
    %dma_start3A_101 = arith.constant 2 : i32
    %dma_start3A_102 = arith.constant 0 : i32
    %dma_start3A_103 = tpu.memref_slice %arg10[%dma_start3A_101, %dma_start3A_102] : memref<4x128xi32, #tpu.memory_space<vmem>> -> memref<1x128xi32, #tpu.memory_space<vmem>>
    %dma_start3A_104 = tpu.memref_squeeze %dma_start3A_103 : memref<1x128xi32, #tpu.memory_space<vmem>> -> memref<128xi32, #tpu.memory_space<vmem>>
    %dma_start3A_105 = arith.constant 0 : i32
    %dma_start3A_106 = tpu.memref_slice %arg3[%dma_start3A_100, %dma_start3A_105] : memref<2x320000xi32, #tpu.memory_space<hbm>> -> memref<1x320000xi32, #tpu.memory_space<hbm>>
    %dma_start3A_107 = tpu.memref_squeeze %dma_start3A_106 : memref<1x320000xi32, #tpu.memory_space<hbm>> -> memref<320000xi32, #tpu.memory_space<hbm>>
    %dma_start3A_108 = tpu.memref_slice %dma_start3A_107[%mul3A_83] : memref<320000xi32, #tpu.memory_space<hbm>> -> memref<128xi32, #tpu.memory_space<hbm>>
    %dma_start3A_109 = arith.constant 0 : i32
    %dma_start3A_110 = tpu.memref_slice %arg10[%dma_start3A_101, %dma_start3A_109] : memref<4x128xi32, #tpu.memory_space<vmem>> -> memref<1x128xi32, #tpu.memory_space<vmem>>
    %dma_start3A_111 = tpu.memref_squeeze %dma_start3A_110 : memref<1x128xi32, #tpu.memory_space<vmem>> -> memref<128xi32, #tpu.memory_space<vmem>>
    %dma_start3A_112 = arith.constant 0 : i32
    %dma_start3A_113 = tpu.memref_slice %arg3[%dma_start3A_100, %dma_start3A_112] : memref<2x320000xi32, #tpu.memory_space<hbm>> -> memref<1x320000xi32, #tpu.memory_space<hbm>>
    %dma_start3A_114 = tpu.memref_squeeze %dma_start3A_113 : memref<1x320000xi32, #tpu.memory_space<hbm>> -> memref<320000xi32, #tpu.memory_space<hbm>>
    %dma_start3A_115 = tpu.memref_slice %dma_start3A_114[%mul3A_83] : memref<320000xi32, #tpu.memory_space<hbm>> -> memref<128xi32, #tpu.memory_space<hbm>>
    tpu.enqueue_dma source(%dma_start3A_115 : memref<128xi32, #tpu.memory_space<hbm>>) target(%dma_start3A_111 : memref<128xi32, #tpu.memory_space<vmem>>) target_semaphore(%arg17 : memref<!tpu.dma_semaphore, #tpu.memory_space<semaphore_mem>>)
    %add3A_116 = arith.constant 3 : i32
    %add3A_117 = arith.addi %add3A_8, %add3A_116 : i32
    %mul3A_118 = arith.constant 128 : i32
    %mul3A_119 = arith.muli %add3A_117, %mul3A_118 : i32
    %dma_start3A_120 = arith.constant 0 : i32
    %dma_start3A_121 = arith.constant 3 : i32
    %dma_start3A_122 = arith.constant 0 : i32
    %dma_start3A_123 = tpu.memref_slice %arg9[%dma_start3A_121, %dma_start3A_122] : memref<4x128xi32, #tpu.memory_space<vmem>> -> memref<1x128xi32, #tpu.memory_space<vmem>>
    %dma_start3A_124 = tpu.memref_squeeze %dma_start3A_123 : memref<1x128xi32, #tpu.memory_space<vmem>> -> memref<128xi32, #tpu.memory_space<vmem>>
    %dma_start3A_125 = arith.constant 0 : i32
    %dma_start3A_126 = tpu.memref_slice %arg3[%dma_start3A_120, %dma_start3A_125] : memref<2x320000xi32, #tpu.memory_space<hbm>> -> memref<1x320000xi32, #tpu.memory_space<hbm>>
    %dma_start3A_127 = tpu.memref_squeeze %dma_start3A_126 : memref<1x320000xi32, #tpu.memory_space<hbm>> -> memref<320000xi32, #tpu.memory_space<hbm>>
    %dma_start3A_128 = tpu.memref_slice %dma_start3A_127[%mul3A_119] : memref<320000xi32, #tpu.memory_space<hbm>> -> memref<128xi32, #tpu.memory_space<hbm>>
    %dma_start3A_129 = arith.constant 0 : i32
    %dma_start3A_130 = tpu.memref_slice %arg9[%dma_start3A_121, %dma_start3A_129] : memref<4x128xi32, #tpu.memory_space<vmem>> -> memref<1x128xi32, #tpu.memory_space<vmem>>
    %dma_start3A_131 = tpu.memref_squeeze %dma_start3A_130 : memref<1x128xi32, #tpu.memory_space<vmem>> -> memref<128xi32, #tpu.memory_space<vmem>>
    %dma_start3A_132 = arith.constant 0 : i32
    %dma_start3A_133 = tpu.memref_slice %arg3[%dma_start3A_120, %dma_start3A_132] : memref<2x320000xi32, #tpu.memory_space<hbm>> -> memref<1x320000xi32, #tpu.memory_space<hbm>>
    %dma_start3A_134 = tpu.memref_squeeze %dma_start3A_133 : memref<1x320000xi32, #tpu.memory_space<hbm>> -> memref<320000xi32, #tpu.memory_space<hbm>>
    %dma_start3A_135 = tpu.memref_slice %dma_start3A_134[%mul3A_119] : memref<320000xi32, #tpu.memory_space<hbm>> -> memref<128xi32, #tpu.memory_space<hbm>>
    tpu.enqueue_dma source(%dma_start3A_135 : memref<128xi32, #tpu.memory_space<hbm>>) target(%dma_start3A_131 : memref<128xi32, #tpu.memory_space<vmem>>) target_semaphore(%arg18 : memref<!tpu.dma_semaphore, #tpu.memory_space<semaphore_mem>>)
    %dma_start3A_136 = arith.constant 1 : i32
    %dma_start3A_137 = arith.constant 3 : i32
    %dma_start3A_138 = arith.constant 0 : i32
    %dma_start3A_139 = tpu.memref_slice %arg10[%dma_start3A_137, %dma_start3A_138] : memref<4x128xi32, #tpu.memory_space<vmem>> -> memref<1x128xi32, #tpu.memory_space<vmem>>
    %dma_start3A_140 = tpu.memref_squeeze %dma_start3A_139 : memref<1x128xi32, #tpu.memory_space<vmem>> -> memref<128xi32, #tpu.memory_space<vmem>>
    %dma_start3A_141 = arith.constant 0 : i32
    %dma_start3A_142 = tpu.memref_slice %arg3[%dma_start3A_136, %dma_start3A_141] : memref<2x320000xi32, #tpu.memory_space<hbm>> -> memref<1x320000xi32, #tpu.memory_space<hbm>>
    %dma_start3A_143 = tpu.memref_squeeze %dma_start3A_142 : memref<1x320000xi32, #tpu.memory_space<hbm>> -> memref<320000xi32, #tpu.memory_space<hbm>>
    %dma_start3A_144 = tpu.memref_slice %dma_start3A_143[%mul3A_119] : memref<320000xi32, #tpu.memory_space<hbm>> -> memref<128xi32, #tpu.memory_space<hbm>>
    %dma_start3A_145 = arith.constant 0 : i32
    %dma_start3A_146 = tpu.memref_slice %arg10[%dma_start3A_137, %dma_start3A_145] : memref<4x128xi32, #tpu.memory_space<vmem>> -> memref<1x128xi32, #tpu.memory_space<vmem>>
    %dma_start3A_147 = tpu.memref_squeeze %dma_start3A_146 : memref<1x128xi32, #tpu.memory_space<vmem>> -> memref<128xi32, #tpu.memory_space<vmem>>
    %dma_start3A_148 = arith.constant 0 : i32
    %dma_start3A_149 = tpu.memref_slice %arg3[%dma_start3A_136, %dma_start3A_148] : memref<2x320000xi32, #tpu.memory_space<hbm>> -> memref<1x320000xi32, #tpu.memory_space<hbm>>
    %dma_start3A_150 = tpu.memref_squeeze %dma_start3A_149 : memref<1x320000xi32, #tpu.memory_space<hbm>> -> memref<320000xi32, #tpu.memory_space<hbm>>
    %dma_start3A_151 = tpu.memref_slice %dma_start3A_150[%mul3A_119] : memref<320000xi32, #tpu.memory_space<hbm>> -> memref<128xi32, #tpu.memory_space<hbm>>
    tpu.enqueue_dma source(%dma_start3A_151 : memref<128xi32, #tpu.memory_space<hbm>>) target(%dma_start3A_147 : memref<128xi32, #tpu.memory_space<vmem>>) target_semaphore(%arg18 : memref<!tpu.dma_semaphore, #tpu.memory_space<semaphore_mem>>)
    "tpu.region"() ({
      %run_scoped3A = tpu.sem_alloc : memref<!tpu.dma_semaphore, #tpu.memory_space<semaphore_mem>>
      tpu.enqueue_dma source(%arg6 : memref<128x16xf32, #tpu.memory_space<hbm>>) target(%arg12 : memref<128x16xf32, #tpu.memory_space<vmem>>) target_semaphore(%run_scoped3A : memref<!tpu.dma_semaphore, #tpu.memory_space<semaphore_mem>>)
      tpu.wait_dma2 semaphore(%run_scoped3A : memref<!tpu.dma_semaphore, #tpu.memory_space<semaphore_mem>>) src(%arg6 : memref<128x16xf32, #tpu.memory_space<hbm>>) dst(%arg12 : memref<128x16xf32, #tpu.memory_space<vmem>>)
      tpu.yield
    }) : () -> ()
    %mul3A_152 = arith.constant 632 : i32
    %mul3A_153 = arith.muli %arg1, %mul3A_152 : i32
    %mul3A_154 = arith.constant 632 : i32
    %mul3A_155 = arith.muli %arg1, %mul3A_154 : i32
    "tpu.region"() ({
      %run_scoped3A = tpu.sem_alloc : memref<!tpu.dma_semaphore, #tpu.memory_space<semaphore_mem>>
      %dma_start3A_270 = arith.constant 0 : i32
      %dma_start3A_271 = tpu.memref_slice %arg13[%mul3A_155, %dma_start3A_270] : memref<10112x128xf32, #tpu.memory_space<vmem_shared>> -> memref<632x128xf32, #tpu.memory_space<vmem_shared>>
      %dma_start3A_272 = arith.constant 0 : i32
      %dma_start3A_273 = tpu.memref_slice %arg4[%mul3A_153, %dma_start3A_272] : memref<10112x128xf32, #tpu.memory_space<hbm>> -> memref<632x128xf32, #tpu.memory_space<hbm>>
      tpu.enqueue_dma source(%dma_start3A_273 : memref<632x128xf32, #tpu.memory_space<hbm>>) target(%dma_start3A_271 : memref<632x128xf32, #tpu.memory_space<vmem_shared>>) target_semaphore(%run_scoped3A : memref<!tpu.dma_semaphore, #tpu.memory_space<semaphore_mem>>)
      %dma_wait3A_274 = arith.constant 0 : i32
      %dma_wait3A_275 = tpu.memref_slice %arg13[%mul3A_155, %dma_wait3A_274] : memref<10112x128xf32, #tpu.memory_space<vmem_shared>> -> memref<632x128xf32, #tpu.memory_space<vmem_shared>>
      %dma_wait3A_276 = arith.constant 0 : i32
      %dma_wait3A_277 = tpu.memref_slice %arg4[%mul3A_153, %dma_wait3A_276] : memref<10112x128xf32, #tpu.memory_space<hbm>> -> memref<632x128xf32, #tpu.memory_space<hbm>>
      tpu.wait_dma2 semaphore(%run_scoped3A : memref<!tpu.dma_semaphore, #tpu.memory_space<semaphore_mem>>) src(%dma_wait3A_277 : memref<632x128xf32, #tpu.memory_space<hbm>>) dst(%dma_wait3A_275 : memref<632x128xf32, #tpu.memory_space<vmem_shared>>)
      tpu.yield
    }) : () -> ()
    %mul3A_156 = arith.constant 632 : i32
    %mul3A_157 = arith.muli %arg1, %mul3A_156 : i32
    %mul3A_158 = arith.constant 632 : i32
    %mul3A_159 = arith.muli %arg1, %mul3A_158 : i32
    "tpu.region"() ({
      %run_scoped3A = tpu.sem_alloc : memref<!tpu.dma_semaphore, #tpu.memory_space<semaphore_mem>>
      %dma_start3A_270 = arith.constant 0 : i32
      %dma_start3A_271 = tpu.memref_slice %arg14[%mul3A_159, %dma_start3A_270] : memref<10112x16xf32, #tpu.memory_space<vmem_shared>> -> memref<632x16xf32, #tpu.memory_space<vmem_shared>>
      %dma_start3A_272 = arith.constant 0 : i32
      %dma_start3A_273 = tpu.memref_slice %arg5[%mul3A_157, %dma_start3A_272] : memref<10112x16xf32, #tpu.memory_space<hbm>> -> memref<632x16xf32, #tpu.memory_space<hbm>>
      tpu.enqueue_dma source(%dma_start3A_273 : memref<632x16xf32, #tpu.memory_space<hbm>>) target(%dma_start3A_271 : memref<632x16xf32, #tpu.memory_space<vmem_shared>>) target_semaphore(%run_scoped3A : memref<!tpu.dma_semaphore, #tpu.memory_space<semaphore_mem>>)
      %dma_wait3A_274 = arith.constant 0 : i32
      %dma_wait3A_275 = tpu.memref_slice %arg14[%mul3A_159, %dma_wait3A_274] : memref<10112x16xf32, #tpu.memory_space<vmem_shared>> -> memref<632x16xf32, #tpu.memory_space<vmem_shared>>
      %dma_wait3A_276 = arith.constant 0 : i32
      %dma_wait3A_277 = tpu.memref_slice %arg5[%mul3A_157, %dma_wait3A_276] : memref<10112x16xf32, #tpu.memory_space<hbm>> -> memref<632x16xf32, #tpu.memory_space<hbm>>
      tpu.wait_dma2 semaphore(%run_scoped3A : memref<!tpu.dma_semaphore, #tpu.memory_space<semaphore_mem>>) src(%dma_wait3A_277 : memref<632x16xf32, #tpu.memory_space<hbm>>) dst(%dma_wait3A_275 : memref<632x16xf32, #tpu.memory_space<vmem_shared>>)
      tpu.yield
    }) : () -> ()
    %barrier3A = arith.constant 0 : index
    tpu.barrier barrier_id(%barrier3A)
    %add3A_160 = arith.constant 0 : i32
    %add3A_161 = arith.addi %add3A_8, %add3A_160 : i32
    %mul3A_162 = arith.constant 128 : i32
    %mul3A_163 = arith.muli %add3A_161, %mul3A_162 : i32
    %dma_wait3A = arith.constant 0 : i32
    %dma_wait3A_164 = arith.constant 0 : i32
    %dma_wait3A_165 = arith.constant 0 : i32
    %dma_wait3A_166 = tpu.memref_slice %arg9[%dma_wait3A_164, %dma_wait3A_165] : memref<4x128xi32, #tpu.memory_space<vmem>> -> memref<1x128xi32, #tpu.memory_space<vmem>>
    %dma_wait3A_167 = tpu.memref_squeeze %dma_wait3A_166 : memref<1x128xi32, #tpu.memory_space<vmem>> -> memref<128xi32, #tpu.memory_space<vmem>>
    %dma_wait3A_168 = arith.constant 0 : i32
    %dma_wait3A_169 = tpu.memref_slice %arg3[%dma_wait3A, %dma_wait3A_168] : memref<2x320000xi32, #tpu.memory_space<hbm>> -> memref<1x320000xi32, #tpu.memory_space<hbm>>
    %dma_wait3A_170 = tpu.memref_squeeze %dma_wait3A_169 : memref<1x320000xi32, #tpu.memory_space<hbm>> -> memref<320000xi32, #tpu.memory_space<hbm>>
    %dma_wait3A_171 = tpu.memref_slice %dma_wait3A_170[%mul3A_163] : memref<320000xi32, #tpu.memory_space<hbm>> -> memref<128xi32, #tpu.memory_space<hbm>>
    %dma_wait3A_172 = arith.constant 0 : i32
    %dma_wait3A_173 = tpu.memref_slice %arg9[%dma_wait3A_164, %dma_wait3A_172] : memref<4x128xi32, #tpu.memory_space<vmem>> -> memref<1x128xi32, #tpu.memory_space<vmem>>
    %dma_wait3A_174 = tpu.memref_squeeze %dma_wait3A_173 : memref<1x128xi32, #tpu.memory_space<vmem>> -> memref<128xi32, #tpu.memory_space<vmem>>
    %dma_wait3A_175 = arith.constant 0 : i32
    %dma_wait3A_176 = tpu.memref_slice %arg3[%dma_wait3A, %dma_wait3A_175] : memref<2x320000xi32, #tpu.memory_space<hbm>> -> memref<1x320000xi32, #tpu.memory_space<hbm>>
    %dma_wait3A_177 = tpu.memref_squeeze %dma_wait3A_176 : memref<1x320000xi32, #tpu.memory_space<hbm>> -> memref<320000xi32, #tpu.memory_space<hbm>>
    %dma_wait3A_178 = tpu.memref_slice %dma_wait3A_177[%mul3A_163] : memref<320000xi32, #tpu.memory_space<hbm>> -> memref<128xi32, #tpu.memory_space<hbm>>
    tpu.wait_dma2 semaphore(%arg15 : memref<!tpu.dma_semaphore, #tpu.memory_space<semaphore_mem>>) src(%dma_wait3A_178 : memref<128xi32, #tpu.memory_space<hbm>>) dst(%dma_wait3A_174 : memref<128xi32, #tpu.memory_space<vmem>>)
    %dma_wait3A_179 = arith.constant 1 : i32
    %dma_wait3A_180 = arith.constant 0 : i32
    %dma_wait3A_181 = arith.constant 0 : i32
    %dma_wait3A_182 = tpu.memref_slice %arg10[%dma_wait3A_180, %dma_wait3A_181] : memref<4x128xi32, #tpu.memory_space<vmem>> -> memref<1x128xi32, #tpu.memory_space<vmem>>
    %dma_wait3A_183 = tpu.memref_squeeze %dma_wait3A_182 : memref<1x128xi32, #tpu.memory_space<vmem>> -> memref<128xi32, #tpu.memory_space<vmem>>
    %dma_wait3A_184 = arith.constant 0 : i32
    %dma_wait3A_185 = tpu.memref_slice %arg3[%dma_wait3A_179, %dma_wait3A_184] : memref<2x320000xi32, #tpu.memory_space<hbm>> -> memref<1x320000xi32, #tpu.memory_space<hbm>>
    %dma_wait3A_186 = tpu.memref_squeeze %dma_wait3A_185 : memref<1x320000xi32, #tpu.memory_space<hbm>> -> memref<320000xi32, #tpu.memory_space<hbm>>
    %dma_wait3A_187 = tpu.memref_slice %dma_wait3A_186[%mul3A_163] : memref<320000xi32, #tpu.memory_space<hbm>> -> memref<128xi32, #tpu.memory_space<hbm>>
    %dma_wait3A_188 = arith.constant 0 : i32
    %dma_wait3A_189 = tpu.memref_slice %arg10[%dma_wait3A_180, %dma_wait3A_188] : memref<4x128xi32, #tpu.memory_space<vmem>> -> memref<1x128xi32, #tpu.memory_space<vmem>>
    %dma_wait3A_190 = tpu.memref_squeeze %dma_wait3A_189 : memref<1x128xi32, #tpu.memory_space<vmem>> -> memref<128xi32, #tpu.memory_space<vmem>>
    %dma_wait3A_191 = arith.constant 0 : i32
    %dma_wait3A_192 = tpu.memref_slice %arg3[%dma_wait3A_179, %dma_wait3A_191] : memref<2x320000xi32, #tpu.memory_space<hbm>> -> memref<1x320000xi32, #tpu.memory_space<hbm>>
    %dma_wait3A_193 = tpu.memref_squeeze %dma_wait3A_192 : memref<1x320000xi32, #tpu.memory_space<hbm>> -> memref<320000xi32, #tpu.memory_space<hbm>>
    %dma_wait3A_194 = tpu.memref_slice %dma_wait3A_193[%mul3A_163] : memref<320000xi32, #tpu.memory_space<hbm>> -> memref<128xi32, #tpu.memory_space<hbm>>
    tpu.wait_dma2 semaphore(%arg15 : memref<!tpu.dma_semaphore, #tpu.memory_space<semaphore_mem>>) src(%dma_wait3A_194 : memref<128xi32, #tpu.memory_space<hbm>>) dst(%dma_wait3A_190 : memref<128xi32, #tpu.memory_space<vmem>>)
    %dma_start3A_195 = arith.constant 0 : i32
    %dma_start3A_196 = arith.constant 0 : i32
    %dma_start3A_197 = arith.constant 0 : i32
    %dma_start3A_198 = arith.constant 0 : i32
    %dma_start3A_199 = tpu.memref_slice %arg11[%dma_start3A_196, %dma_start3A_197, %dma_start3A_198] : memref<2x128x128xf32, #tpu.memory_space<vmem>> -> memref<1x128x128xf32, #tpu.memory_space<vmem>>
    %dma_start3A_200 = tpu.memref_squeeze %dma_start3A_199 : memref<1x128x128xf32, #tpu.memory_space<vmem>> -> memref<128x128xf32, #tpu.memory_space<vmem>>
    %dma_start3A_201 = arith.constant 0 : i32
    %dma_start3A_202 = tpu.memref_slice %arg9[%dma_start3A_195, %dma_start3A_201] : memref<4x128xi32, #tpu.memory_space<vmem>> -> memref<1x128xi32, #tpu.memory_space<vmem>>
    %dma_start3A_203 = tpu.memref_squeeze %dma_start3A_202 : memref<1x128xi32, #tpu.memory_space<vmem>> -> memref<128xi32, #tpu.memory_space<vmem>>
    %dma_start3A_204 = arith.constant 0 : i32
    %dma_start3A_205 = arith.constant 0 : i32
    %dma_start3A_206 = tpu.memref_slice %arg2[%dma_start3A_204, %dma_start3A_205] : memref<10000x128xf32, #tpu.memory_space<hbm>> -> memref<10000x128xf32, #tpu.memory_space<hbm>>
    tpu.enqueue_indirect_dma source(%dma_start3A_206 : memref<10000x128xf32, #tpu.memory_space<hbm>>) target(%dma_start3A_200 : memref<128x128xf32, #tpu.memory_space<vmem>>) offsets(%dma_start3A_203 : memref<128xi32, #tpu.memory_space<vmem>>) semaphore(%arg19 : memref<!tpu.dma_semaphore, #tpu.memory_space<semaphore_mem>>)
    %add3A_207 = arith.constant 3 : i32
    %add3A_208 = arith.addi %add3A_4, %add3A_207 : i32
    %jit3A_209 = arith.constant 4 : i32
    %div3A = arith.divsi %add3A_208, %jit3A_209 : i32
    %sign3A = arith.constant 0 : i32
    %sign3A_210 = arith.cmpi sgt, %add3A_208, %sign3A : i32
    %sign3A_211 = arith.extui %sign3A_210 : i1 to i32
    %sign3A_212 = arith.constant 0 : i32
    %sign3A_213 = arith.cmpi slt, %add3A_208, %sign3A_212 : i32
    %sign3A_214 = arith.extui %sign3A_213 : i1 to i32
    %sign3A_215 = arith.subi %sign3A_211, %sign3A_214 : i32
    %sign3A_216 = arith.constant 0 : i32
    %sign3A_217 = arith.cmpi sgt, %jit3A_209, %sign3A_216 : i32
    %sign3A_218 = arith.extui %sign3A_217 : i1 to i32
    %sign3A_219 = arith.constant 0 : i32
    %sign3A_220 = arith.cmpi slt, %jit3A_209, %sign3A_219 : i32
    %sign3A_221 = arith.extui %sign3A_220 : i1 to i32
    %sign3A_222 = arith.subi %sign3A_218, %sign3A_221 : i32
    %ne3A = arith.cmpi ne, %sign3A_215, %sign3A_222 : i32
    %rem3A = arith.remsi %add3A_208, %jit3A_209 : i32
    %ne3A_223 = arith.constant 0 : i32
    %ne3A_224 = arith.cmpi ne, %rem3A, %ne3A_223 : i32
    %and3A = arith.andi %ne3A, %ne3A_224 : i1
    %sub3A = arith.constant 1 : i32
    %sub3A_225 = arith.subi %div3A, %sub3A : i32
    %select_n3A_226 = arith.select %and3A, %sub3A_225, %div3A : i32
    %while3A = arith.constant 0 : i32
    %while3A_227 = arith.constant 0 : i32
    %while3A_228 = arith.subi %select_n3A_226, %while3A_227 : i32
    %while3A_229 = arith.addi %while3A_227, %while3A_228 : i32
    %while3A_230 = arith.constant 1 : i32
    %while3A_231 = arith.divsi %while3A_228, %while3A_230 : i32
    %while3A_232 = arith.muli %while3A_231, %while3A_230 : i32
    %while3A_233 = arith.addi %while3A_227, %while3A_232 : i32
    %while3A_234 = arith.constant 1 : i32
    scf.for %while3A_270 = %while3A_227 to %while3A_233 step %while3A_234  : i32 {
      %mul3A_271 = arith.constant 4 : i32
      %mul3A_272 = arith.muli %while3A_270, %mul3A_271 : i32
      %dma_wait3A_273 = arith.constant 0 : i32
      %dma_wait3A_274 = arith.constant 0 : i32
      %dma_wait3A_275 = arith.constant 0 : i32
      %dma_wait3A_276 = arith.constant 0 : i32
      %dma_wait3A_277 = tpu.memref_slice %arg11[%dma_wait3A_274, %dma_wait3A_275, %dma_wait3A_276] : memref<2x128x128xf32, #tpu.memory_space<vmem>> -> memref<1x128x128xf32, #tpu.memory_space<vmem>>
      %dma_wait3A_278 = tpu.memref_squeeze %dma_wait3A_277 : memref<1x128x128xf32, #tpu.memory_space<vmem>> -> memref<128x128xf32, #tpu.memory_space<vmem>>
      %dma_wait3A_279 = arith.constant 0 : i32
      %dma_wait3A_280 = tpu.memref_slice %arg9[%dma_wait3A_273, %dma_wait3A_279] : memref<4x128xi32, #tpu.memory_space<vmem>> -> memref<1x128xi32, #tpu.memory_space<vmem>>
      %dma_wait3A_281 = tpu.memref_squeeze %dma_wait3A_280 : memref<1x128xi32, #tpu.memory_space<vmem>> -> memref<128xi32, #tpu.memory_space<vmem>>
      %dma_wait3A_282 = arith.constant 0 : i32
      %dma_wait3A_283 = arith.constant 0 : i32
      %dma_wait3A_284 = tpu.memref_slice %arg2[%dma_wait3A_282, %dma_wait3A_283] : memref<10000x128xf32, #tpu.memory_space<hbm>> -> memref<10000x128xf32, #tpu.memory_space<hbm>>
      tpu.wait_indirect_dma semaphore(%arg19 : memref<!tpu.dma_semaphore, #tpu.memory_space<semaphore_mem>>) src(%dma_wait3A_284 : memref<10000x128xf32, #tpu.memory_space<hbm>>) dst(%dma_wait3A_278 : memref<128x128xf32, #tpu.memory_space<vmem>>)
      %ge3A = arith.constant 1 : i32
      %ge3A_285 = arith.cmpi sge, %mul3A_272, %ge3A : i32
      %convert_element_type3A_286 = arith.extui %ge3A_285 : i1 to i32
      %cond3A_287 = arith.constant 0 : i32
      %cond3A_288 = arith.cmpi ne, %convert_element_type3A_286, %cond3A_287 : i32
      scf.if %cond3A_288 {
        %dma_wait3A_341 = arith.constant 1 : i32
        %dma_wait3A_342 = arith.constant 0 : i32
        %dma_wait3A_343 = arith.constant 0 : i32
        %dma_wait3A_344 = arith.constant 0 : i32
        %dma_wait3A_345 = tpu.memref_slice %arg11[%dma_wait3A_341, %dma_wait3A_343, %dma_wait3A_344] : memref<2x128x128xf32, #tpu.memory_space<vmem>> -> memref<1x128x128xf32, #tpu.memory_space<vmem>>
        %dma_wait3A_346 = tpu.memref_squeeze %dma_wait3A_345 : memref<1x128x128xf32, #tpu.memory_space<vmem>> -> memref<128x128xf32, #tpu.memory_space<vmem>>
        %dma_wait3A_347 = arith.constant 0 : i32
        %dma_wait3A_348 = tpu.memref_slice %arg10[%dma_wait3A_342, %dma_wait3A_347] : memref<4x128xi32, #tpu.memory_space<vmem>> -> memref<1x128xi32, #tpu.memory_space<vmem>>
        %dma_wait3A_349 = tpu.memref_squeeze %dma_wait3A_348 : memref<1x128xi32, #tpu.memory_space<vmem>> -> memref<128xi32, #tpu.memory_space<vmem>>
        %dma_wait3A_350 = arith.constant 0 : i32
        %dma_wait3A_351 = arith.constant 0 : i32
        %dma_wait3A_352 = tpu.memref_slice %arg13[%dma_wait3A_350, %dma_wait3A_351] : memref<10112x128xf32, #tpu.memory_space<vmem_shared>> -> memref<10112x128xf32, #tpu.memory_space<vmem_shared>>
        tpu.wait_indirect_dma semaphore(%arg22 : memref<!tpu.dma_semaphore, #tpu.memory_space<semaphore_mem>>) src(%dma_wait3A_346 : memref<128x128xf32, #tpu.memory_space<vmem>>) dst(%dma_wait3A_352 : memref<10112x128xf32, #tpu.memory_space<vmem_shared>>)
        %dma_wait3A_353 = arith.constant 0 : i32
        %dma_wait3A_354 = arith.constant 0 : i32
        %dma_wait3A_355 = tpu.memref_slice %arg10[%dma_wait3A_353, %dma_wait3A_354] : memref<4x128xi32, #tpu.memory_space<vmem>> -> memref<1x128xi32, #tpu.memory_space<vmem>>
        %dma_wait3A_356 = tpu.memref_squeeze %dma_wait3A_355 : memref<1x128xi32, #tpu.memory_space<vmem>> -> memref<128xi32, #tpu.memory_space<vmem>>
        %dma_wait3A_357 = arith.constant 0 : i32
        %dma_wait3A_358 = arith.constant 0 : i32
        %dma_wait3A_359 = tpu.memref_slice %arg14[%dma_wait3A_357, %dma_wait3A_358] : memref<10112x16xf32, #tpu.memory_space<vmem_shared>> -> memref<10112x16xf32, #tpu.memory_space<vmem_shared>>
        tpu.wait_indirect_dma semaphore(%arg24 : memref<!tpu.dma_semaphore, #tpu.memory_space<semaphore_mem>>) src(%arg12 : memref<128x16xf32, #tpu.memory_space<vmem>>) dst(%dma_wait3A_359 : memref<10112x16xf32, #tpu.memory_space<vmem_shared>>)
      } else {
      }
      %add3A_289 = arith.constant 1 : i32
      %add3A_290 = arith.addi %mul3A_272, %add3A_289 : i32
      %lt3A_291 = arith.cmpi slt, %add3A_290, %add3A_4 : i32
      %convert_element_type3A_292 = arith.extui %lt3A_291 : i1 to i32
      %cond3A_293 = arith.constant 0 : i32
      %cond3A_294 = arith.cmpi ne, %convert_element_type3A_292, %cond3A_293 : i32
      scf.if %cond3A_294 {
        %add3A_341 = arith.constant 1 : i32
        %add3A_342 = arith.addi %mul3A_272, %add3A_341 : i32
        %add3A_343 = arith.addi %add3A_8, %add3A_342 : i32
        %mul3A_344 = arith.constant 128 : i32
        %mul3A_345 = arith.muli %add3A_343, %mul3A_344 : i32
        %dma_wait3A_346 = arith.constant 0 : i32
        %dma_wait3A_347 = arith.constant 1 : i32
        %dma_wait3A_348 = arith.constant 0 : i32
        %dma_wait3A_349 = tpu.memref_slice %arg9[%dma_wait3A_347, %dma_wait3A_348] : memref<4x128xi32, #tpu.memory_space<vmem>> -> memref<1x128xi32, #tpu.memory_space<vmem>>
        %dma_wait3A_350 = tpu.memref_squeeze %dma_wait3A_349 : memref<1x128xi32, #tpu.memory_space<vmem>> -> memref<128xi32, #tpu.memory_space<vmem>>
        %dma_wait3A_351 = arith.constant 0 : i32
        %dma_wait3A_352 = tpu.memref_slice %arg3[%dma_wait3A_346, %dma_wait3A_351] : memref<2x320000xi32, #tpu.memory_space<hbm>> -> memref<1x320000xi32, #tpu.memory_space<hbm>>
        %dma_wait3A_353 = tpu.memref_squeeze %dma_wait3A_352 : memref<1x320000xi32, #tpu.memory_space<hbm>> -> memref<320000xi32, #tpu.memory_space<hbm>>
        %dma_wait3A_354 = tpu.memref_slice %dma_wait3A_353[%mul3A_345] : memref<320000xi32, #tpu.memory_space<hbm>> -> memref<128xi32, #tpu.memory_space<hbm>>
        %dma_wait3A_355 = arith.constant 0 : i32
        %dma_wait3A_356 = tpu.memref_slice %arg9[%dma_wait3A_347, %dma_wait3A_355] : memref<4x128xi32, #tpu.memory_space<vmem>> -> memref<1x128xi32, #tpu.memory_space<vmem>>
        %dma_wait3A_357 = tpu.memref_squeeze %dma_wait3A_356 : memref<1x128xi32, #tpu.memory_space<vmem>> -> memref<128xi32, #tpu.memory_space<vmem>>
        %dma_wait3A_358 = arith.constant 0 : i32
        %dma_wait3A_359 = tpu.memref_slice %arg3[%dma_wait3A_346, %dma_wait3A_358] : memref<2x320000xi32, #tpu.memory_space<hbm>> -> memref<1x320000xi32, #tpu.memory_space<hbm>>
        %dma_wait3A_360 = tpu.memref_squeeze %dma_wait3A_359 : memref<1x320000xi32, #tpu.memory_space<hbm>> -> memref<320000xi32, #tpu.memory_space<hbm>>
        %dma_wait3A_361 = tpu.memref_slice %dma_wait3A_360[%mul3A_345] : memref<320000xi32, #tpu.memory_space<hbm>> -> memref<128xi32, #tpu.memory_space<hbm>>
        tpu.wait_dma2 semaphore(%arg16 : memref<!tpu.dma_semaphore, #tpu.memory_space<semaphore_mem>>) src(%dma_wait3A_361 : memref<128xi32, #tpu.memory_space<hbm>>) dst(%dma_wait3A_357 : memref<128xi32, #tpu.memory_space<vmem>>)
        %dma_wait3A_362 = arith.constant 1 : i32
        %dma_wait3A_363 = arith.constant 1 : i32
        %dma_wait3A_364 = arith.constant 0 : i32
        %dma_wait3A_365 = tpu.memref_slice %arg10[%dma_wait3A_363, %dma_wait3A_364] : memref<4x128xi32, #tpu.memory_space<vmem>> -> memref<1x128xi32, #tpu.memory_space<vmem>>
        %dma_wait3A_366 = tpu.memref_squeeze %dma_wait3A_365 : memref<1x128xi32, #tpu.memory_space<vmem>> -> memref<128xi32, #tpu.memory_space<vmem>>
        %dma_wait3A_367 = arith.constant 0 : i32
        %dma_wait3A_368 = tpu.memref_slice %arg3[%dma_wait3A_362, %dma_wait3A_367] : memref<2x320000xi32, #tpu.memory_space<hbm>> -> memref<1x320000xi32, #tpu.memory_space<hbm>>
        %dma_wait3A_369 = tpu.memref_squeeze %dma_wait3A_368 : memref<1x320000xi32, #tpu.memory_space<hbm>> -> memref<320000xi32, #tpu.memory_space<hbm>>
        %dma_wait3A_370 = tpu.memref_slice %dma_wait3A_369[%mul3A_345] : memref<320000xi32, #tpu.memory_space<hbm>> -> memref<128xi32, #tpu.memory_space<hbm>>
        %dma_wait3A_371 = arith.constant 0 : i32
        %dma_wait3A_372 = tpu.memref_slice %arg10[%dma_wait3A_363, %dma_wait3A_371] : memref<4x128xi32, #tpu.memory_space<vmem>> -> memref<1x128xi32, #tpu.memory_space<vmem>>
        %dma_wait3A_373 = tpu.memref_squeeze %dma_wait3A_372 : memref<1x128xi32, #tpu.memory_space<vmem>> -> memref<128xi32, #tpu.memory_space<vmem>>
        %dma_wait3A_374 = arith.constant 0 : i32
        %dma_wait3A_375 = tpu.memref_slice %arg3[%dma_wait3A_362, %dma_wait3A_374] : memref<2x320000xi32, #tpu.memory_space<hbm>> -> memref<1x320000xi32, #tpu.memory_space<hbm>>
        %dma_wait3A_376 = tpu.memref_squeeze %dma_wait3A_375 : memref<1x320000xi32, #tpu.memory_space<hbm>> -> memref<320000xi32, #tpu.memory_space<hbm>>
        %dma_wait3A_377 = tpu.memref_slice %dma_wait3A_376[%mul3A_345] : memref<320000xi32, #tpu.memory_space<hbm>> -> memref<128xi32, #tpu.memory_space<hbm>>
        tpu.wait_dma2 semaphore(%arg16 : memref<!tpu.dma_semaphore, #tpu.memory_space<semaphore_mem>>) src(%dma_wait3A_377 : memref<128xi32, #tpu.memory_space<hbm>>) dst(%dma_wait3A_373 : memref<128xi32, #tpu.memory_space<vmem>>)
        %dma_start3A_378 = arith.constant 1 : i32
        %dma_start3A_379 = arith.constant 1 : i32
        %dma_start3A_380 = arith.constant 0 : i32
        %dma_start3A_381 = arith.constant 0 : i32
        %dma_start3A_382 = tpu.memref_slice %arg11[%dma_start3A_379, %dma_start3A_380, %dma_start3A_381] : memref<2x128x128xf32, #tpu.memory_space<vmem>> -> memref<1x128x128xf32, #tpu.memory_space<vmem>>
        %dma_start3A_383 = tpu.memref_squeeze %dma_start3A_382 : memref<1x128x128xf32, #tpu.memory_space<vmem>> -> memref<128x128xf32, #tpu.memory_space<vmem>>
        %dma_start3A_384 = arith.constant 0 : i32
        %dma_start3A_385 = tpu.memref_slice %arg9[%dma_start3A_378, %dma_start3A_384] : memref<4x128xi32, #tpu.memory_space<vmem>> -> memref<1x128xi32, #tpu.memory_space<vmem>>
        %dma_start3A_386 = tpu.memref_squeeze %dma_start3A_385 : memref<1x128xi32, #tpu.memory_space<vmem>> -> memref<128xi32, #tpu.memory_space<vmem>>
        %dma_start3A_387 = arith.constant 0 : i32
        %dma_start3A_388 = arith.constant 0 : i32
        %dma_start3A_389 = tpu.memref_slice %arg2[%dma_start3A_387, %dma_start3A_388] : memref<10000x128xf32, #tpu.memory_space<hbm>> -> memref<10000x128xf32, #tpu.memory_space<hbm>>
        tpu.enqueue_indirect_dma source(%dma_start3A_389 : memref<10000x128xf32, #tpu.memory_space<hbm>>) target(%dma_start3A_383 : memref<128x128xf32, #tpu.memory_space<vmem>>) offsets(%dma_start3A_386 : memref<128xi32, #tpu.memory_space<vmem>>) semaphore(%arg20 : memref<!tpu.dma_semaphore, #tpu.memory_space<semaphore_mem>>)
      } else {
      }
      %dma_start3A_295 = arith.constant 0 : i32
      %dma_start3A_296 = arith.constant 0 : i32
      %dma_start3A_297 = arith.constant 0 : i32
      %dma_start3A_298 = arith.constant 0 : i32
      %dma_start3A_299 = tpu.memref_slice %arg11[%dma_start3A_295, %dma_start3A_297, %dma_start3A_298] : memref<2x128x128xf32, #tpu.memory_space<vmem>> -> memref<1x128x128xf32, #tpu.memory_space<vmem>>
      %dma_start3A_300 = tpu.memref_squeeze %dma_start3A_299 : memref<1x128x128xf32, #tpu.memory_space<vmem>> -> memref<128x128xf32, #tpu.memory_space<vmem>>
      %dma_start3A_301 = arith.constant 0 : i32
      %dma_start3A_302 = tpu.memref_slice %arg10[%dma_start3A_296, %dma_start3A_301] : memref<4x128xi32, #tpu.memory_space<vmem>> -> memref<1x128xi32, #tpu.memory_space<vmem>>
      %dma_start3A_303 = tpu.memref_squeeze %dma_start3A_302 : memref<1x128xi32, #tpu.memory_space<vmem>> -> memref<128xi32, #tpu.memory_space<vmem>>
      %dma_start3A_304 = arith.constant 0 : i32
      %dma_start3A_305 = arith.constant 0 : i32
      %dma_start3A_306 = tpu.memref_slice %arg13[%dma_start3A_304, %dma_start3A_305] : memref<10112x128xf32, #tpu.memory_space<vmem_shared>> -> memref<10112x128xf32, #tpu.memory_space<vmem_shared>>
      tpu.enqueue_indirect_dma source(%dma_start3A_300 : memref<128x128xf32, #tpu.memory_space<vmem>>) target(%dma_start3A_306 : memref<10112x128xf32, #tpu.memory_space<vmem_shared>>) offsets(%dma_start3A_303 : memref<128xi32, #tpu.memory_space<vmem>>) semaphore(%arg21 : memref<!tpu.dma_semaphore, #tpu.memory_space<semaphore_mem>>) {add = true}
      %dma_start3A_307 = arith.constant 0 : i32
      %dma_start3A_308 = arith.constant 0 : i32
      %dma_start3A_309 = tpu.memref_slice %arg10[%dma_start3A_307, %dma_start3A_308] : memref<4x128xi32, #tpu.memory_space<vmem>> -> memref<1x128xi32, #tpu.memory_space<vmem>>
      %dma_start3A_310 = tpu.memref_squeeze %dma_start3A_309 : memref<1x128xi32, #tpu.memory_space<vmem>> -> memref<128xi32, #tpu.memory_space<vmem>>
      %dma_start3A_311 = arith.constant 0 : i32
      %dma_start3A_312 = arith.constant 0 : i32
      %dma_start3A_313 = tpu.memref_slice %arg14[%dma_start3A_311, %dma_start3A_312] : memref<10112x16xf32, #tpu.memory_space<vmem_shared>> -> memref<10112x16xf32, #tpu.memory_space<vmem_shared>>
      tpu.enqueue_indirect_dma source(%arg12 : memref<128x16xf32, #tpu.memory_space<vmem>>) target(%dma_start3A_313 : memref<10112x16xf32, #tpu.memory_space<vmem_shared>>) offsets(%dma_start3A_310 : memref<128xi32, #tpu.memory_space<vmem>>) semaphore(%arg23 : memref<!tpu.dma_semaphore, #tpu.memory_space<semaphore_mem>>) {add = true}
      %add3A_314 = arith.constant 3 : i32
      %add3A_315 = arith.addi %mul3A_272, %add3A_314 : i32
      %lt3A_316 = arith.cmpi slt, %add3A_315, %add3A_4 : i32
      %ge3A_317 = arith.constant 1 : i32
      %ge3A_318 = arith.cmpi sge, %mul3A_272, %ge3A_317 : i32
      %and3A_319 = arith.andi %lt3A_316, %ge3A_318 : i1
      %convert_element_type3A_320 = arith.extui %and3A_319 : i1 to i32
      %cond3A_321 = arith.constant 0 : i32
      %cond3A_322 = arith.cmpi ne, %convert_element_type3A_320, %cond3A_321 : i32
      scf.if %cond3A_322 {
        %add3A_341 = arith.constant 3 : i32
        %add3A_342 = arith.addi %mul3A_272, %add3A_341 : i32
        %add3A_343 = arith.addi %add3A_8, %add3A_342 : i32
        %mul3A_344 = arith.constant 128 : i32
        %mul3A_345 = arith.muli %add3A_343, %mul3A_344 : i32
        %dma_start3A_346 = arith.constant 0 : i32
        %dma_start3A_347 = arith.constant 3 : i32
        %dma_start3A_348 = arith.constant 0 : i32
        %dma_start3A_349 = tpu.memref_slice %arg9[%dma_start3A_347, %dma_start3A_348] : memref<4x128xi32, #tpu.memory_space<vmem>> -> memref<1x128xi32, #tpu.memory_space<vmem>>
        %dma_start3A_350 = tpu.memref_squeeze %dma_start3A_349 : memref<1x128xi32, #tpu.memory_space<vmem>> -> memref<128xi32, #tpu.memory_space<vmem>>
        %dma_start3A_351 = arith.constant 0 : i32
        %dma_start3A_352 = tpu.memref_slice %arg3[%dma_start3A_346, %dma_start3A_351] : memref<2x320000xi32, #tpu.memory_space<hbm>> -> memref<1x320000xi32, #tpu.memory_space<hbm>>
        %dma_start3A_353 = tpu.memref_squeeze %dma_start3A_352 : memref<1x320000xi32, #tpu.memory_space<hbm>> -> memref<320000xi32, #tpu.memory_space<hbm>>
        %dma_start3A_354 = tpu.memref_slice %dma_start3A_353[%mul3A_345] : memref<320000xi32, #tpu.memory_space<hbm>> -> memref<128xi32, #tpu.memory_space<hbm>>
        %dma_start3A_355 = arith.constant 0 : i32
        %dma_start3A_356 = tpu.memref_slice %arg9[%dma_start3A_347, %dma_start3A_355] : memref<4x128xi32, #tpu.memory_space<vmem>> -> memref<1x128xi32, #tpu.memory_space<vmem>>
        %dma_start3A_357 = tpu.memref_squeeze %dma_start3A_356 : memref<1x128xi32, #tpu.memory_space<vmem>> -> memref<128xi32, #tpu.memory_space<vmem>>
        %dma_start3A_358 = arith.constant 0 : i32
        %dma_start3A_359 = tpu.memref_slice %arg3[%dma_start3A_346, %dma_start3A_358] : memref<2x320000xi32, #tpu.memory_space<hbm>> -> memref<1x320000xi32, #tpu.memory_space<hbm>>
        %dma_start3A_360 = tpu.memref_squeeze %dma_start3A_359 : memref<1x320000xi32, #tpu.memory_space<hbm>> -> memref<320000xi32, #tpu.memory_space<hbm>>
        %dma_start3A_361 = tpu.memref_slice %dma_start3A_360[%mul3A_345] : memref<320000xi32, #tpu.memory_space<hbm>> -> memref<128xi32, #tpu.memory_space<hbm>>
        tpu.enqueue_dma source(%dma_start3A_361 : memref<128xi32, #tpu.memory_space<hbm>>) target(%dma_start3A_357 : memref<128xi32, #tpu.memory_space<vmem>>) target_semaphore(%arg18 : memref<!tpu.dma_semaphore, #tpu.memory_space<semaphore_mem>>)
        %dma_start3A_362 = arith.constant 1 : i32
        %dma_start3A_363 = arith.constant 3 : i32
        %dma_start3A_364 = arith.constant 0 : i32
        %dma_start3A_365 = tpu.memref_slice %arg10[%dma_start3A_363, %dma_start3A_364] : memref<4x128xi32, #tpu.memory_space<vmem>> -> memref<1x128xi32, #tpu.memory_space<vmem>>
        %dma_start3A_366 = tpu.memref_squeeze %dma_start3A_365 : memref<1x128xi32, #tpu.memory_space<vmem>> -> memref<128xi32, #tpu.memory_space<vmem>>
        %dma_start3A_367 = arith.constant 0 : i32
        %dma_start3A_368 = tpu.memref_slice %arg3[%dma_start3A_362, %dma_start3A_367] : memref<2x320000xi32, #tpu.memory_space<hbm>> -> memref<1x320000xi32, #tpu.memory_space<hbm>>
        %dma_start3A_369 = tpu.memref_squeeze %dma_start3A_368 : memref<1x320000xi32, #tpu.memory_space<hbm>> -> memref<320000xi32, #tpu.memory_space<hbm>>
        %dma_start3A_370 = tpu.memref_slice %dma_start3A_369[%mul3A_345] : memref<320000xi32, #tpu.memory_space<hbm>> -> memref<128xi32, #tpu.memory_space<hbm>>
        %dma_start3A_371 = arith.constant 0 : i32
        %dma_start3A_372 = tpu.memref_slice %arg10[%dma_start3A_363, %dma_start3A_371] : memref<4x128xi32, #tpu.memory_space<vmem>> -> memref<1x128xi32, #tpu.memory_space<vmem>>
        %dma_start3A_373 = tpu.memref_squeeze %dma_start3A_372 : memref<1x128xi32, #tpu.memory_space<vmem>> -> memref<128xi32, #tpu.memory_space<vmem>>
        %dma_start3A_374 = arith.constant 0 : i32
        %dma_start3A_375 = tpu.memref_slice %arg3[%dma_start3A_362, %dma_start3A_374] : memref<2x320000xi32, #tpu.memory_space<hbm>> -> memref<1x320000xi32, #tpu.memory_space<hbm>>
        %dma_start3A_376 = tpu.memref_squeeze %dma_start3A_375 : memref<1x320000xi32, #tpu.memory_space<hbm>> -> memref<320000xi32, #tpu.memory_space<hbm>>
        %dma_start3A_377 = tpu.memref_slice %dma_start3A_376[%mul3A_345] : memref<320000xi32, #tpu.memory_space<hbm>> -> memref<128xi32, #tpu.memory_space<hbm>>
        tpu.enqueue_dma source(%dma_start3A_377 : memref<128xi32, #tpu.memory_space<hbm>>) target(%dma_start3A_373 : memref<128xi32, #tpu.memory_space<vmem>>) target_semaphore(%arg18 : memref<!tpu.dma_semaphore, #tpu.memory_space<semaphore_mem>>)
      } else {
      }
      %add3A_323 = arith.constant 1 : i32
      %add3A_324 = arith.addi %mul3A_272, %add3A_323 : i32
      %lt3A_325 = arith.cmpi slt, %add3A_324, %add3A_4 : i32
      %convert_element_type3A_326 = arith.extui %lt3A_325 : i1 to i32
      %cond3A_327 = arith.constant 0 : i32
      %cond3A_328 = arith.cmpi ne, %convert_element_type3A_326, %cond3A_327 : i32
      scf.if %cond3A_328 {
        %add3A_341 = arith.constant 1 : i32
        %add3A_342 = arith.addi %mul3A_272, %add3A_341 : i32
        %dma_wait3A_343 = arith.constant 1 : i32
        %dma_wait3A_344 = arith.constant 1 : i32
        %dma_wait3A_345 = arith.constant 0 : i32
        %dma_wait3A_346 = arith.constant 0 : i32
        %dma_wait3A_347 = tpu.memref_slice %arg11[%dma_wait3A_344, %dma_wait3A_345, %dma_wait3A_346] : memref<2x128x128xf32, #tpu.memory_space<vmem>> -> memref<1x128x128xf32, #tpu.memory_space<vmem>>
        %dma_wait3A_348 = tpu.memref_squeeze %dma_wait3A_347 : memref<1x128x128xf32, #tpu.memory_space<vmem>> -> memref<128x128xf32, #tpu.memory_space<vmem>>
        %dma_wait3A_349 = arith.constant 0 : i32
        %dma_wait3A_350 = tpu.memref_slice %arg9[%dma_wait3A_343, %dma_wait3A_349] : memref<4x128xi32, #tpu.memory_space<vmem>> -> memref<1x128xi32, #tpu.memory_space<vmem>>
        %dma_wait3A_351 = tpu.memref_squeeze %dma_wait3A_350 : memref<1x128xi32, #tpu.memory_space<vmem>> -> memref<128xi32, #tpu.memory_space<vmem>>
        %dma_wait3A_352 = arith.constant 0 : i32
        %dma_wait3A_353 = arith.constant 0 : i32
        %dma_wait3A_354 = tpu.memref_slice %arg2[%dma_wait3A_352, %dma_wait3A_353] : memref<10000x128xf32, #tpu.memory_space<hbm>> -> memref<10000x128xf32, #tpu.memory_space<hbm>>
        tpu.wait_indirect_dma semaphore(%arg20 : memref<!tpu.dma_semaphore, #tpu.memory_space<semaphore_mem>>) src(%dma_wait3A_354 : memref<10000x128xf32, #tpu.memory_space<hbm>>) dst(%dma_wait3A_348 : memref<128x128xf32, #tpu.memory_space<vmem>>)
        %ge3A_355 = arith.constant 1 : i32
        %ge3A_356 = arith.cmpi sge, %add3A_342, %ge3A_355 : i32
        %convert_element_type3A_357 = arith.extui %ge3A_356 : i1 to i32
        %cond3A_358 = arith.constant 0 : i32
        %cond3A_359 = arith.cmpi ne, %convert_element_type3A_357, %cond3A_358 : i32
        scf.if %cond3A_359 {
          %dma_wait3A_394 = arith.constant 0 : i32
          %dma_wait3A_395 = arith.constant 0 : i32
          %dma_wait3A_396 = arith.constant 0 : i32
          %dma_wait3A_397 = arith.constant 0 : i32
          %dma_wait3A_398 = tpu.memref_slice %arg11[%dma_wait3A_394, %dma_wait3A_396, %dma_wait3A_397] : memref<2x128x128xf32, #tpu.memory_space<vmem>> -> memref<1x128x128xf32, #tpu.memory_space<vmem>>
          %dma_wait3A_399 = tpu.memref_squeeze %dma_wait3A_398 : memref<1x128x128xf32, #tpu.memory_space<vmem>> -> memref<128x128xf32, #tpu.memory_space<vmem>>
          %dma_wait3A_400 = arith.constant 0 : i32
          %dma_wait3A_401 = tpu.memref_slice %arg10[%dma_wait3A_395, %dma_wait3A_400] : memref<4x128xi32, #tpu.memory_space<vmem>> -> memref<1x128xi32, #tpu.memory_space<vmem>>
          %dma_wait3A_402 = tpu.memref_squeeze %dma_wait3A_401 : memref<1x128xi32, #tpu.memory_space<vmem>> -> memref<128xi32, #tpu.memory_space<vmem>>
          %dma_wait3A_403 = arith.constant 0 : i32
          %dma_wait3A_404 = arith.constant 0 : i32
          %dma_wait3A_405 = tpu.memref_slice %arg13[%dma_wait3A_403, %dma_wait3A_404] : memref<10112x128xf32, #tpu.memory_space<vmem_shared>> -> memref<10112x128xf32, #tpu.memory_space<vmem_shared>>
          tpu.wait_indirect_dma semaphore(%arg21 : memref<!tpu.dma_semaphore, #tpu.memory_space<semaphore_mem>>) src(%dma_wait3A_399 : memref<128x128xf32, #tpu.memory_space<vmem>>) dst(%dma_wait3A_405 : memref<10112x128xf32, #tpu.memory_space<vmem_shared>>)
          %dma_wait3A_406 = arith.constant 0 : i32
          %dma_wait3A_407 = arith.constant 0 : i32
          %dma_wait3A_408 = tpu.memref_slice %arg10[%dma_wait3A_406, %dma_wait3A_407] : memref<4x128xi32, #tpu.memory_space<vmem>> -> memref<1x128xi32, #tpu.memory_space<vmem>>
          %dma_wait3A_409 = tpu.memref_squeeze %dma_wait3A_408 : memref<1x128xi32, #tpu.memory_space<vmem>> -> memref<128xi32, #tpu.memory_space<vmem>>
          %dma_wait3A_410 = arith.constant 0 : i32
          %dma_wait3A_411 = arith.constant 0 : i32
          %dma_wait3A_412 = tpu.memref_slice %arg14[%dma_wait3A_410, %dma_wait3A_411] : memref<10112x16xf32, #tpu.memory_space<vmem_shared>> -> memref<10112x16xf32, #tpu.memory_space<vmem_shared>>
          tpu.wait_indirect_dma semaphore(%arg23 : memref<!tpu.dma_semaphore, #tpu.memory_space<semaphore_mem>>) src(%arg12 : memref<128x16xf32, #tpu.memory_space<vmem>>) dst(%dma_wait3A_412 : memref<10112x16xf32, #tpu.memory_space<vmem_shared>>)
        } else {
        }
        %add3A_360 = arith.constant 1 : i32
        %add3A_361 = arith.addi %add3A_342, %add3A_360 : i32
        %lt3A_362 = arith.cmpi slt, %add3A_361, %add3A_4 : i32
        %convert_element_type3A_363 = arith.extui %lt3A_362 : i1 to i32
        %cond3A_364 = arith.constant 0 : i32
        %cond3A_365 = arith.cmpi ne, %convert_element_type3A_363, %cond3A_364 : i32
        scf.if %cond3A_365 {
          %add3A_394 = arith.constant 1 : i32
          %add3A_395 = arith.addi %add3A_342, %add3A_394 : i32
          %add3A_396 = arith.addi %add3A_8, %add3A_395 : i32
          %mul3A_397 = arith.constant 128 : i32
          %mul3A_398 = arith.muli %add3A_396, %mul3A_397 : i32
          %dma_wait3A_399 = arith.constant 0 : i32
          %dma_wait3A_400 = arith.constant 2 : i32
          %dma_wait3A_401 = arith.constant 0 : i32
          %dma_wait3A_402 = tpu.memref_slice %arg9[%dma_wait3A_400, %dma_wait3A_401] : memref<4x128xi32, #tpu.memory_space<vmem>> -> memref<1x128xi32, #tpu.memory_space<vmem>>
          %dma_wait3A_403 = tpu.memref_squeeze %dma_wait3A_402 : memref<1x128xi32, #tpu.memory_space<vmem>> -> memref<128xi32, #tpu.memory_space<vmem>>
          %dma_wait3A_404 = arith.constant 0 : i32
          %dma_wait3A_405 = tpu.memref_slice %arg3[%dma_wait3A_399, %dma_wait3A_404] : memref<2x320000xi32, #tpu.memory_space<hbm>> -> memref<1x320000xi32, #tpu.memory_space<hbm>>
          %dma_wait3A_406 = tpu.memref_squeeze %dma_wait3A_405 : memref<1x320000xi32, #tpu.memory_space<hbm>> -> memref<320000xi32, #tpu.memory_space<hbm>>
          %dma_wait3A_407 = tpu.memref_slice %dma_wait3A_406[%mul3A_398] : memref<320000xi32, #tpu.memory_space<hbm>> -> memref<128xi32, #tpu.memory_space<hbm>>
          %dma_wait3A_408 = arith.constant 0 : i32
          %dma_wait3A_409 = tpu.memref_slice %arg9[%dma_wait3A_400, %dma_wait3A_408] : memref<4x128xi32, #tpu.memory_space<vmem>> -> memref<1x128xi32, #tpu.memory_space<vmem>>
          %dma_wait3A_410 = tpu.memref_squeeze %dma_wait3A_409 : memref<1x128xi32, #tpu.memory_space<vmem>> -> memref<128xi32, #tpu.memory_space<vmem>>
          %dma_wait3A_411 = arith.constant 0 : i32
          %dma_wait3A_412 = tpu.memref_slice %arg3[%dma_wait3A_399, %dma_wait3A_411] : memref<2x320000xi32, #tpu.memory_space<hbm>> -> memref<1x320000xi32, #tpu.memory_space<hbm>>
          %dma_wait3A_413 = tpu.memref_squeeze %dma_wait3A_412 : memref<1x320000xi32, #tpu.memory_space<hbm>> -> memref<320000xi32, #tpu.memory_space<hbm>>
          %dma_wait3A_414 = tpu.memref_slice %dma_wait3A_413[%mul3A_398] : memref<320000xi32, #tpu.memory_space<hbm>> -> memref<128xi32, #tpu.memory_space<hbm>>
          tpu.wait_dma2 semaphore(%arg17 : memref<!tpu.dma_semaphore, #tpu.memory_space<semaphore_mem>>) src(%dma_wait3A_414 : memref<128xi32, #tpu.memory_space<hbm>>) dst(%dma_wait3A_410 : memref<128xi32, #tpu.memory_space<vmem>>)
          %dma_wait3A_415 = arith.constant 1 : i32
          %dma_wait3A_416 = arith.constant 2 : i32
          %dma_wait3A_417 = arith.constant 0 : i32
          %dma_wait3A_418 = tpu.memref_slice %arg10[%dma_wait3A_416, %dma_wait3A_417] : memref<4x128xi32, #tpu.memory_space<vmem>> -> memref<1x128xi32, #tpu.memory_space<vmem>>
          %dma_wait3A_419 = tpu.memref_squeeze %dma_wait3A_418 : memref<1x128xi32, #tpu.memory_space<vmem>> -> memref<128xi32, #tpu.memory_space<vmem>>
          %dma_wait3A_420 = arith.constant 0 : i32
          %dma_wait3A_421 = tpu.memref_slice %arg3[%dma_wait3A_415, %dma_wait3A_420] : memref<2x320000xi32, #tpu.memory_space<hbm>> -> memref<1x320000xi32, #tpu.memory_space<hbm>>
          %dma_wait3A_422 = tpu.memref_squeeze %dma_wait3A_421 : memref<1x320000xi32, #tpu.memory_space<hbm>> -> memref<320000xi32, #tpu.memory_space<hbm>>
          %dma_wait3A_423 = tpu.memref_slice %dma_wait3A_422[%mul3A_398] : memref<320000xi32, #tpu.memory_space<hbm>> -> memref<128xi32, #tpu.memory_space<hbm>>
          %dma_wait3A_424 = arith.constant 0 : i32
          %dma_wait3A_425 = tpu.memref_slice %arg10[%dma_wait3A_416, %dma_wait3A_424] : memref<4x128xi32, #tpu.memory_space<vmem>> -> memref<1x128xi32, #tpu.memory_space<vmem>>
          %dma_wait3A_426 = tpu.memref_squeeze %dma_wait3A_425 : memref<1x128xi32, #tpu.memory_space<vmem>> -> memref<128xi32, #tpu.memory_space<vmem>>
          %dma_wait3A_427 = arith.constant 0 : i32
          %dma_wait3A_428 = tpu.memref_slice %arg3[%dma_wait3A_415, %dma_wait3A_427] : memref<2x320000xi32, #tpu.memory_space<hbm>> -> memref<1x320000xi32, #tpu.memory_space<hbm>>
          %dma_wait3A_429 = tpu.memref_squeeze %dma_wait3A_428 : memref<1x320000xi32, #tpu.memory_space<hbm>> -> memref<320000xi32, #tpu.memory_space<hbm>>
          %dma_wait3A_430 = tpu.memref_slice %dma_wait3A_429[%mul3A_398] : memref<320000xi32, #tpu.memory_space<hbm>> -> memref<128xi32, #tpu.memory_space<hbm>>
          tpu.wait_dma2 semaphore(%arg17 : memref<!tpu.dma_semaphore, #tpu.memory_space<semaphore_mem>>) src(%dma_wait3A_430 : memref<128xi32, #tpu.memory_space<hbm>>) dst(%dma_wait3A_426 : memref<128xi32, #tpu.memory_space<vmem>>)
          %dma_start3A_431 = arith.constant 2 : i32
          %dma_start3A_432 = arith.constant 0 : i32
          %dma_start3A_433 = arith.constant 0 : i32
          %dma_start3A_434 = arith.constant 0 : i32
          %dma_start3A_435 = tpu.memref_slice %arg11[%dma_start3A_432, %dma_start3A_433, %dma_start3A_434] : memref<2x128x128xf32, #tpu.memory_space<vmem>> -> memref<1x128x128xf32, #tpu.memory_space<vmem>>
          %dma_start3A_436 = tpu.memref_squeeze %dma_start3A_435 : memref<1x128x128xf32, #tpu.memory_space<vmem>> -> memref<128x128xf32, #tpu.memory_space<vmem>>
          %dma_start3A_437 = arith.constant 0 : i32
          %dma_start3A_438 = tpu.memref_slice %arg9[%dma_start3A_431, %dma_start3A_437] : memref<4x128xi32, #tpu.memory_space<vmem>> -> memref<1x128xi32, #tpu.memory_space<vmem>>
          %dma_start3A_439 = tpu.memref_squeeze %dma_start3A_438 : memref<1x128xi32, #tpu.memory_space<vmem>> -> memref<128xi32, #tpu.memory_space<vmem>>
          %dma_start3A_440 = arith.constant 0 : i32
          %dma_start3A_441 = arith.constant 0 : i32
          %dma_start3A_442 = tpu.memref_slice %arg2[%dma_start3A_440, %dma_start3A_441] : memref<10000x128xf32, #tpu.memory_space<hbm>> -> memref<10000x128xf32, #tpu.memory_space<hbm>>
          tpu.enqueue_indirect_dma source(%dma_start3A_442 : memref<10000x128xf32, #tpu.memory_space<hbm>>) target(%dma_start3A_436 : memref<128x128xf32, #tpu.memory_space<vmem>>) offsets(%dma_start3A_439 : memref<128xi32, #tpu.memory_space<vmem>>) semaphore(%arg19 : memref<!tpu.dma_semaphore, #tpu.memory_space<semaphore_mem>>)
        } else {
        }
        %dma_start3A_366 = arith.constant 1 : i32
        %dma_start3A_367 = arith.constant 1 : i32
        %dma_start3A_368 = arith.constant 0 : i32
        %dma_start3A_369 = arith.constant 0 : i32
        %dma_start3A_370 = tpu.memref_slice %arg11[%dma_start3A_366, %dma_start3A_368, %dma_start3A_369] : memref<2x128x128xf32, #tpu.memory_space<vmem>> -> memref<1x128x128xf32, #tpu.memory_space<vmem>>
        %dma_start3A_371 = tpu.memref_squeeze %dma_start3A_370 : memref<1x128x128xf32, #tpu.memory_space<vmem>> -> memref<128x128xf32, #tpu.memory_space<vmem>>
        %dma_start3A_372 = arith.constant 0 : i32
        %dma_start3A_373 = tpu.memref_slice %arg10[%dma_start3A_367, %dma_start3A_372] : memref<4x128xi32, #tpu.memory_space<vmem>> -> memref<1x128xi32, #tpu.memory_space<vmem>>
        %dma_start3A_374 = tpu.memref_squeeze %dma_start3A_373 : memref<1x128xi32, #tpu.memory_space<vmem>> -> memref<128xi32, #tpu.memory_space<vmem>>
        %dma_start3A_375 = arith.constant 0 : i32
        %dma_start3A_376 = arith.constant 0 : i32
        %dma_start3A_377 = tpu.memref_slice %arg13[%dma_start3A_375, %dma_start3A_376] : memref<10112x128xf32, #tpu.memory_space<vmem_shared>> -> memref<10112x128xf32, #tpu.memory_space<vmem_shared>>
        tpu.enqueue_indirect_dma source(%dma_start3A_371 : memref<128x128xf32, #tpu.memory_space<vmem>>) target(%dma_start3A_377 : memref<10112x128xf32, #tpu.memory_space<vmem_shared>>) offsets(%dma_start3A_374 : memref<128xi32, #tpu.memory_space<vmem>>) semaphore(%arg22 : memref<!tpu.dma_semaphore, #tpu.memory_space<semaphore_mem>>) {add = true}
        %dma_start3A_378 = arith.constant 1 : i32
        %dma_start3A_379 = arith.constant 0 : i32
        %dma_start3A_380 = tpu.memref_slice %arg10[%dma_start3A_378, %dma_start3A_379] : memref<4x128xi32, #tpu.memory_space<vmem>> -> memref<1x128xi32, #tpu.memory_space<vmem>>
        %dma_start3A_381 = tpu.memref_squeeze %dma_start3A_380 : memref<1x128xi32, #tpu.memory_space<vmem>> -> memref<128xi32, #tpu.memory_space<vmem>>
        %dma_start3A_382 = arith.constant 0 : i32
        %dma_start3A_383 = arith.constant 0 : i32
        %dma_start3A_384 = tpu.memref_slice %arg14[%dma_start3A_382, %dma_start3A_383] : memref<10112x16xf32, #tpu.memory_space<vmem_shared>> -> memref<10112x16xf32, #tpu.memory_space<vmem_shared>>
        tpu.enqueue_indirect_dma source(%arg12 : memref<128x16xf32, #tpu.memory_space<vmem>>) target(%dma_start3A_384 : memref<10112x16xf32, #tpu.memory_space<vmem_shared>>) offsets(%dma_start3A_381 : memref<128xi32, #tpu.memory_space<vmem>>) semaphore(%arg24 : memref<!tpu.dma_semaphore, #tpu.memory_space<semaphore_mem>>) {add = true}
        %add3A_385 = arith.constant 3 : i32
        %add3A_386 = arith.addi %add3A_342, %add3A_385 : i32
        %lt3A_387 = arith.cmpi slt, %add3A_386, %add3A_4 : i32
        %ge3A_388 = arith.constant 1 : i32
        %ge3A_389 = arith.cmpi sge, %add3A_342, %ge3A_388 : i32
        %and3A_390 = arith.andi %lt3A_387, %ge3A_389 : i1
        %convert_element_type3A_391 = arith.extui %and3A_390 : i1 to i32
        %cond3A_392 = arith.constant 0 : i32
        %cond3A_393 = arith.cmpi ne, %convert_element_type3A_391, %cond3A_392 : i32
        scf.if %cond3A_393 {
          %add3A_394 = arith.constant 3 : i32
          %add3A_395 = arith.addi %add3A_342, %add3A_394 : i32
          %add3A_396 = arith.addi %add3A_8, %add3A_395 : i32
          %mul3A_397 = arith.constant 128 : i32
          %mul3A_398 = arith.muli %add3A_396, %mul3A_397 : i32
          %dma_start3A_399 = arith.constant 0 : i32
          %dma_start3A_400 = arith.constant 0 : i32
          %dma_start3A_401 = arith.constant 0 : i32
          %dma_start3A_402 = tpu.memref_slice %arg9[%dma_start3A_400, %dma_start3A_401] : memref<4x128xi32, #tpu.memory_space<vmem>> -> memref<1x128xi32, #tpu.memory_space<vmem>>
          %dma_start3A_403 = tpu.memref_squeeze %dma_start3A_402 : memref<1x128xi32, #tpu.memory_space<vmem>> -> memref<128xi32, #tpu.memory_space<vmem>>
          %dma_start3A_404 = arith.constant 0 : i32
          %dma_start3A_405 = tpu.memref_slice %arg3[%dma_start3A_399, %dma_start3A_404] : memref<2x320000xi32, #tpu.memory_space<hbm>> -> memref<1x320000xi32, #tpu.memory_space<hbm>>
          %dma_start3A_406 = tpu.memref_squeeze %dma_start3A_405 : memref<1x320000xi32, #tpu.memory_space<hbm>> -> memref<320000xi32, #tpu.memory_space<hbm>>
          %dma_start3A_407 = tpu.memref_slice %dma_start3A_406[%mul3A_398] : memref<320000xi32, #tpu.memory_space<hbm>> -> memref<128xi32, #tpu.memory_space<hbm>>
          %dma_start3A_408 = arith.constant 0 : i32
          %dma_start3A_409 = tpu.memref_slice %arg9[%dma_start3A_400, %dma_start3A_408] : memref<4x128xi32, #tpu.memory_space<vmem>> -> memref<1x128xi32, #tpu.memory_space<vmem>>
          %dma_start3A_410 = tpu.memref_squeeze %dma_start3A_409 : memref<1x128xi32, #tpu.memory_space<vmem>> -> memref<128xi32, #tpu.memory_space<vmem>>
          %dma_start3A_411 = arith.constant 0 : i32
          %dma_start3A_412 = tpu.memref_slice %arg3[%dma_start3A_399, %dma_start3A_411] : memref<2x320000xi32, #tpu.memory_space<hbm>> -> memref<1x320000xi32, #tpu.memory_space<hbm>>
          %dma_start3A_413 = tpu.memref_squeeze %dma_start3A_412 : memref<1x320000xi32, #tpu.memory_space<hbm>> -> memref<320000xi32, #tpu.memory_space<hbm>>
          %dma_start3A_414 = tpu.memref_slice %dma_start3A_413[%mul3A_398] : memref<320000xi32, #tpu.memory_space<hbm>> -> memref<128xi32, #tpu.memory_space<hbm>>
          tpu.enqueue_dma source(%dma_start3A_414 : memref<128xi32, #tpu.memory_space<hbm>>) target(%dma_start3A_410 : memref<128xi32, #tpu.memory_space<vmem>>) target_semaphore(%arg15 : memref<!tpu.dma_semaphore, #tpu.memory_space<semaphore_mem>>)
          %dma_start3A_415 = arith.constant 1 : i32
          %dma_start3A_416 = arith.constant 0 : i32
          %dma_start3A_417 = arith.constant 0 : i32
          %dma_start3A_418 = tpu.memref_slice %arg10[%dma_start3A_416, %dma_start3A_417] : memref<4x128xi32, #tpu.memory_space<vmem>> -> memref<1x128xi32, #tpu.memory_space<vmem>>
          %dma_start3A_419 = tpu.memref_squeeze %dma_start3A_418 : memref<1x128xi32, #tpu.memory_space<vmem>> -> memref<128xi32, #tpu.memory_space<vmem>>
          %dma_start3A_420 = arith.constant 0 : i32
          %dma_start3A_421 = tpu.memref_slice %arg3[%dma_start3A_415, %dma_start3A_420] : memref<2x320000xi32, #tpu.memory_space<hbm>> -> memref<1x320000xi32, #tpu.memory_space<hbm>>
          %dma_start3A_422 = tpu.memref_squeeze %dma_start3A_421 : memref<1x320000xi32, #tpu.memory_space<hbm>> -> memref<320000xi32, #tpu.memory_space<hbm>>
          %dma_start3A_423 = tpu.memref_slice %dma_start3A_422[%mul3A_398] : memref<320000xi32, #tpu.memory_space<hbm>> -> memref<128xi32, #tpu.memory_space<hbm>>
          %dma_start3A_424 = arith.constant 0 : i32
          %dma_start3A_425 = tpu.memref_slice %arg10[%dma_start3A_416, %dma_start3A_424] : memref<4x128xi32, #tpu.memory_space<vmem>> -> memref<1x128xi32, #tpu.memory_space<vmem>>
          %dma_start3A_426 = tpu.memref_squeeze %dma_start3A_425 : memref<1x128xi32, #tpu.memory_space<vmem>> -> memref<128xi32, #tpu.memory_space<vmem>>
          %dma_start3A_427 = arith.constant 0 : i32
          %dma_start3A_428 = tpu.memref_slice %arg3[%dma_start3A_415, %dma_start3A_427] : memref<2x320000xi32, #tpu.memory_space<hbm>> -> memref<1x320000xi32, #tpu.memory_space<hbm>>
          %dma_start3A_429 = tpu.memref_squeeze %dma_start3A_428 : memref<1x320000xi32, #tpu.memory_space<hbm>> -> memref<320000xi32, #tpu.memory_space<hbm>>
          %dma_start3A_430 = tpu.memref_slice %dma_start3A_429[%mul3A_398] : memref<320000xi32, #tpu.memory_space<hbm>> -> memref<128xi32, #tpu.memory_space<hbm>>
          tpu.enqueue_dma source(%dma_start3A_430 : memref<128xi32, #tpu.memory_space<hbm>>) target(%dma_start3A_426 : memref<128xi32, #tpu.memory_space<vmem>>) target_semaphore(%arg15 : memref<!tpu.dma_semaphore, #tpu.memory_space<semaphore_mem>>)
        } else {
        }
      } else {
      }
      %add3A_329 = arith.constant 2 : i32
      %add3A_330 = arith.addi %mul3A_272, %add3A_329 : i32
      %lt3A_331 = arith.cmpi slt, %add3A_330, %add3A_4 : i32
      %convert_element_type3A_332 = arith.extui %lt3A_331 : i1 to i32
      %cond3A_333 = arith.constant 0 : i32
      %cond3A_334 = arith.cmpi ne, %convert_element_type3A_332, %cond3A_333 : i32
      scf.if %cond3A_334 {
        %add3A_341 = arith.constant 2 : i32
        %add3A_342 = arith.addi %mul3A_272, %add3A_341 : i32
        %dma_wait3A_343 = arith.constant 2 : i32
        %dma_wait3A_344 = arith.constant 0 : i32
        %dma_wait3A_345 = arith.constant 0 : i32
        %dma_wait3A_346 = arith.constant 0 : i32
        %dma_wait3A_347 = tpu.memref_slice %arg11[%dma_wait3A_344, %dma_wait3A_345, %dma_wait3A_346] : memref<2x128x128xf32, #tpu.memory_space<vmem>> -> memref<1x128x128xf32, #tpu.memory_space<vmem>>
        %dma_wait3A_348 = tpu.memref_squeeze %dma_wait3A_347 : memref<1x128x128xf32, #tpu.memory_space<vmem>> -> memref<128x128xf32, #tpu.memory_space<vmem>>
        %dma_wait3A_349 = arith.constant 0 : i32
        %dma_wait3A_350 = tpu.memref_slice %arg9[%dma_wait3A_343, %dma_wait3A_349] : memref<4x128xi32, #tpu.memory_space<vmem>> -> memref<1x128xi32, #tpu.memory_space<vmem>>
        %dma_wait3A_351 = tpu.memref_squeeze %dma_wait3A_350 : memref<1x128xi32, #tpu.memory_space<vmem>> -> memref<128xi32, #tpu.memory_space<vmem>>
        %dma_wait3A_352 = arith.constant 0 : i32
        %dma_wait3A_353 = arith.constant 0 : i32
        %dma_wait3A_354 = tpu.memref_slice %arg2[%dma_wait3A_352, %dma_wait3A_353] : memref<10000x128xf32, #tpu.memory_space<hbm>> -> memref<10000x128xf32, #tpu.memory_space<hbm>>
        tpu.wait_indirect_dma semaphore(%arg19 : memref<!tpu.dma_semaphore, #tpu.memory_space<semaphore_mem>>) src(%dma_wait3A_354 : memref<10000x128xf32, #tpu.memory_space<hbm>>) dst(%dma_wait3A_348 : memref<128x128xf32, #tpu.memory_space<vmem>>)
        %ge3A_355 = arith.constant 1 : i32
        %ge3A_356 = arith.cmpi sge, %add3A_342, %ge3A_355 : i32
        %convert_element_type3A_357 = arith.extui %ge3A_356 : i1 to i32
        %cond3A_358 = arith.constant 0 : i32
        %cond3A_359 = arith.cmpi ne, %convert_element_type3A_357, %cond3A_358 : i32
        scf.if %cond3A_359 {
          %dma_wait3A_394 = arith.constant 1 : i32
          %dma_wait3A_395 = arith.constant 0 : i32
          %dma_wait3A_396 = arith.constant 0 : i32
          %dma_wait3A_397 = arith.constant 0 : i32
          %dma_wait3A_398 = tpu.memref_slice %arg11[%dma_wait3A_394, %dma_wait3A_396, %dma_wait3A_397] : memref<2x128x128xf32, #tpu.memory_space<vmem>> -> memref<1x128x128xf32, #tpu.memory_space<vmem>>
          %dma_wait3A_399 = tpu.memref_squeeze %dma_wait3A_398 : memref<1x128x128xf32, #tpu.memory_space<vmem>> -> memref<128x128xf32, #tpu.memory_space<vmem>>
          %dma_wait3A_400 = arith.constant 0 : i32
          %dma_wait3A_401 = tpu.memref_slice %arg10[%dma_wait3A_395, %dma_wait3A_400] : memref<4x128xi32, #tpu.memory_space<vmem>> -> memref<1x128xi32, #tpu.memory_space<vmem>>
          %dma_wait3A_402 = tpu.memref_squeeze %dma_wait3A_401 : memref<1x128xi32, #tpu.memory_space<vmem>> -> memref<128xi32, #tpu.memory_space<vmem>>
          %dma_wait3A_403 = arith.constant 0 : i32
          %dma_wait3A_404 = arith.constant 0 : i32
          %dma_wait3A_405 = tpu.memref_slice %arg13[%dma_wait3A_403, %dma_wait3A_404] : memref<10112x128xf32, #tpu.memory_space<vmem_shared>> -> memref<10112x128xf32, #tpu.memory_space<vmem_shared>>
          tpu.wait_indirect_dma semaphore(%arg22 : memref<!tpu.dma_semaphore, #tpu.memory_space<semaphore_mem>>) src(%dma_wait3A_399 : memref<128x128xf32, #tpu.memory_space<vmem>>) dst(%dma_wait3A_405 : memref<10112x128xf32, #tpu.memory_space<vmem_shared>>)
          %dma_wait3A_406 = arith.constant 0 : i32
          %dma_wait3A_407 = arith.constant 0 : i32
          %dma_wait3A_408 = tpu.memref_slice %arg10[%dma_wait3A_406, %dma_wait3A_407] : memref<4x128xi32, #tpu.memory_space<vmem>> -> memref<1x128xi32, #tpu.memory_space<vmem>>
          %dma_wait3A_409 = tpu.memref_squeeze %dma_wait3A_408 : memref<1x128xi32, #tpu.memory_space<vmem>> -> memref<128xi32, #tpu.memory_space<vmem>>
          %dma_wait3A_410 = arith.constant 0 : i32
          %dma_wait3A_411 = arith.constant 0 : i32
          %dma_wait3A_412 = tpu.memref_slice %arg14[%dma_wait3A_410, %dma_wait3A_411] : memref<10112x16xf32, #tpu.memory_space<vmem_shared>> -> memref<10112x16xf32, #tpu.memory_space<vmem_shared>>
          tpu.wait_indirect_dma semaphore(%arg24 : memref<!tpu.dma_semaphore, #tpu.memory_space<semaphore_mem>>) src(%arg12 : memref<128x16xf32, #tpu.memory_space<vmem>>) dst(%dma_wait3A_412 : memref<10112x16xf32, #tpu.memory_space<vmem_shared>>)
        } else {
        }
        %add3A_360 = arith.constant 1 : i32
        %add3A_361 = arith.addi %add3A_342, %add3A_360 : i32
        %lt3A_362 = arith.cmpi slt, %add3A_361, %add3A_4 : i32
        %convert_element_type3A_363 = arith.extui %lt3A_362 : i1 to i32
        %cond3A_364 = arith.constant 0 : i32
        %cond3A_365 = arith.cmpi ne, %convert_element_type3A_363, %cond3A_364 : i32
        scf.if %cond3A_365 {
          %add3A_394 = arith.constant 1 : i32
          %add3A_395 = arith.addi %add3A_342, %add3A_394 : i32
          %add3A_396 = arith.addi %add3A_8, %add3A_395 : i32
          %mul3A_397 = arith.constant 128 : i32
          %mul3A_398 = arith.muli %add3A_396, %mul3A_397 : i32
          %dma_wait3A_399 = arith.constant 0 : i32
          %dma_wait3A_400 = arith.constant 3 : i32
          %dma_wait3A_401 = arith.constant 0 : i32
          %dma_wait3A_402 = tpu.memref_slice %arg9[%dma_wait3A_400, %dma_wait3A_401] : memref<4x128xi32, #tpu.memory_space<vmem>> -> memref<1x128xi32, #tpu.memory_space<vmem>>
          %dma_wait3A_403 = tpu.memref_squeeze %dma_wait3A_402 : memref<1x128xi32, #tpu.memory_space<vmem>> -> memref<128xi32, #tpu.memory_space<vmem>>
          %dma_wait3A_404 = arith.constant 0 : i32
          %dma_wait3A_405 = tpu.memref_slice %arg3[%dma_wait3A_399, %dma_wait3A_404] : memref<2x320000xi32, #tpu.memory_space<hbm>> -> memref<1x320000xi32, #tpu.memory_space<hbm>>
          %dma_wait3A_406 = tpu.memref_squeeze %dma_wait3A_405 : memref<1x320000xi32, #tpu.memory_space<hbm>> -> memref<320000xi32, #tpu.memory_space<hbm>>
          %dma_wait3A_407 = tpu.memref_slice %dma_wait3A_406[%mul3A_398] : memref<320000xi32, #tpu.memory_space<hbm>> -> memref<128xi32, #tpu.memory_space<hbm>>
          %dma_wait3A_408 = arith.constant 0 : i32
          %dma_wait3A_409 = tpu.memref_slice %arg9[%dma_wait3A_400, %dma_wait3A_408] : memref<4x128xi32, #tpu.memory_space<vmem>> -> memref<1x128xi32, #tpu.memory_space<vmem>>
          %dma_wait3A_410 = tpu.memref_squeeze %dma_wait3A_409 : memref<1x128xi32, #tpu.memory_space<vmem>> -> memref<128xi32, #tpu.memory_space<vmem>>
          %dma_wait3A_411 = arith.constant 0 : i32
          %dma_wait3A_412 = tpu.memref_slice %arg3[%dma_wait3A_399, %dma_wait3A_411] : memref<2x320000xi32, #tpu.memory_space<hbm>> -> memref<1x320000xi32, #tpu.memory_space<hbm>>
          %dma_wait3A_413 = tpu.memref_squeeze %dma_wait3A_412 : memref<1x320000xi32, #tpu.memory_space<hbm>> -> memref<320000xi32, #tpu.memory_space<hbm>>
          %dma_wait3A_414 = tpu.memref_slice %dma_wait3A_413[%mul3A_398] : memref<320000xi32, #tpu.memory_space<hbm>> -> memref<128xi32, #tpu.memory_space<hbm>>
          tpu.wait_dma2 semaphore(%arg18 : memref<!tpu.dma_semaphore, #tpu.memory_space<semaphore_mem>>) src(%dma_wait3A_414 : memref<128xi32, #tpu.memory_space<hbm>>) dst(%dma_wait3A_410 : memref<128xi32, #tpu.memory_space<vmem>>)
          %dma_wait3A_415 = arith.constant 1 : i32
          %dma_wait3A_416 = arith.constant 3 : i32
          %dma_wait3A_417 = arith.constant 0 : i32
          %dma_wait3A_418 = tpu.memref_slice %arg10[%dma_wait3A_416, %dma_wait3A_417] : memref<4x128xi32, #tpu.memory_space<vmem>> -> memref<1x128xi32, #tpu.memory_space<vmem>>
          %dma_wait3A_419 = tpu.memref_squeeze %dma_wait3A_418 : memref<1x128xi32, #tpu.memory_space<vmem>> -> memref<128xi32, #tpu.memory_space<vmem>>
          %dma_wait3A_420 = arith.constant 0 : i32
          %dma_wait3A_421 = tpu.memref_slice %arg3[%dma_wait3A_415, %dma_wait3A_420] : memref<2x320000xi32, #tpu.memory_space<hbm>> -> memref<1x320000xi32, #tpu.memory_space<hbm>>
          %dma_wait3A_422 = tpu.memref_squeeze %dma_wait3A_421 : memref<1x320000xi32, #tpu.memory_space<hbm>> -> memref<320000xi32, #tpu.memory_space<hbm>>
          %dma_wait3A_423 = tpu.memref_slice %dma_wait3A_422[%mul3A_398] : memref<320000xi32, #tpu.memory_space<hbm>> -> memref<128xi32, #tpu.memory_space<hbm>>
          %dma_wait3A_424 = arith.constant 0 : i32
          %dma_wait3A_425 = tpu.memref_slice %arg10[%dma_wait3A_416, %dma_wait3A_424] : memref<4x128xi32, #tpu.memory_space<vmem>> -> memref<1x128xi32, #tpu.memory_space<vmem>>
          %dma_wait3A_426 = tpu.memref_squeeze %dma_wait3A_425 : memref<1x128xi32, #tpu.memory_space<vmem>> -> memref<128xi32, #tpu.memory_space<vmem>>
          %dma_wait3A_427 = arith.constant 0 : i32
          %dma_wait3A_428 = tpu.memref_slice %arg3[%dma_wait3A_415, %dma_wait3A_427] : memref<2x320000xi32, #tpu.memory_space<hbm>> -> memref<1x320000xi32, #tpu.memory_space<hbm>>
          %dma_wait3A_429 = tpu.memref_squeeze %dma_wait3A_428 : memref<1x320000xi32, #tpu.memory_space<hbm>> -> memref<320000xi32, #tpu.memory_space<hbm>>
          %dma_wait3A_430 = tpu.memref_slice %dma_wait3A_429[%mul3A_398] : memref<320000xi32, #tpu.memory_space<hbm>> -> memref<128xi32, #tpu.memory_space<hbm>>
          tpu.wait_dma2 semaphore(%arg18 : memref<!tpu.dma_semaphore, #tpu.memory_space<semaphore_mem>>) src(%dma_wait3A_430 : memref<128xi32, #tpu.memory_space<hbm>>) dst(%dma_wait3A_426 : memref<128xi32, #tpu.memory_space<vmem>>)
          %dma_start3A_431 = arith.constant 3 : i32
          %dma_start3A_432 = arith.constant 1 : i32
          %dma_start3A_433 = arith.constant 0 : i32
          %dma_start3A_434 = arith.constant 0 : i32
          %dma_start3A_435 = tpu.memref_slice %arg11[%dma_start3A_432, %dma_start3A_433, %dma_start3A_434] : memref<2x128x128xf32, #tpu.memory_space<vmem>> -> memref<1x128x128xf32, #tpu.memory_space<vmem>>
          %dma_start3A_436 = tpu.memref_squeeze %dma_start3A_435 : memref<1x128x128xf32, #tpu.memory_space<vmem>> -> memref<128x128xf32, #tpu.memory_space<vmem>>
          %dma_start3A_437 = arith.constant 0 : i32
          %dma_start3A_438 = tpu.memref_slice %arg9[%dma_start3A_431, %dma_start3A_437] : memref<4x128xi32, #tpu.memory_space<vmem>> -> memref<1x128xi32, #tpu.memory_space<vmem>>
          %dma_start3A_439 = tpu.memref_squeeze %dma_start3A_438 : memref<1x128xi32, #tpu.memory_space<vmem>> -> memref<128xi32, #tpu.memory_space<vmem>>
          %dma_start3A_440 = arith.constant 0 : i32
          %dma_start3A_441 = arith.constant 0 : i32
          %dma_start3A_442 = tpu.memref_slice %arg2[%dma_start3A_440, %dma_start3A_441] : memref<10000x128xf32, #tpu.memory_space<hbm>> -> memref<10000x128xf32, #tpu.memory_space<hbm>>
          tpu.enqueue_indirect_dma source(%dma_start3A_442 : memref<10000x128xf32, #tpu.memory_space<hbm>>) target(%dma_start3A_436 : memref<128x128xf32, #tpu.memory_space<vmem>>) offsets(%dma_start3A_439 : memref<128xi32, #tpu.memory_space<vmem>>) semaphore(%arg20 : memref<!tpu.dma_semaphore, #tpu.memory_space<semaphore_mem>>)
        } else {
        }
        %dma_start3A_366 = arith.constant 0 : i32
        %dma_start3A_367 = arith.constant 2 : i32
        %dma_start3A_368 = arith.constant 0 : i32
        %dma_start3A_369 = arith.constant 0 : i32
        %dma_start3A_370 = tpu.memref_slice %arg11[%dma_start3A_366, %dma_start3A_368, %dma_start3A_369] : memref<2x128x128xf32, #tpu.memory_space<vmem>> -> memref<1x128x128xf32, #tpu.memory_space<vmem>>
        %dma_start3A_371 = tpu.memref_squeeze %dma_start3A_370 : memref<1x128x128xf32, #tpu.memory_space<vmem>> -> memref<128x128xf32, #tpu.memory_space<vmem>>
        %dma_start3A_372 = arith.constant 0 : i32
        %dma_start3A_373 = tpu.memref_slice %arg10[%dma_start3A_367, %dma_start3A_372] : memref<4x128xi32, #tpu.memory_space<vmem>> -> memref<1x128xi32, #tpu.memory_space<vmem>>
        %dma_start3A_374 = tpu.memref_squeeze %dma_start3A_373 : memref<1x128xi32, #tpu.memory_space<vmem>> -> memref<128xi32, #tpu.memory_space<vmem>>
        %dma_start3A_375 = arith.constant 0 : i32
        %dma_start3A_376 = arith.constant 0 : i32
        %dma_start3A_377 = tpu.memref_slice %arg13[%dma_start3A_375, %dma_start3A_376] : memref<10112x128xf32, #tpu.memory_space<vmem_shared>> -> memref<10112x128xf32, #tpu.memory_space<vmem_shared>>
        tpu.enqueue_indirect_dma source(%dma_start3A_371 : memref<128x128xf32, #tpu.memory_space<vmem>>) target(%dma_start3A_377 : memref<10112x128xf32, #tpu.memory_space<vmem_shared>>) offsets(%dma_start3A_374 : memref<128xi32, #tpu.memory_space<vmem>>) semaphore(%arg21 : memref<!tpu.dma_semaphore, #tpu.memory_space<semaphore_mem>>) {add = true}
        %dma_start3A_378 = arith.constant 2 : i32
        %dma_start3A_379 = arith.constant 0 : i32
        %dma_start3A_380 = tpu.memref_slice %arg10[%dma_start3A_378, %dma_start3A_379] : memref<4x128xi32, #tpu.memory_space<vmem>> -> memref<1x128xi32, #tpu.memory_space<vmem>>
        %dma_start3A_381 = tpu.memref_squeeze %dma_start3A_380 : memref<1x128xi32, #tpu.memory_space<vmem>> -> memref<128xi32, #tpu.memory_space<vmem>>
        %dma_start3A_382 = arith.constant 0 : i32
        %dma_start3A_383 = arith.constant 0 : i32
        %dma_start3A_384 = tpu.memref_slice %arg14[%dma_start3A_382, %dma_start3A_383] : memref<10112x16xf32, #tpu.memory_space<vmem_shared>> -> memref<10112x16xf32, #tpu.memory_space<vmem_shared>>
        tpu.enqueue_indirect_dma source(%arg12 : memref<128x16xf32, #tpu.memory_space<vmem>>) target(%dma_start3A_384 : memref<10112x16xf32, #tpu.memory_space<vmem_shared>>) offsets(%dma_start3A_381 : memref<128xi32, #tpu.memory_space<vmem>>) semaphore(%arg23 : memref<!tpu.dma_semaphore, #tpu.memory_space<semaphore_mem>>) {add = true}
        %add3A_385 = arith.constant 3 : i32
        %add3A_386 = arith.addi %add3A_342, %add3A_385 : i32
        %lt3A_387 = arith.cmpi slt, %add3A_386, %add3A_4 : i32
        %ge3A_388 = arith.constant 1 : i32
        %ge3A_389 = arith.cmpi sge, %add3A_342, %ge3A_388 : i32
        %and3A_390 = arith.andi %lt3A_387, %ge3A_389 : i1
        %convert_element_type3A_391 = arith.extui %and3A_390 : i1 to i32
        %cond3A_392 = arith.constant 0 : i32
        %cond3A_393 = arith.cmpi ne, %convert_element_type3A_391, %cond3A_392 : i32
        scf.if %cond3A_393 {
          %add3A_394 = arith.constant 3 : i32
          %add3A_395 = arith.addi %add3A_342, %add3A_394 : i32
          %add3A_396 = arith.addi %add3A_8, %add3A_395 : i32
          %mul3A_397 = arith.constant 128 : i32
          %mul3A_398 = arith.muli %add3A_396, %mul3A_397 : i32
          %dma_start3A_399 = arith.constant 0 : i32
          %dma_start3A_400 = arith.constant 1 : i32
          %dma_start3A_401 = arith.constant 0 : i32
          %dma_start3A_402 = tpu.memref_slice %arg9[%dma_start3A_400, %dma_start3A_401] : memref<4x128xi32, #tpu.memory_space<vmem>> -> memref<1x128xi32, #tpu.memory_space<vmem>>
          %dma_start3A_403 = tpu.memref_squeeze %dma_start3A_402 : memref<1x128xi32, #tpu.memory_space<vmem>> -> memref<128xi32, #tpu.memory_space<vmem>>
          %dma_start3A_404 = arith.constant 0 : i32
          %dma_start3A_405 = tpu.memref_slice %arg3[%dma_start3A_399, %dma_start3A_404] : memref<2x320000xi32, #tpu.memory_space<hbm>> -> memref<1x320000xi32, #tpu.memory_space<hbm>>
          %dma_start3A_406 = tpu.memref_squeeze %dma_start3A_405 : memref<1x320000xi32, #tpu.memory_space<hbm>> -> memref<320000xi32, #tpu.memory_space<hbm>>
          %dma_start3A_407 = tpu.memref_slice %dma_start3A_406[%mul3A_398] : memref<320000xi32, #tpu.memory_space<hbm>> -> memref<128xi32, #tpu.memory_space<hbm>>
          %dma_start3A_408 = arith.constant 0 : i32
          %dma_start3A_409 = tpu.memref_slice %arg9[%dma_start3A_400, %dma_start3A_408] : memref<4x128xi32, #tpu.memory_space<vmem>> -> memref<1x128xi32, #tpu.memory_space<vmem>>
          %dma_start3A_410 = tpu.memref_squeeze %dma_start3A_409 : memref<1x128xi32, #tpu.memory_space<vmem>> -> memref<128xi32, #tpu.memory_space<vmem>>
          %dma_start3A_411 = arith.constant 0 : i32
          %dma_start3A_412 = tpu.memref_slice %arg3[%dma_start3A_399, %dma_start3A_411] : memref<2x320000xi32, #tpu.memory_space<hbm>> -> memref<1x320000xi32, #tpu.memory_space<hbm>>
          %dma_start3A_413 = tpu.memref_squeeze %dma_start3A_412 : memref<1x320000xi32, #tpu.memory_space<hbm>> -> memref<320000xi32, #tpu.memory_space<hbm>>
          %dma_start3A_414 = tpu.memref_slice %dma_start3A_413[%mul3A_398] : memref<320000xi32, #tpu.memory_space<hbm>> -> memref<128xi32, #tpu.memory_space<hbm>>
          tpu.enqueue_dma source(%dma_start3A_414 : memref<128xi32, #tpu.memory_space<hbm>>) target(%dma_start3A_410 : memref<128xi32, #tpu.memory_space<vmem>>) target_semaphore(%arg16 : memref<!tpu.dma_semaphore, #tpu.memory_space<semaphore_mem>>)
          %dma_start3A_415 = arith.constant 1 : i32
          %dma_start3A_416 = arith.constant 1 : i32
          %dma_start3A_417 = arith.constant 0 : i32
          %dma_start3A_418 = tpu.memref_slice %arg10[%dma_start3A_416, %dma_start3A_417] : memref<4x128xi32, #tpu.memory_space<vmem>> -> memref<1x128xi32, #tpu.memory_space<vmem>>
          %dma_start3A_419 = tpu.memref_squeeze %dma_start3A_418 : memref<1x128xi32, #tpu.memory_space<vmem>> -> memref<128xi32, #tpu.memory_space<vmem>>
          %dma_start3A_420 = arith.constant 0 : i32
          %dma_start3A_421 = tpu.memref_slice %arg3[%dma_start3A_415, %dma_start3A_420] : memref<2x320000xi32, #tpu.memory_space<hbm>> -> memref<1x320000xi32, #tpu.memory_space<hbm>>
          %dma_start3A_422 = tpu.memref_squeeze %dma_start3A_421 : memref<1x320000xi32, #tpu.memory_space<hbm>> -> memref<320000xi32, #tpu.memory_space<hbm>>
          %dma_start3A_423 = tpu.memref_slice %dma_start3A_422[%mul3A_398] : memref<320000xi32, #tpu.memory_space<hbm>> -> memref<128xi32, #tpu.memory_space<hbm>>
          %dma_start3A_424 = arith.constant 0 : i32
          %dma_start3A_425 = tpu.memref_slice %arg10[%dma_start3A_416, %dma_start3A_424] : memref<4x128xi32, #tpu.memory_space<vmem>> -> memref<1x128xi32, #tpu.memory_space<vmem>>
          %dma_start3A_426 = tpu.memref_squeeze %dma_start3A_425 : memref<1x128xi32, #tpu.memory_space<vmem>> -> memref<128xi32, #tpu.memory_space<vmem>>
          %dma_start3A_427 = arith.constant 0 : i32
          %dma_start3A_428 = tpu.memref_slice %arg3[%dma_start3A_415, %dma_start3A_427] : memref<2x320000xi32, #tpu.memory_space<hbm>> -> memref<1x320000xi32, #tpu.memory_space<hbm>>
          %dma_start3A_429 = tpu.memref_squeeze %dma_start3A_428 : memref<1x320000xi32, #tpu.memory_space<hbm>> -> memref<320000xi32, #tpu.memory_space<hbm>>
          %dma_start3A_430 = tpu.memref_slice %dma_start3A_429[%mul3A_398] : memref<320000xi32, #tpu.memory_space<hbm>> -> memref<128xi32, #tpu.memory_space<hbm>>
          tpu.enqueue_dma source(%dma_start3A_430 : memref<128xi32, #tpu.memory_space<hbm>>) target(%dma_start3A_426 : memref<128xi32, #tpu.memory_space<vmem>>) target_semaphore(%arg16 : memref<!tpu.dma_semaphore, #tpu.memory_space<semaphore_mem>>)
        } else {
        }
      } else {
      }
      %add3A_335 = arith.constant 3 : i32
      %add3A_336 = arith.addi %mul3A_272, %add3A_335 : i32
      %lt3A_337 = arith.cmpi slt, %add3A_336, %add3A_4 : i32
      %convert_element_type3A_338 = arith.extui %lt3A_337 : i1 to i32
      %cond3A_339 = arith.constant 0 : i32
      %cond3A_340 = arith.cmpi ne, %convert_element_type3A_338, %cond3A_339 : i32
      scf.if %cond3A_340 {
        %add3A_341 = arith.constant 3 : i32
        %add3A_342 = arith.addi %mul3A_272, %add3A_341 : i32
        %dma_wait3A_343 = arith.constant 3 : i32
        %dma_wait3A_344 = arith.constant 1 : i32
        %dma_wait3A_345 = arith.constant 0 : i32
        %dma_wait3A_346 = arith.constant 0 : i32
        %dma_wait3A_347 = tpu.memref_slice %arg11[%dma_wait3A_344, %dma_wait3A_345, %dma_wait3A_346] : memref<2x128x128xf32, #tpu.memory_space<vmem>> -> memref<1x128x128xf32, #tpu.memory_space<vmem>>
        %dma_wait3A_348 = tpu.memref_squeeze %dma_wait3A_347 : memref<1x128x128xf32, #tpu.memory_space<vmem>> -> memref<128x128xf32, #tpu.memory_space<vmem>>
        %dma_wait3A_349 = arith.constant 0 : i32
        %dma_wait3A_350 = tpu.memref_slice %arg9[%dma_wait3A_343, %dma_wait3A_349] : memref<4x128xi32, #tpu.memory_space<vmem>> -> memref<1x128xi32, #tpu.memory_space<vmem>>
        %dma_wait3A_351 = tpu.memref_squeeze %dma_wait3A_350 : memref<1x128xi32, #tpu.memory_space<vmem>> -> memref<128xi32, #tpu.memory_space<vmem>>
        %dma_wait3A_352 = arith.constant 0 : i32
        %dma_wait3A_353 = arith.constant 0 : i32
        %dma_wait3A_354 = tpu.memref_slice %arg2[%dma_wait3A_352, %dma_wait3A_353] : memref<10000x128xf32, #tpu.memory_space<hbm>> -> memref<10000x128xf32, #tpu.memory_space<hbm>>
        tpu.wait_indirect_dma semaphore(%arg20 : memref<!tpu.dma_semaphore, #tpu.memory_space<semaphore_mem>>) src(%dma_wait3A_354 : memref<10000x128xf32, #tpu.memory_space<hbm>>) dst(%dma_wait3A_348 : memref<128x128xf32, #tpu.memory_space<vmem>>)
        %ge3A_355 = arith.constant 1 : i32
        %ge3A_356 = arith.cmpi sge, %add3A_342, %ge3A_355 : i32
        %convert_element_type3A_357 = arith.extui %ge3A_356 : i1 to i32
        %cond3A_358 = arith.constant 0 : i32
        %cond3A_359 = arith.cmpi ne, %convert_element_type3A_357, %cond3A_358 : i32
        scf.if %cond3A_359 {
          %dma_wait3A_394 = arith.constant 0 : i32
          %dma_wait3A_395 = arith.constant 0 : i32
          %dma_wait3A_396 = arith.constant 0 : i32
          %dma_wait3A_397 = arith.constant 0 : i32
          %dma_wait3A_398 = tpu.memref_slice %arg11[%dma_wait3A_394, %dma_wait3A_396, %dma_wait3A_397] : memref<2x128x128xf32, #tpu.memory_space<vmem>> -> memref<1x128x128xf32, #tpu.memory_space<vmem>>
          %dma_wait3A_399 = tpu.memref_squeeze %dma_wait3A_398 : memref<1x128x128xf32, #tpu.memory_space<vmem>> -> memref<128x128xf32, #tpu.memory_space<vmem>>
          %dma_wait3A_400 = arith.constant 0 : i32
          %dma_wait3A_401 = tpu.memref_slice %arg10[%dma_wait3A_395, %dma_wait3A_400] : memref<4x128xi32, #tpu.memory_space<vmem>> -> memref<1x128xi32, #tpu.memory_space<vmem>>
          %dma_wait3A_402 = tpu.memref_squeeze %dma_wait3A_401 : memref<1x128xi32, #tpu.memory_space<vmem>> -> memref<128xi32, #tpu.memory_space<vmem>>
          %dma_wait3A_403 = arith.constant 0 : i32
          %dma_wait3A_404 = arith.constant 0 : i32
          %dma_wait3A_405 = tpu.memref_slice %arg13[%dma_wait3A_403, %dma_wait3A_404] : memref<10112x128xf32, #tpu.memory_space<vmem_shared>> -> memref<10112x128xf32, #tpu.memory_space<vmem_shared>>
          tpu.wait_indirect_dma semaphore(%arg21 : memref<!tpu.dma_semaphore, #tpu.memory_space<semaphore_mem>>) src(%dma_wait3A_399 : memref<128x128xf32, #tpu.memory_space<vmem>>) dst(%dma_wait3A_405 : memref<10112x128xf32, #tpu.memory_space<vmem_shared>>)
          %dma_wait3A_406 = arith.constant 0 : i32
          %dma_wait3A_407 = arith.constant 0 : i32
          %dma_wait3A_408 = tpu.memref_slice %arg10[%dma_wait3A_406, %dma_wait3A_407] : memref<4x128xi32, #tpu.memory_space<vmem>> -> memref<1x128xi32, #tpu.memory_space<vmem>>
          %dma_wait3A_409 = tpu.memref_squeeze %dma_wait3A_408 : memref<1x128xi32, #tpu.memory_space<vmem>> -> memref<128xi32, #tpu.memory_space<vmem>>
          %dma_wait3A_410 = arith.constant 0 : i32
          %dma_wait3A_411 = arith.constant 0 : i32
          %dma_wait3A_412 = tpu.memref_slice %arg14[%dma_wait3A_410, %dma_wait3A_411] : memref<10112x16xf32, #tpu.memory_space<vmem_shared>> -> memref<10112x16xf32, #tpu.memory_space<vmem_shared>>
          tpu.wait_indirect_dma semaphore(%arg23 : memref<!tpu.dma_semaphore, #tpu.memory_space<semaphore_mem>>) src(%arg12 : memref<128x16xf32, #tpu.memory_space<vmem>>) dst(%dma_wait3A_412 : memref<10112x16xf32, #tpu.memory_space<vmem_shared>>)
        } else {
        }
        %add3A_360 = arith.constant 1 : i32
        %add3A_361 = arith.addi %add3A_342, %add3A_360 : i32
        %lt3A_362 = arith.cmpi slt, %add3A_361, %add3A_4 : i32
        %convert_element_type3A_363 = arith.extui %lt3A_362 : i1 to i32
        %cond3A_364 = arith.constant 0 : i32
        %cond3A_365 = arith.cmpi ne, %convert_element_type3A_363, %cond3A_364 : i32
        scf.if %cond3A_365 {
          %add3A_394 = arith.constant 1 : i32
          %add3A_395 = arith.addi %add3A_342, %add3A_394 : i32
          %add3A_396 = arith.addi %add3A_8, %add3A_395 : i32
          %mul3A_397 = arith.constant 128 : i32
          %mul3A_398 = arith.muli %add3A_396, %mul3A_397 : i32
          %dma_wait3A_399 = arith.constant 0 : i32
          %dma_wait3A_400 = arith.constant 0 : i32
          %dma_wait3A_401 = arith.constant 0 : i32
          %dma_wait3A_402 = tpu.memref_slice %arg9[%dma_wait3A_400, %dma_wait3A_401] : memref<4x128xi32, #tpu.memory_space<vmem>> -> memref<1x128xi32, #tpu.memory_space<vmem>>
          %dma_wait3A_403 = tpu.memref_squeeze %dma_wait3A_402 : memref<1x128xi32, #tpu.memory_space<vmem>> -> memref<128xi32, #tpu.memory_space<vmem>>
          %dma_wait3A_404 = arith.constant 0 : i32
          %dma_wait3A_405 = tpu.memref_slice %arg3[%dma_wait3A_399, %dma_wait3A_404] : memref<2x320000xi32, #tpu.memory_space<hbm>> -> memref<1x320000xi32, #tpu.memory_space<hbm>>
          %dma_wait3A_406 = tpu.memref_squeeze %dma_wait3A_405 : memref<1x320000xi32, #tpu.memory_space<hbm>> -> memref<320000xi32, #tpu.memory_space<hbm>>
          %dma_wait3A_407 = tpu.memref_slice %dma_wait3A_406[%mul3A_398] : memref<320000xi32, #tpu.memory_space<hbm>> -> memref<128xi32, #tpu.memory_space<hbm>>
          %dma_wait3A_408 = arith.constant 0 : i32
          %dma_wait3A_409 = tpu.memref_slice %arg9[%dma_wait3A_400, %dma_wait3A_408] : memref<4x128xi32, #tpu.memory_space<vmem>> -> memref<1x128xi32, #tpu.memory_space<vmem>>
          %dma_wait3A_410 = tpu.memref_squeeze %dma_wait3A_409 : memref<1x128xi32, #tpu.memory_space<vmem>> -> memref<128xi32, #tpu.memory_space<vmem>>
          %dma_wait3A_411 = arith.constant 0 : i32
          %dma_wait3A_412 = tpu.memref_slice %arg3[%dma_wait3A_399, %dma_wait3A_411] : memref<2x320000xi32, #tpu.memory_space<hbm>> -> memref<1x320000xi32, #tpu.memory_space<hbm>>
          %dma_wait3A_413 = tpu.memref_squeeze %dma_wait3A_412 : memref<1x320000xi32, #tpu.memory_space<hbm>> -> memref<320000xi32, #tpu.memory_space<hbm>>
          %dma_wait3A_414 = tpu.memref_slice %dma_wait3A_413[%mul3A_398] : memref<320000xi32, #tpu.memory_space<hbm>> -> memref<128xi32, #tpu.memory_space<hbm>>
          tpu.wait_dma2 semaphore(%arg15 : memref<!tpu.dma_semaphore, #tpu.memory_space<semaphore_mem>>) src(%dma_wait3A_414 : memref<128xi32, #tpu.memory_space<hbm>>) dst(%dma_wait3A_410 : memref<128xi32, #tpu.memory_space<vmem>>)
          %dma_wait3A_415 = arith.constant 1 : i32
          %dma_wait3A_416 = arith.constant 0 : i32
          %dma_wait3A_417 = arith.constant 0 : i32
          %dma_wait3A_418 = tpu.memref_slice %arg10[%dma_wait3A_416, %dma_wait3A_417] : memref<4x128xi32, #tpu.memory_space<vmem>> -> memref<1x128xi32, #tpu.memory_space<vmem>>
          %dma_wait3A_419 = tpu.memref_squeeze %dma_wait3A_418 : memref<1x128xi32, #tpu.memory_space<vmem>> -> memref<128xi32, #tpu.memory_space<vmem>>
          %dma_wait3A_420 = arith.constant 0 : i32
          %dma_wait3A_421 = tpu.memref_slice %arg3[%dma_wait3A_415, %dma_wait3A_420] : memref<2x320000xi32, #tpu.memory_space<hbm>> -> memref<1x320000xi32, #tpu.memory_space<hbm>>
          %dma_wait3A_422 = tpu.memref_squeeze %dma_wait3A_421 : memref<1x320000xi32, #tpu.memory_space<hbm>> -> memref<320000xi32, #tpu.memory_space<hbm>>
          %dma_wait3A_423 = tpu.memref_slice %dma_wait3A_422[%mul3A_398] : memref<320000xi32, #tpu.memory_space<hbm>> -> memref<128xi32, #tpu.memory_space<hbm>>
          %dma_wait3A_424 = arith.constant 0 : i32
          %dma_wait3A_425 = tpu.memref_slice %arg10[%dma_wait3A_416, %dma_wait3A_424] : memref<4x128xi32, #tpu.memory_space<vmem>> -> memref<1x128xi32, #tpu.memory_space<vmem>>
          %dma_wait3A_426 = tpu.memref_squeeze %dma_wait3A_425 : memref<1x128xi32, #tpu.memory_space<vmem>> -> memref<128xi32, #tpu.memory_space<vmem>>
          %dma_wait3A_427 = arith.constant 0 : i32
          %dma_wait3A_428 = tpu.memref_slice %arg3[%dma_wait3A_415, %dma_wait3A_427] : memref<2x320000xi32, #tpu.memory_space<hbm>> -> memref<1x320000xi32, #tpu.memory_space<hbm>>
          %dma_wait3A_429 = tpu.memref_squeeze %dma_wait3A_428 : memref<1x320000xi32, #tpu.memory_space<hbm>> -> memref<320000xi32, #tpu.memory_space<hbm>>
          %dma_wait3A_430 = tpu.memref_slice %dma_wait3A_429[%mul3A_398] : memref<320000xi32, #tpu.memory_space<hbm>> -> memref<128xi32, #tpu.memory_space<hbm>>
          tpu.wait_dma2 semaphore(%arg15 : memref<!tpu.dma_semaphore, #tpu.memory_space<semaphore_mem>>) src(%dma_wait3A_430 : memref<128xi32, #tpu.memory_space<hbm>>) dst(%dma_wait3A_426 : memref<128xi32, #tpu.memory_space<vmem>>)
          %dma_start3A_431 = arith.constant 0 : i32
          %dma_start3A_432 = arith.constant 0 : i32
          %dma_start3A_433 = arith.constant 0 : i32
          %dma_start3A_434 = arith.constant 0 : i32
          %dma_start3A_435 = tpu.memref_slice %arg11[%dma_start3A_432, %dma_start3A_433, %dma_start3A_434] : memref<2x128x128xf32, #tpu.memory_space<vmem>> -> memref<1x128x128xf32, #tpu.memory_space<vmem>>
          %dma_start3A_436 = tpu.memref_squeeze %dma_start3A_435 : memref<1x128x128xf32, #tpu.memory_space<vmem>> -> memref<128x128xf32, #tpu.memory_space<vmem>>
          %dma_start3A_437 = arith.constant 0 : i32
          %dma_start3A_438 = tpu.memref_slice %arg9[%dma_start3A_431, %dma_start3A_437] : memref<4x128xi32, #tpu.memory_space<vmem>> -> memref<1x128xi32, #tpu.memory_space<vmem>>
          %dma_start3A_439 = tpu.memref_squeeze %dma_start3A_438 : memref<1x128xi32, #tpu.memory_space<vmem>> -> memref<128xi32, #tpu.memory_space<vmem>>
          %dma_start3A_440 = arith.constant 0 : i32
          %dma_start3A_441 = arith.constant 0 : i32
          %dma_start3A_442 = tpu.memref_slice %arg2[%dma_start3A_440, %dma_start3A_441] : memref<10000x128xf32, #tpu.memory_space<hbm>> -> memref<10000x128xf32, #tpu.memory_space<hbm>>
          tpu.enqueue_indirect_dma source(%dma_start3A_442 : memref<10000x128xf32, #tpu.memory_space<hbm>>) target(%dma_start3A_436 : memref<128x128xf32, #tpu.memory_space<vmem>>) offsets(%dma_start3A_439 : memref<128xi32, #tpu.memory_space<vmem>>) semaphore(%arg19 : memref<!tpu.dma_semaphore, #tpu.memory_space<semaphore_mem>>)
        } else {
        }
        %dma_start3A_366 = arith.constant 1 : i32
        %dma_start3A_367 = arith.constant 3 : i32
        %dma_start3A_368 = arith.constant 0 : i32
        %dma_start3A_369 = arith.constant 0 : i32
        %dma_start3A_370 = tpu.memref_slice %arg11[%dma_start3A_366, %dma_start3A_368, %dma_start3A_369] : memref<2x128x128xf32, #tpu.memory_space<vmem>> -> memref<1x128x128xf32, #tpu.memory_space<vmem>>
        %dma_start3A_371 = tpu.memref_squeeze %dma_start3A_370 : memref<1x128x128xf32, #tpu.memory_space<vmem>> -> memref<128x128xf32, #tpu.memory_space<vmem>>
        %dma_start3A_372 = arith.constant 0 : i32
        %dma_start3A_373 = tpu.memref_slice %arg10[%dma_start3A_367, %dma_start3A_372] : memref<4x128xi32, #tpu.memory_space<vmem>> -> memref<1x128xi32, #tpu.memory_space<vmem>>
        %dma_start3A_374 = tpu.memref_squeeze %dma_start3A_373 : memref<1x128xi32, #tpu.memory_space<vmem>> -> memref<128xi32, #tpu.memory_space<vmem>>
        %dma_start3A_375 = arith.constant 0 : i32
        %dma_start3A_376 = arith.constant 0 : i32
        %dma_start3A_377 = tpu.memref_slice %arg13[%dma_start3A_375, %dma_start3A_376] : memref<10112x128xf32, #tpu.memory_space<vmem_shared>> -> memref<10112x128xf32, #tpu.memory_space<vmem_shared>>
        tpu.enqueue_indirect_dma source(%dma_start3A_371 : memref<128x128xf32, #tpu.memory_space<vmem>>) target(%dma_start3A_377 : memref<10112x128xf32, #tpu.memory_space<vmem_shared>>) offsets(%dma_start3A_374 : memref<128xi32, #tpu.memory_space<vmem>>) semaphore(%arg22 : memref<!tpu.dma_semaphore, #tpu.memory_space<semaphore_mem>>) {add = true}
        %dma_start3A_378 = arith.constant 3 : i32
        %dma_start3A_379 = arith.constant 0 : i32
        %dma_start3A_380 = tpu.memref_slice %arg10[%dma_start3A_378, %dma_start3A_379] : memref<4x128xi32, #tpu.memory_space<vmem>> -> memref<1x128xi32, #tpu.memory_space<vmem>>
        %dma_start3A_381 = tpu.memref_squeeze %dma_start3A_380 : memref<1x128xi32, #tpu.memory_space<vmem>> -> memref<128xi32, #tpu.memory_space<vmem>>
        %dma_start3A_382 = arith.constant 0 : i32
        %dma_start3A_383 = arith.constant 0 : i32
        %dma_start3A_384 = tpu.memref_slice %arg14[%dma_start3A_382, %dma_start3A_383] : memref<10112x16xf32, #tpu.memory_space<vmem_shared>> -> memref<10112x16xf32, #tpu.memory_space<vmem_shared>>
        tpu.enqueue_indirect_dma source(%arg12 : memref<128x16xf32, #tpu.memory_space<vmem>>) target(%dma_start3A_384 : memref<10112x16xf32, #tpu.memory_space<vmem_shared>>) offsets(%dma_start3A_381 : memref<128xi32, #tpu.memory_space<vmem>>) semaphore(%arg24 : memref<!tpu.dma_semaphore, #tpu.memory_space<semaphore_mem>>) {add = true}
        %add3A_385 = arith.constant 3 : i32
        %add3A_386 = arith.addi %add3A_342, %add3A_385 : i32
        %lt3A_387 = arith.cmpi slt, %add3A_386, %add3A_4 : i32
        %ge3A_388 = arith.constant 1 : i32
        %ge3A_389 = arith.cmpi sge, %add3A_342, %ge3A_388 : i32
        %and3A_390 = arith.andi %lt3A_387, %ge3A_389 : i1
        %convert_element_type3A_391 = arith.extui %and3A_390 : i1 to i32
        %cond3A_392 = arith.constant 0 : i32
        %cond3A_393 = arith.cmpi ne, %convert_element_type3A_391, %cond3A_392 : i32
        scf.if %cond3A_393 {
          %add3A_394 = arith.constant 3 : i32
          %add3A_395 = arith.addi %add3A_342, %add3A_394 : i32
          %add3A_396 = arith.addi %add3A_8, %add3A_395 : i32
          %mul3A_397 = arith.constant 128 : i32
          %mul3A_398 = arith.muli %add3A_396, %mul3A_397 : i32
          %dma_start3A_399 = arith.constant 0 : i32
          %dma_start3A_400 = arith.constant 2 : i32
          %dma_start3A_401 = arith.constant 0 : i32
          %dma_start3A_402 = tpu.memref_slice %arg9[%dma_start3A_400, %dma_start3A_401] : memref<4x128xi32, #tpu.memory_space<vmem>> -> memref<1x128xi32, #tpu.memory_space<vmem>>
          %dma_start3A_403 = tpu.memref_squeeze %dma_start3A_402 : memref<1x128xi32, #tpu.memory_space<vmem>> -> memref<128xi32, #tpu.memory_space<vmem>>
          %dma_start3A_404 = arith.constant 0 : i32
          %dma_start3A_405 = tpu.memref_slice %arg3[%dma_start3A_399, %dma_start3A_404] : memref<2x320000xi32, #tpu.memory_space<hbm>> -> memref<1x320000xi32, #tpu.memory_space<hbm>>
          %dma_start3A_406 = tpu.memref_squeeze %dma_start3A_405 : memref<1x320000xi32, #tpu.memory_space<hbm>> -> memref<320000xi32, #tpu.memory_space<hbm>>
          %dma_start3A_407 = tpu.memref_slice %dma_start3A_406[%mul3A_398] : memref<320000xi32, #tpu.memory_space<hbm>> -> memref<128xi32, #tpu.memory_space<hbm>>
          %dma_start3A_408 = arith.constant 0 : i32
          %dma_start3A_409 = tpu.memref_slice %arg9[%dma_start3A_400, %dma_start3A_408] : memref<4x128xi32, #tpu.memory_space<vmem>> -> memref<1x128xi32, #tpu.memory_space<vmem>>
          %dma_start3A_410 = tpu.memref_squeeze %dma_start3A_409 : memref<1x128xi32, #tpu.memory_space<vmem>> -> memref<128xi32, #tpu.memory_space<vmem>>
          %dma_start3A_411 = arith.constant 0 : i32
          %dma_start3A_412 = tpu.memref_slice %arg3[%dma_start3A_399, %dma_start3A_411] : memref<2x320000xi32, #tpu.memory_space<hbm>> -> memref<1x320000xi32, #tpu.memory_space<hbm>>
          %dma_start3A_413 = tpu.memref_squeeze %dma_start3A_412 : memref<1x320000xi32, #tpu.memory_space<hbm>> -> memref<320000xi32, #tpu.memory_space<hbm>>
          %dma_start3A_414 = tpu.memref_slice %dma_start3A_413[%mul3A_398] : memref<320000xi32, #tpu.memory_space<hbm>> -> memref<128xi32, #tpu.memory_space<hbm>>
          tpu.enqueue_dma source(%dma_start3A_414 : memref<128xi32, #tpu.memory_space<hbm>>) target(%dma_start3A_410 : memref<128xi32, #tpu.memory_space<vmem>>) target_semaphore(%arg17 : memref<!tpu.dma_semaphore, #tpu.memory_space<semaphore_mem>>)
          %dma_start3A_415 = arith.constant 1 : i32
          %dma_start3A_416 = arith.constant 2 : i32
          %dma_start3A_417 = arith.constant 0 : i32
          %dma_start3A_418 = tpu.memref_slice %arg10[%dma_start3A_416, %dma_start3A_417] : memref<4x128xi32, #tpu.memory_space<vmem>> -> memref<1x128xi32, #tpu.memory_space<vmem>>
          %dma_start3A_419 = tpu.memref_squeeze %dma_start3A_418 : memref<1x128xi32, #tpu.memory_space<vmem>> -> memref<128xi32, #tpu.memory_space<vmem>>
          %dma_start3A_420 = arith.constant 0 : i32
          %dma_start3A_421 = tpu.memref_slice %arg3[%dma_start3A_415, %dma_start3A_420] : memref<2x320000xi32, #tpu.memory_space<hbm>> -> memref<1x320000xi32, #tpu.memory_space<hbm>>
          %dma_start3A_422 = tpu.memref_squeeze %dma_start3A_421 : memref<1x320000xi32, #tpu.memory_space<hbm>> -> memref<320000xi32, #tpu.memory_space<hbm>>
          %dma_start3A_423 = tpu.memref_slice %dma_start3A_422[%mul3A_398] : memref<320000xi32, #tpu.memory_space<hbm>> -> memref<128xi32, #tpu.memory_space<hbm>>
          %dma_start3A_424 = arith.constant 0 : i32
          %dma_start3A_425 = tpu.memref_slice %arg10[%dma_start3A_416, %dma_start3A_424] : memref<4x128xi32, #tpu.memory_space<vmem>> -> memref<1x128xi32, #tpu.memory_space<vmem>>
          %dma_start3A_426 = tpu.memref_squeeze %dma_start3A_425 : memref<1x128xi32, #tpu.memory_space<vmem>> -> memref<128xi32, #tpu.memory_space<vmem>>
          %dma_start3A_427 = arith.constant 0 : i32
          %dma_start3A_428 = tpu.memref_slice %arg3[%dma_start3A_415, %dma_start3A_427] : memref<2x320000xi32, #tpu.memory_space<hbm>> -> memref<1x320000xi32, #tpu.memory_space<hbm>>
          %dma_start3A_429 = tpu.memref_squeeze %dma_start3A_428 : memref<1x320000xi32, #tpu.memory_space<hbm>> -> memref<320000xi32, #tpu.memory_space<hbm>>
          %dma_start3A_430 = tpu.memref_slice %dma_start3A_429[%mul3A_398] : memref<320000xi32, #tpu.memory_space<hbm>> -> memref<128xi32, #tpu.memory_space<hbm>>
          tpu.enqueue_dma source(%dma_start3A_430 : memref<128xi32, #tpu.memory_space<hbm>>) target(%dma_start3A_426 : memref<128xi32, #tpu.memory_space<vmem>>) target_semaphore(%arg17 : memref<!tpu.dma_semaphore, #tpu.memory_space<semaphore_mem>>)
        } else {
        }
      } else {
      }
    }
    %while3A_235 = arith.constant 1 : i32
    scf.for %while3A_270 = %while3A_233 to %while3A_229 step %while3A_235  : i32 {
      %mul3A_271 = arith.constant 4 : i32
      %mul3A_272 = arith.muli %while3A_270, %mul3A_271 : i32
      %dma_wait3A_273 = arith.constant 0 : i32
      %dma_wait3A_274 = arith.constant 0 : i32
      %dma_wait3A_275 = arith.constant 0 : i32
      %dma_wait3A_276 = arith.constant 0 : i32
      %dma_wait3A_277 = tpu.memref_slice %arg11[%dma_wait3A_274, %dma_wait3A_275, %dma_wait3A_276] : memref<2x128x128xf32, #tpu.memory_space<vmem>> -> memref<1x128x128xf32, #tpu.memory_space<vmem>>
      %dma_wait3A_278 = tpu.memref_squeeze %dma_wait3A_277 : memref<1x128x128xf32, #tpu.memory_space<vmem>> -> memref<128x128xf32, #tpu.memory_space<vmem>>
      %dma_wait3A_279 = arith.constant 0 : i32
      %dma_wait3A_280 = tpu.memref_slice %arg9[%dma_wait3A_273, %dma_wait3A_279] : memref<4x128xi32, #tpu.memory_space<vmem>> -> memref<1x128xi32, #tpu.memory_space<vmem>>
      %dma_wait3A_281 = tpu.memref_squeeze %dma_wait3A_280 : memref<1x128xi32, #tpu.memory_space<vmem>> -> memref<128xi32, #tpu.memory_space<vmem>>
      %dma_wait3A_282 = arith.constant 0 : i32
      %dma_wait3A_283 = arith.constant 0 : i32
      %dma_wait3A_284 = tpu.memref_slice %arg2[%dma_wait3A_282, %dma_wait3A_283] : memref<10000x128xf32, #tpu.memory_space<hbm>> -> memref<10000x128xf32, #tpu.memory_space<hbm>>
      tpu.wait_indirect_dma semaphore(%arg19 : memref<!tpu.dma_semaphore, #tpu.memory_space<semaphore_mem>>) src(%dma_wait3A_284 : memref<10000x128xf32, #tpu.memory_space<hbm>>) dst(%dma_wait3A_278 : memref<128x128xf32, #tpu.memory_space<vmem>>)
      %ge3A = arith.constant 1 : i32
      %ge3A_285 = arith.cmpi sge, %mul3A_272, %ge3A : i32
      %convert_element_type3A_286 = arith.extui %ge3A_285 : i1 to i32
      %cond3A_287 = arith.constant 0 : i32
      %cond3A_288 = arith.cmpi ne, %convert_element_type3A_286, %cond3A_287 : i32
      scf.if %cond3A_288 {
        %dma_wait3A_341 = arith.constant 1 : i32
        %dma_wait3A_342 = arith.constant 0 : i32
        %dma_wait3A_343 = arith.constant 0 : i32
        %dma_wait3A_344 = arith.constant 0 : i32
        %dma_wait3A_345 = tpu.memref_slice %arg11[%dma_wait3A_341, %dma_wait3A_343, %dma_wait3A_344] : memref<2x128x128xf32, #tpu.memory_space<vmem>> -> memref<1x128x128xf32, #tpu.memory_space<vmem>>
        %dma_wait3A_346 = tpu.memref_squeeze %dma_wait3A_345 : memref<1x128x128xf32, #tpu.memory_space<vmem>> -> memref<128x128xf32, #tpu.memory_space<vmem>>
        %dma_wait3A_347 = arith.constant 0 : i32
        %dma_wait3A_348 = tpu.memref_slice %arg10[%dma_wait3A_342, %dma_wait3A_347] : memref<4x128xi32, #tpu.memory_space<vmem>> -> memref<1x128xi32, #tpu.memory_space<vmem>>
        %dma_wait3A_349 = tpu.memref_squeeze %dma_wait3A_348 : memref<1x128xi32, #tpu.memory_space<vmem>> -> memref<128xi32, #tpu.memory_space<vmem>>
        %dma_wait3A_350 = arith.constant 0 : i32
        %dma_wait3A_351 = arith.constant 0 : i32
        %dma_wait3A_352 = tpu.memref_slice %arg13[%dma_wait3A_350, %dma_wait3A_351] : memref<10112x128xf32, #tpu.memory_space<vmem_shared>> -> memref<10112x128xf32, #tpu.memory_space<vmem_shared>>
        tpu.wait_indirect_dma semaphore(%arg22 : memref<!tpu.dma_semaphore, #tpu.memory_space<semaphore_mem>>) src(%dma_wait3A_346 : memref<128x128xf32, #tpu.memory_space<vmem>>) dst(%dma_wait3A_352 : memref<10112x128xf32, #tpu.memory_space<vmem_shared>>)
        %dma_wait3A_353 = arith.constant 0 : i32
        %dma_wait3A_354 = arith.constant 0 : i32
        %dma_wait3A_355 = tpu.memref_slice %arg10[%dma_wait3A_353, %dma_wait3A_354] : memref<4x128xi32, #tpu.memory_space<vmem>> -> memref<1x128xi32, #tpu.memory_space<vmem>>
        %dma_wait3A_356 = tpu.memref_squeeze %dma_wait3A_355 : memref<1x128xi32, #tpu.memory_space<vmem>> -> memref<128xi32, #tpu.memory_space<vmem>>
        %dma_wait3A_357 = arith.constant 0 : i32
        %dma_wait3A_358 = arith.constant 0 : i32
        %dma_wait3A_359 = tpu.memref_slice %arg14[%dma_wait3A_357, %dma_wait3A_358] : memref<10112x16xf32, #tpu.memory_space<vmem_shared>> -> memref<10112x16xf32, #tpu.memory_space<vmem_shared>>
        tpu.wait_indirect_dma semaphore(%arg24 : memref<!tpu.dma_semaphore, #tpu.memory_space<semaphore_mem>>) src(%arg12 : memref<128x16xf32, #tpu.memory_space<vmem>>) dst(%dma_wait3A_359 : memref<10112x16xf32, #tpu.memory_space<vmem_shared>>)
      } else {
      }
      %add3A_289 = arith.constant 1 : i32
      %add3A_290 = arith.addi %mul3A_272, %add3A_289 : i32
      %lt3A_291 = arith.cmpi slt, %add3A_290, %add3A_4 : i32
      %convert_element_type3A_292 = arith.extui %lt3A_291 : i1 to i32
      %cond3A_293 = arith.constant 0 : i32
      %cond3A_294 = arith.cmpi ne, %convert_element_type3A_292, %cond3A_293 : i32
      scf.if %cond3A_294 {
        %add3A_341 = arith.constant 1 : i32
        %add3A_342 = arith.addi %mul3A_272, %add3A_341 : i32
        %add3A_343 = arith.addi %add3A_8, %add3A_342 : i32
        %mul3A_344 = arith.constant 128 : i32
        %mul3A_345 = arith.muli %add3A_343, %mul3A_344 : i32
        %dma_wait3A_346 = arith.constant 0 : i32
        %dma_wait3A_347 = arith.constant 1 : i32
        %dma_wait3A_348 = arith.constant 0 : i32
        %dma_wait3A_349 = tpu.memref_slice %arg9[%dma_wait3A_347, %dma_wait3A_348] : memref<4x128xi32, #tpu.memory_space<vmem>> -> memref<1x128xi32, #tpu.memory_space<vmem>>
        %dma_wait3A_350 = tpu.memref_squeeze %dma_wait3A_349 : memref<1x128xi32, #tpu.memory_space<vmem>> -> memref<128xi32, #tpu.memory_space<vmem>>
        %dma_wait3A_351 = arith.constant 0 : i32
        %dma_wait3A_352 = tpu.memref_slice %arg3[%dma_wait3A_346, %dma_wait3A_351] : memref<2x320000xi32, #tpu.memory_space<hbm>> -> memref<1x320000xi32, #tpu.memory_space<hbm>>
        %dma_wait3A_353 = tpu.memref_squeeze %dma_wait3A_352 : memref<1x320000xi32, #tpu.memory_space<hbm>> -> memref<320000xi32, #tpu.memory_space<hbm>>
        %dma_wait3A_354 = tpu.memref_slice %dma_wait3A_353[%mul3A_345] : memref<320000xi32, #tpu.memory_space<hbm>> -> memref<128xi32, #tpu.memory_space<hbm>>
        %dma_wait3A_355 = arith.constant 0 : i32
        %dma_wait3A_356 = tpu.memref_slice %arg9[%dma_wait3A_347, %dma_wait3A_355] : memref<4x128xi32, #tpu.memory_space<vmem>> -> memref<1x128xi32, #tpu.memory_space<vmem>>
        %dma_wait3A_357 = tpu.memref_squeeze %dma_wait3A_356 : memref<1x128xi32, #tpu.memory_space<vmem>> -> memref<128xi32, #tpu.memory_space<vmem>>
        %dma_wait3A_358 = arith.constant 0 : i32
        %dma_wait3A_359 = tpu.memref_slice %arg3[%dma_wait3A_346, %dma_wait3A_358] : memref<2x320000xi32, #tpu.memory_space<hbm>> -> memref<1x320000xi32, #tpu.memory_space<hbm>>
        %dma_wait3A_360 = tpu.memref_squeeze %dma_wait3A_359 : memref<1x320000xi32, #tpu.memory_space<hbm>> -> memref<320000xi32, #tpu.memory_space<hbm>>
        %dma_wait3A_361 = tpu.memref_slice %dma_wait3A_360[%mul3A_345] : memref<320000xi32, #tpu.memory_space<hbm>> -> memref<128xi32, #tpu.memory_space<hbm>>
        tpu.wait_dma2 semaphore(%arg16 : memref<!tpu.dma_semaphore, #tpu.memory_space<semaphore_mem>>) src(%dma_wait3A_361 : memref<128xi32, #tpu.memory_space<hbm>>) dst(%dma_wait3A_357 : memref<128xi32, #tpu.memory_space<vmem>>)
        %dma_wait3A_362 = arith.constant 1 : i32
        %dma_wait3A_363 = arith.constant 1 : i32
        %dma_wait3A_364 = arith.constant 0 : i32
        %dma_wait3A_365 = tpu.memref_slice %arg10[%dma_wait3A_363, %dma_wait3A_364] : memref<4x128xi32, #tpu.memory_space<vmem>> -> memref<1x128xi32, #tpu.memory_space<vmem>>
        %dma_wait3A_366 = tpu.memref_squeeze %dma_wait3A_365 : memref<1x128xi32, #tpu.memory_space<vmem>> -> memref<128xi32, #tpu.memory_space<vmem>>
        %dma_wait3A_367 = arith.constant 0 : i32
        %dma_wait3A_368 = tpu.memref_slice %arg3[%dma_wait3A_362, %dma_wait3A_367] : memref<2x320000xi32, #tpu.memory_space<hbm>> -> memref<1x320000xi32, #tpu.memory_space<hbm>>
        %dma_wait3A_369 = tpu.memref_squeeze %dma_wait3A_368 : memref<1x320000xi32, #tpu.memory_space<hbm>> -> memref<320000xi32, #tpu.memory_space<hbm>>
        %dma_wait3A_370 = tpu.memref_slice %dma_wait3A_369[%mul3A_345] : memref<320000xi32, #tpu.memory_space<hbm>> -> memref<128xi32, #tpu.memory_space<hbm>>
        %dma_wait3A_371 = arith.constant 0 : i32
        %dma_wait3A_372 = tpu.memref_slice %arg10[%dma_wait3A_363, %dma_wait3A_371] : memref<4x128xi32, #tpu.memory_space<vmem>> -> memref<1x128xi32, #tpu.memory_space<vmem>>
        %dma_wait3A_373 = tpu.memref_squeeze %dma_wait3A_372 : memref<1x128xi32, #tpu.memory_space<vmem>> -> memref<128xi32, #tpu.memory_space<vmem>>
        %dma_wait3A_374 = arith.constant 0 : i32
        %dma_wait3A_375 = tpu.memref_slice %arg3[%dma_wait3A_362, %dma_wait3A_374] : memref<2x320000xi32, #tpu.memory_space<hbm>> -> memref<1x320000xi32, #tpu.memory_space<hbm>>
        %dma_wait3A_376 = tpu.memref_squeeze %dma_wait3A_375 : memref<1x320000xi32, #tpu.memory_space<hbm>> -> memref<320000xi32, #tpu.memory_space<hbm>>
        %dma_wait3A_377 = tpu.memref_slice %dma_wait3A_376[%mul3A_345] : memref<320000xi32, #tpu.memory_space<hbm>> -> memref<128xi32, #tpu.memory_space<hbm>>
        tpu.wait_dma2 semaphore(%arg16 : memref<!tpu.dma_semaphore, #tpu.memory_space<semaphore_mem>>) src(%dma_wait3A_377 : memref<128xi32, #tpu.memory_space<hbm>>) dst(%dma_wait3A_373 : memref<128xi32, #tpu.memory_space<vmem>>)
        %dma_start3A_378 = arith.constant 1 : i32
        %dma_start3A_379 = arith.constant 1 : i32
        %dma_start3A_380 = arith.constant 0 : i32
        %dma_start3A_381 = arith.constant 0 : i32
        %dma_start3A_382 = tpu.memref_slice %arg11[%dma_start3A_379, %dma_start3A_380, %dma_start3A_381] : memref<2x128x128xf32, #tpu.memory_space<vmem>> -> memref<1x128x128xf32, #tpu.memory_space<vmem>>
        %dma_start3A_383 = tpu.memref_squeeze %dma_start3A_382 : memref<1x128x128xf32, #tpu.memory_space<vmem>> -> memref<128x128xf32, #tpu.memory_space<vmem>>
        %dma_start3A_384 = arith.constant 0 : i32
        %dma_start3A_385 = tpu.memref_slice %arg9[%dma_start3A_378, %dma_start3A_384] : memref<4x128xi32, #tpu.memory_space<vmem>> -> memref<1x128xi32, #tpu.memory_space<vmem>>
        %dma_start3A_386 = tpu.memref_squeeze %dma_start3A_385 : memref<1x128xi32, #tpu.memory_space<vmem>> -> memref<128xi32, #tpu.memory_space<vmem>>
        %dma_start3A_387 = arith.constant 0 : i32
        %dma_start3A_388 = arith.constant 0 : i32
        %dma_start3A_389 = tpu.memref_slice %arg2[%dma_start3A_387, %dma_start3A_388] : memref<10000x128xf32, #tpu.memory_space<hbm>> -> memref<10000x128xf32, #tpu.memory_space<hbm>>
        tpu.enqueue_indirect_dma source(%dma_start3A_389 : memref<10000x128xf32, #tpu.memory_space<hbm>>) target(%dma_start3A_383 : memref<128x128xf32, #tpu.memory_space<vmem>>) offsets(%dma_start3A_386 : memref<128xi32, #tpu.memory_space<vmem>>) semaphore(%arg20 : memref<!tpu.dma_semaphore, #tpu.memory_space<semaphore_mem>>)
      } else {
      }
      %dma_start3A_295 = arith.constant 0 : i32
      %dma_start3A_296 = arith.constant 0 : i32
      %dma_start3A_297 = arith.constant 0 : i32
      %dma_start3A_298 = arith.constant 0 : i32
      %dma_start3A_299 = tpu.memref_slice %arg11[%dma_start3A_295, %dma_start3A_297, %dma_start3A_298] : memref<2x128x128xf32, #tpu.memory_space<vmem>> -> memref<1x128x128xf32, #tpu.memory_space<vmem>>
      %dma_start3A_300 = tpu.memref_squeeze %dma_start3A_299 : memref<1x128x128xf32, #tpu.memory_space<vmem>> -> memref<128x128xf32, #tpu.memory_space<vmem>>
      %dma_start3A_301 = arith.constant 0 : i32
      %dma_start3A_302 = tpu.memref_slice %arg10[%dma_start3A_296, %dma_start3A_301] : memref<4x128xi32, #tpu.memory_space<vmem>> -> memref<1x128xi32, #tpu.memory_space<vmem>>
      %dma_start3A_303 = tpu.memref_squeeze %dma_start3A_302 : memref<1x128xi32, #tpu.memory_space<vmem>> -> memref<128xi32, #tpu.memory_space<vmem>>
      %dma_start3A_304 = arith.constant 0 : i32
      %dma_start3A_305 = arith.constant 0 : i32
      %dma_start3A_306 = tpu.memref_slice %arg13[%dma_start3A_304, %dma_start3A_305] : memref<10112x128xf32, #tpu.memory_space<vmem_shared>> -> memref<10112x128xf32, #tpu.memory_space<vmem_shared>>
      tpu.enqueue_indirect_dma source(%dma_start3A_300 : memref<128x128xf32, #tpu.memory_space<vmem>>) target(%dma_start3A_306 : memref<10112x128xf32, #tpu.memory_space<vmem_shared>>) offsets(%dma_start3A_303 : memref<128xi32, #tpu.memory_space<vmem>>) semaphore(%arg21 : memref<!tpu.dma_semaphore, #tpu.memory_space<semaphore_mem>>) {add = true}
      %dma_start3A_307 = arith.constant 0 : i32
      %dma_start3A_308 = arith.constant 0 : i32
      %dma_start3A_309 = tpu.memref_slice %arg10[%dma_start3A_307, %dma_start3A_308] : memref<4x128xi32, #tpu.memory_space<vmem>> -> memref<1x128xi32, #tpu.memory_space<vmem>>
      %dma_start3A_310 = tpu.memref_squeeze %dma_start3A_309 : memref<1x128xi32, #tpu.memory_space<vmem>> -> memref<128xi32, #tpu.memory_space<vmem>>
      %dma_start3A_311 = arith.constant 0 : i32
      %dma_start3A_312 = arith.constant 0 : i32
      %dma_start3A_313 = tpu.memref_slice %arg14[%dma_start3A_311, %dma_start3A_312] : memref<10112x16xf32, #tpu.memory_space<vmem_shared>> -> memref<10112x16xf32, #tpu.memory_space<vmem_shared>>
      tpu.enqueue_indirect_dma source(%arg12 : memref<128x16xf32, #tpu.memory_space<vmem>>) target(%dma_start3A_313 : memref<10112x16xf32, #tpu.memory_space<vmem_shared>>) offsets(%dma_start3A_310 : memref<128xi32, #tpu.memory_space<vmem>>) semaphore(%arg23 : memref<!tpu.dma_semaphore, #tpu.memory_space<semaphore_mem>>) {add = true}
      %add3A_314 = arith.constant 3 : i32
      %add3A_315 = arith.addi %mul3A_272, %add3A_314 : i32
      %lt3A_316 = arith.cmpi slt, %add3A_315, %add3A_4 : i32
      %ge3A_317 = arith.constant 1 : i32
      %ge3A_318 = arith.cmpi sge, %mul3A_272, %ge3A_317 : i32
      %and3A_319 = arith.andi %lt3A_316, %ge3A_318 : i1
      %convert_element_type3A_320 = arith.extui %and3A_319 : i1 to i32
      %cond3A_321 = arith.constant 0 : i32
      %cond3A_322 = arith.cmpi ne, %convert_element_type3A_320, %cond3A_321 : i32
      scf.if %cond3A_322 {
        %add3A_341 = arith.constant 3 : i32
        %add3A_342 = arith.addi %mul3A_272, %add3A_341 : i32
        %add3A_343 = arith.addi %add3A_8, %add3A_342 : i32
        %mul3A_344 = arith.constant 128 : i32
        %mul3A_345 = arith.muli %add3A_343, %mul3A_344 : i32
        %dma_start3A_346 = arith.constant 0 : i32
        %dma_start3A_347 = arith.constant 3 : i32
        %dma_start3A_348 = arith.constant 0 : i32
        %dma_start3A_349 = tpu.memref_slice %arg9[%dma_start3A_347, %dma_start3A_348] : memref<4x128xi32, #tpu.memory_space<vmem>> -> memref<1x128xi32, #tpu.memory_space<vmem>>
        %dma_start3A_350 = tpu.memref_squeeze %dma_start3A_349 : memref<1x128xi32, #tpu.memory_space<vmem>> -> memref<128xi32, #tpu.memory_space<vmem>>
        %dma_start3A_351 = arith.constant 0 : i32
        %dma_start3A_352 = tpu.memref_slice %arg3[%dma_start3A_346, %dma_start3A_351] : memref<2x320000xi32, #tpu.memory_space<hbm>> -> memref<1x320000xi32, #tpu.memory_space<hbm>>
        %dma_start3A_353 = tpu.memref_squeeze %dma_start3A_352 : memref<1x320000xi32, #tpu.memory_space<hbm>> -> memref<320000xi32, #tpu.memory_space<hbm>>
        %dma_start3A_354 = tpu.memref_slice %dma_start3A_353[%mul3A_345] : memref<320000xi32, #tpu.memory_space<hbm>> -> memref<128xi32, #tpu.memory_space<hbm>>
        %dma_start3A_355 = arith.constant 0 : i32
        %dma_start3A_356 = tpu.memref_slice %arg9[%dma_start3A_347, %dma_start3A_355] : memref<4x128xi32, #tpu.memory_space<vmem>> -> memref<1x128xi32, #tpu.memory_space<vmem>>
        %dma_start3A_357 = tpu.memref_squeeze %dma_start3A_356 : memref<1x128xi32, #tpu.memory_space<vmem>> -> memref<128xi32, #tpu.memory_space<vmem>>
        %dma_start3A_358 = arith.constant 0 : i32
        %dma_start3A_359 = tpu.memref_slice %arg3[%dma_start3A_346, %dma_start3A_358] : memref<2x320000xi32, #tpu.memory_space<hbm>> -> memref<1x320000xi32, #tpu.memory_space<hbm>>
        %dma_start3A_360 = tpu.memref_squeeze %dma_start3A_359 : memref<1x320000xi32, #tpu.memory_space<hbm>> -> memref<320000xi32, #tpu.memory_space<hbm>>
        %dma_start3A_361 = tpu.memref_slice %dma_start3A_360[%mul3A_345] : memref<320000xi32, #tpu.memory_space<hbm>> -> memref<128xi32, #tpu.memory_space<hbm>>
        tpu.enqueue_dma source(%dma_start3A_361 : memref<128xi32, #tpu.memory_space<hbm>>) target(%dma_start3A_357 : memref<128xi32, #tpu.memory_space<vmem>>) target_semaphore(%arg18 : memref<!tpu.dma_semaphore, #tpu.memory_space<semaphore_mem>>)
        %dma_start3A_362 = arith.constant 1 : i32
        %dma_start3A_363 = arith.constant 3 : i32
        %dma_start3A_364 = arith.constant 0 : i32
        %dma_start3A_365 = tpu.memref_slice %arg10[%dma_start3A_363, %dma_start3A_364] : memref<4x128xi32, #tpu.memory_space<vmem>> -> memref<1x128xi32, #tpu.memory_space<vmem>>
        %dma_start3A_366 = tpu.memref_squeeze %dma_start3A_365 : memref<1x128xi32, #tpu.memory_space<vmem>> -> memref<128xi32, #tpu.memory_space<vmem>>
        %dma_start3A_367 = arith.constant 0 : i32
        %dma_start3A_368 = tpu.memref_slice %arg3[%dma_start3A_362, %dma_start3A_367] : memref<2x320000xi32, #tpu.memory_space<hbm>> -> memref<1x320000xi32, #tpu.memory_space<hbm>>
        %dma_start3A_369 = tpu.memref_squeeze %dma_start3A_368 : memref<1x320000xi32, #tpu.memory_space<hbm>> -> memref<320000xi32, #tpu.memory_space<hbm>>
        %dma_start3A_370 = tpu.memref_slice %dma_start3A_369[%mul3A_345] : memref<320000xi32, #tpu.memory_space<hbm>> -> memref<128xi32, #tpu.memory_space<hbm>>
        %dma_start3A_371 = arith.constant 0 : i32
        %dma_start3A_372 = tpu.memref_slice %arg10[%dma_start3A_363, %dma_start3A_371] : memref<4x128xi32, #tpu.memory_space<vmem>> -> memref<1x128xi32, #tpu.memory_space<vmem>>
        %dma_start3A_373 = tpu.memref_squeeze %dma_start3A_372 : memref<1x128xi32, #tpu.memory_space<vmem>> -> memref<128xi32, #tpu.memory_space<vmem>>
        %dma_start3A_374 = arith.constant 0 : i32
        %dma_start3A_375 = tpu.memref_slice %arg3[%dma_start3A_362, %dma_start3A_374] : memref<2x320000xi32, #tpu.memory_space<hbm>> -> memref<1x320000xi32, #tpu.memory_space<hbm>>
        %dma_start3A_376 = tpu.memref_squeeze %dma_start3A_375 : memref<1x320000xi32, #tpu.memory_space<hbm>> -> memref<320000xi32, #tpu.memory_space<hbm>>
        %dma_start3A_377 = tpu.memref_slice %dma_start3A_376[%mul3A_345] : memref<320000xi32, #tpu.memory_space<hbm>> -> memref<128xi32, #tpu.memory_space<hbm>>
        tpu.enqueue_dma source(%dma_start3A_377 : memref<128xi32, #tpu.memory_space<hbm>>) target(%dma_start3A_373 : memref<128xi32, #tpu.memory_space<vmem>>) target_semaphore(%arg18 : memref<!tpu.dma_semaphore, #tpu.memory_space<semaphore_mem>>)
      } else {
      }
      %add3A_323 = arith.constant 1 : i32
      %add3A_324 = arith.addi %mul3A_272, %add3A_323 : i32
      %lt3A_325 = arith.cmpi slt, %add3A_324, %add3A_4 : i32
      %convert_element_type3A_326 = arith.extui %lt3A_325 : i1 to i32
      %cond3A_327 = arith.constant 0 : i32
      %cond3A_328 = arith.cmpi ne, %convert_element_type3A_326, %cond3A_327 : i32
      scf.if %cond3A_328 {
        %add3A_341 = arith.constant 1 : i32
        %add3A_342 = arith.addi %mul3A_272, %add3A_341 : i32
        %dma_wait3A_343 = arith.constant 1 : i32
        %dma_wait3A_344 = arith.constant 1 : i32
        %dma_wait3A_345 = arith.constant 0 : i32
        %dma_wait3A_346 = arith.constant 0 : i32
        %dma_wait3A_347 = tpu.memref_slice %arg11[%dma_wait3A_344, %dma_wait3A_345, %dma_wait3A_346] : memref<2x128x128xf32, #tpu.memory_space<vmem>> -> memref<1x128x128xf32, #tpu.memory_space<vmem>>
        %dma_wait3A_348 = tpu.memref_squeeze %dma_wait3A_347 : memref<1x128x128xf32, #tpu.memory_space<vmem>> -> memref<128x128xf32, #tpu.memory_space<vmem>>
        %dma_wait3A_349 = arith.constant 0 : i32
        %dma_wait3A_350 = tpu.memref_slice %arg9[%dma_wait3A_343, %dma_wait3A_349] : memref<4x128xi32, #tpu.memory_space<vmem>> -> memref<1x128xi32, #tpu.memory_space<vmem>>
        %dma_wait3A_351 = tpu.memref_squeeze %dma_wait3A_350 : memref<1x128xi32, #tpu.memory_space<vmem>> -> memref<128xi32, #tpu.memory_space<vmem>>
        %dma_wait3A_352 = arith.constant 0 : i32
        %dma_wait3A_353 = arith.constant 0 : i32
        %dma_wait3A_354 = tpu.memref_slice %arg2[%dma_wait3A_352, %dma_wait3A_353] : memref<10000x128xf32, #tpu.memory_space<hbm>> -> memref<10000x128xf32, #tpu.memory_space<hbm>>
        tpu.wait_indirect_dma semaphore(%arg20 : memref<!tpu.dma_semaphore, #tpu.memory_space<semaphore_mem>>) src(%dma_wait3A_354 : memref<10000x128xf32, #tpu.memory_space<hbm>>) dst(%dma_wait3A_348 : memref<128x128xf32, #tpu.memory_space<vmem>>)
        %ge3A_355 = arith.constant 1 : i32
        %ge3A_356 = arith.cmpi sge, %add3A_342, %ge3A_355 : i32
        %convert_element_type3A_357 = arith.extui %ge3A_356 : i1 to i32
        %cond3A_358 = arith.constant 0 : i32
        %cond3A_359 = arith.cmpi ne, %convert_element_type3A_357, %cond3A_358 : i32
        scf.if %cond3A_359 {
          %dma_wait3A_394 = arith.constant 0 : i32
          %dma_wait3A_395 = arith.constant 0 : i32
          %dma_wait3A_396 = arith.constant 0 : i32
          %dma_wait3A_397 = arith.constant 0 : i32
          %dma_wait3A_398 = tpu.memref_slice %arg11[%dma_wait3A_394, %dma_wait3A_396, %dma_wait3A_397] : memref<2x128x128xf32, #tpu.memory_space<vmem>> -> memref<1x128x128xf32, #tpu.memory_space<vmem>>
          %dma_wait3A_399 = tpu.memref_squeeze %dma_wait3A_398 : memref<1x128x128xf32, #tpu.memory_space<vmem>> -> memref<128x128xf32, #tpu.memory_space<vmem>>
          %dma_wait3A_400 = arith.constant 0 : i32
          %dma_wait3A_401 = tpu.memref_slice %arg10[%dma_wait3A_395, %dma_wait3A_400] : memref<4x128xi32, #tpu.memory_space<vmem>> -> memref<1x128xi32, #tpu.memory_space<vmem>>
          %dma_wait3A_402 = tpu.memref_squeeze %dma_wait3A_401 : memref<1x128xi32, #tpu.memory_space<vmem>> -> memref<128xi32, #tpu.memory_space<vmem>>
          %dma_wait3A_403 = arith.constant 0 : i32
          %dma_wait3A_404 = arith.constant 0 : i32
          %dma_wait3A_405 = tpu.memref_slice %arg13[%dma_wait3A_403, %dma_wait3A_404] : memref<10112x128xf32, #tpu.memory_space<vmem_shared>> -> memref<10112x128xf32, #tpu.memory_space<vmem_shared>>
          tpu.wait_indirect_dma semaphore(%arg21 : memref<!tpu.dma_semaphore, #tpu.memory_space<semaphore_mem>>) src(%dma_wait3A_399 : memref<128x128xf32, #tpu.memory_space<vmem>>) dst(%dma_wait3A_405 : memref<10112x128xf32, #tpu.memory_space<vmem_shared>>)
          %dma_wait3A_406 = arith.constant 0 : i32
          %dma_wait3A_407 = arith.constant 0 : i32
          %dma_wait3A_408 = tpu.memref_slice %arg10[%dma_wait3A_406, %dma_wait3A_407] : memref<4x128xi32, #tpu.memory_space<vmem>> -> memref<1x128xi32, #tpu.memory_space<vmem>>
          %dma_wait3A_409 = tpu.memref_squeeze %dma_wait3A_408 : memref<1x128xi32, #tpu.memory_space<vmem>> -> memref<128xi32, #tpu.memory_space<vmem>>
          %dma_wait3A_410 = arith.constant 0 : i32
          %dma_wait3A_411 = arith.constant 0 : i32
          %dma_wait3A_412 = tpu.memref_slice %arg14[%dma_wait3A_410, %dma_wait3A_411] : memref<10112x16xf32, #tpu.memory_space<vmem_shared>> -> memref<10112x16xf32, #tpu.memory_space<vmem_shared>>
          tpu.wait_indirect_dma semaphore(%arg23 : memref<!tpu.dma_semaphore, #tpu.memory_space<semaphore_mem>>) src(%arg12 : memref<128x16xf32, #tpu.memory_space<vmem>>) dst(%dma_wait3A_412 : memref<10112x16xf32, #tpu.memory_space<vmem_shared>>)
        } else {
        }
        %add3A_360 = arith.constant 1 : i32
        %add3A_361 = arith.addi %add3A_342, %add3A_360 : i32
        %lt3A_362 = arith.cmpi slt, %add3A_361, %add3A_4 : i32
        %convert_element_type3A_363 = arith.extui %lt3A_362 : i1 to i32
        %cond3A_364 = arith.constant 0 : i32
        %cond3A_365 = arith.cmpi ne, %convert_element_type3A_363, %cond3A_364 : i32
        scf.if %cond3A_365 {
          %add3A_394 = arith.constant 1 : i32
          %add3A_395 = arith.addi %add3A_342, %add3A_394 : i32
          %add3A_396 = arith.addi %add3A_8, %add3A_395 : i32
          %mul3A_397 = arith.constant 128 : i32
          %mul3A_398 = arith.muli %add3A_396, %mul3A_397 : i32
          %dma_wait3A_399 = arith.constant 0 : i32
          %dma_wait3A_400 = arith.constant 2 : i32
          %dma_wait3A_401 = arith.constant 0 : i32
          %dma_wait3A_402 = tpu.memref_slice %arg9[%dma_wait3A_400, %dma_wait3A_401] : memref<4x128xi32, #tpu.memory_space<vmem>> -> memref<1x128xi32, #tpu.memory_space<vmem>>
          %dma_wait3A_403 = tpu.memref_squeeze %dma_wait3A_402 : memref<1x128xi32, #tpu.memory_space<vmem>> -> memref<128xi32, #tpu.memory_space<vmem>>
          %dma_wait3A_404 = arith.constant 0 : i32
          %dma_wait3A_405 = tpu.memref_slice %arg3[%dma_wait3A_399, %dma_wait3A_404] : memref<2x320000xi32, #tpu.memory_space<hbm>> -> memref<1x320000xi32, #tpu.memory_space<hbm>>
          %dma_wait3A_406 = tpu.memref_squeeze %dma_wait3A_405 : memref<1x320000xi32, #tpu.memory_space<hbm>> -> memref<320000xi32, #tpu.memory_space<hbm>>
          %dma_wait3A_407 = tpu.memref_slice %dma_wait3A_406[%mul3A_398] : memref<320000xi32, #tpu.memory_space<hbm>> -> memref<128xi32, #tpu.memory_space<hbm>>
          %dma_wait3A_408 = arith.constant 0 : i32
          %dma_wait3A_409 = tpu.memref_slice %arg9[%dma_wait3A_400, %dma_wait3A_408] : memref<4x128xi32, #tpu.memory_space<vmem>> -> memref<1x128xi32, #tpu.memory_space<vmem>>
          %dma_wait3A_410 = tpu.memref_squeeze %dma_wait3A_409 : memref<1x128xi32, #tpu.memory_space<vmem>> -> memref<128xi32, #tpu.memory_space<vmem>>
          %dma_wait3A_411 = arith.constant 0 : i32
          %dma_wait3A_412 = tpu.memref_slice %arg3[%dma_wait3A_399, %dma_wait3A_411] : memref<2x320000xi32, #tpu.memory_space<hbm>> -> memref<1x320000xi32, #tpu.memory_space<hbm>>
          %dma_wait3A_413 = tpu.memref_squeeze %dma_wait3A_412 : memref<1x320000xi32, #tpu.memory_space<hbm>> -> memref<320000xi32, #tpu.memory_space<hbm>>
          %dma_wait3A_414 = tpu.memref_slice %dma_wait3A_413[%mul3A_398] : memref<320000xi32, #tpu.memory_space<hbm>> -> memref<128xi32, #tpu.memory_space<hbm>>
          tpu.wait_dma2 semaphore(%arg17 : memref<!tpu.dma_semaphore, #tpu.memory_space<semaphore_mem>>) src(%dma_wait3A_414 : memref<128xi32, #tpu.memory_space<hbm>>) dst(%dma_wait3A_410 : memref<128xi32, #tpu.memory_space<vmem>>)
          %dma_wait3A_415 = arith.constant 1 : i32
          %dma_wait3A_416 = arith.constant 2 : i32
          %dma_wait3A_417 = arith.constant 0 : i32
          %dma_wait3A_418 = tpu.memref_slice %arg10[%dma_wait3A_416, %dma_wait3A_417] : memref<4x128xi32, #tpu.memory_space<vmem>> -> memref<1x128xi32, #tpu.memory_space<vmem>>
          %dma_wait3A_419 = tpu.memref_squeeze %dma_wait3A_418 : memref<1x128xi32, #tpu.memory_space<vmem>> -> memref<128xi32, #tpu.memory_space<vmem>>
          %dma_wait3A_420 = arith.constant 0 : i32
          %dma_wait3A_421 = tpu.memref_slice %arg3[%dma_wait3A_415, %dma_wait3A_420] : memref<2x320000xi32, #tpu.memory_space<hbm>> -> memref<1x320000xi32, #tpu.memory_space<hbm>>
          %dma_wait3A_422 = tpu.memref_squeeze %dma_wait3A_421 : memref<1x320000xi32, #tpu.memory_space<hbm>> -> memref<320000xi32, #tpu.memory_space<hbm>>
          %dma_wait3A_423 = tpu.memref_slice %dma_wait3A_422[%mul3A_398] : memref<320000xi32, #tpu.memory_space<hbm>> -> memref<128xi32, #tpu.memory_space<hbm>>
          %dma_wait3A_424 = arith.constant 0 : i32
          %dma_wait3A_425 = tpu.memref_slice %arg10[%dma_wait3A_416, %dma_wait3A_424] : memref<4x128xi32, #tpu.memory_space<vmem>> -> memref<1x128xi32, #tpu.memory_space<vmem>>
          %dma_wait3A_426 = tpu.memref_squeeze %dma_wait3A_425 : memref<1x128xi32, #tpu.memory_space<vmem>> -> memref<128xi32, #tpu.memory_space<vmem>>
          %dma_wait3A_427 = arith.constant 0 : i32
          %dma_wait3A_428 = tpu.memref_slice %arg3[%dma_wait3A_415, %dma_wait3A_427] : memref<2x320000xi32, #tpu.memory_space<hbm>> -> memref<1x320000xi32, #tpu.memory_space<hbm>>
          %dma_wait3A_429 = tpu.memref_squeeze %dma_wait3A_428 : memref<1x320000xi32, #tpu.memory_space<hbm>> -> memref<320000xi32, #tpu.memory_space<hbm>>
          %dma_wait3A_430 = tpu.memref_slice %dma_wait3A_429[%mul3A_398] : memref<320000xi32, #tpu.memory_space<hbm>> -> memref<128xi32, #tpu.memory_space<hbm>>
          tpu.wait_dma2 semaphore(%arg17 : memref<!tpu.dma_semaphore, #tpu.memory_space<semaphore_mem>>) src(%dma_wait3A_430 : memref<128xi32, #tpu.memory_space<hbm>>) dst(%dma_wait3A_426 : memref<128xi32, #tpu.memory_space<vmem>>)
          %dma_start3A_431 = arith.constant 2 : i32
          %dma_start3A_432 = arith.constant 0 : i32
          %dma_start3A_433 = arith.constant 0 : i32
          %dma_start3A_434 = arith.constant 0 : i32
          %dma_start3A_435 = tpu.memref_slice %arg11[%dma_start3A_432, %dma_start3A_433, %dma_start3A_434] : memref<2x128x128xf32, #tpu.memory_space<vmem>> -> memref<1x128x128xf32, #tpu.memory_space<vmem>>
          %dma_start3A_436 = tpu.memref_squeeze %dma_start3A_435 : memref<1x128x128xf32, #tpu.memory_space<vmem>> -> memref<128x128xf32, #tpu.memory_space<vmem>>
          %dma_start3A_437 = arith.constant 0 : i32
          %dma_start3A_438 = tpu.memref_slice %arg9[%dma_start3A_431, %dma_start3A_437] : memref<4x128xi32, #tpu.memory_space<vmem>> -> memref<1x128xi32, #tpu.memory_space<vmem>>
          %dma_start3A_439 = tpu.memref_squeeze %dma_start3A_438 : memref<1x128xi32, #tpu.memory_space<vmem>> -> memref<128xi32, #tpu.memory_space<vmem>>
          %dma_start3A_440 = arith.constant 0 : i32
          %dma_start3A_441 = arith.constant 0 : i32
          %dma_start3A_442 = tpu.memref_slice %arg2[%dma_start3A_440, %dma_start3A_441] : memref<10000x128xf32, #tpu.memory_space<hbm>> -> memref<10000x128xf32, #tpu.memory_space<hbm>>
          tpu.enqueue_indirect_dma source(%dma_start3A_442 : memref<10000x128xf32, #tpu.memory_space<hbm>>) target(%dma_start3A_436 : memref<128x128xf32, #tpu.memory_space<vmem>>) offsets(%dma_start3A_439 : memref<128xi32, #tpu.memory_space<vmem>>) semaphore(%arg19 : memref<!tpu.dma_semaphore, #tpu.memory_space<semaphore_mem>>)
        } else {
        }
        %dma_start3A_366 = arith.constant 1 : i32
        %dma_start3A_367 = arith.constant 1 : i32
        %dma_start3A_368 = arith.constant 0 : i32
        %dma_start3A_369 = arith.constant 0 : i32
        %dma_start3A_370 = tpu.memref_slice %arg11[%dma_start3A_366, %dma_start3A_368, %dma_start3A_369] : memref<2x128x128xf32, #tpu.memory_space<vmem>> -> memref<1x128x128xf32, #tpu.memory_space<vmem>>
        %dma_start3A_371 = tpu.memref_squeeze %dma_start3A_370 : memref<1x128x128xf32, #tpu.memory_space<vmem>> -> memref<128x128xf32, #tpu.memory_space<vmem>>
        %dma_start3A_372 = arith.constant 0 : i32
        %dma_start3A_373 = tpu.memref_slice %arg10[%dma_start3A_367, %dma_start3A_372] : memref<4x128xi32, #tpu.memory_space<vmem>> -> memref<1x128xi32, #tpu.memory_space<vmem>>
        %dma_start3A_374 = tpu.memref_squeeze %dma_start3A_373 : memref<1x128xi32, #tpu.memory_space<vmem>> -> memref<128xi32, #tpu.memory_space<vmem>>
        %dma_start3A_375 = arith.constant 0 : i32
        %dma_start3A_376 = arith.constant 0 : i32
        %dma_start3A_377 = tpu.memref_slice %arg13[%dma_start3A_375, %dma_start3A_376] : memref<10112x128xf32, #tpu.memory_space<vmem_shared>> -> memref<10112x128xf32, #tpu.memory_space<vmem_shared>>
        tpu.enqueue_indirect_dma source(%dma_start3A_371 : memref<128x128xf32, #tpu.memory_space<vmem>>) target(%dma_start3A_377 : memref<10112x128xf32, #tpu.memory_space<vmem_shared>>) offsets(%dma_start3A_374 : memref<128xi32, #tpu.memory_space<vmem>>) semaphore(%arg22 : memref<!tpu.dma_semaphore, #tpu.memory_space<semaphore_mem>>) {add = true}
        %dma_start3A_378 = arith.constant 1 : i32
        %dma_start3A_379 = arith.constant 0 : i32
        %dma_start3A_380 = tpu.memref_slice %arg10[%dma_start3A_378, %dma_start3A_379] : memref<4x128xi32, #tpu.memory_space<vmem>> -> memref<1x128xi32, #tpu.memory_space<vmem>>
        %dma_start3A_381 = tpu.memref_squeeze %dma_start3A_380 : memref<1x128xi32, #tpu.memory_space<vmem>> -> memref<128xi32, #tpu.memory_space<vmem>>
        %dma_start3A_382 = arith.constant 0 : i32
        %dma_start3A_383 = arith.constant 0 : i32
        %dma_start3A_384 = tpu.memref_slice %arg14[%dma_start3A_382, %dma_start3A_383] : memref<10112x16xf32, #tpu.memory_space<vmem_shared>> -> memref<10112x16xf32, #tpu.memory_space<vmem_shared>>
        tpu.enqueue_indirect_dma source(%arg12 : memref<128x16xf32, #tpu.memory_space<vmem>>) target(%dma_start3A_384 : memref<10112x16xf32, #tpu.memory_space<vmem_shared>>) offsets(%dma_start3A_381 : memref<128xi32, #tpu.memory_space<vmem>>) semaphore(%arg24 : memref<!tpu.dma_semaphore, #tpu.memory_space<semaphore_mem>>) {add = true}
        %add3A_385 = arith.constant 3 : i32
        %add3A_386 = arith.addi %add3A_342, %add3A_385 : i32
        %lt3A_387 = arith.cmpi slt, %add3A_386, %add3A_4 : i32
        %ge3A_388 = arith.constant 1 : i32
        %ge3A_389 = arith.cmpi sge, %add3A_342, %ge3A_388 : i32
        %and3A_390 = arith.andi %lt3A_387, %ge3A_389 : i1
        %convert_element_type3A_391 = arith.extui %and3A_390 : i1 to i32
        %cond3A_392 = arith.constant 0 : i32
        %cond3A_393 = arith.cmpi ne, %convert_element_type3A_391, %cond3A_392 : i32
        scf.if %cond3A_393 {
          %add3A_394 = arith.constant 3 : i32
          %add3A_395 = arith.addi %add3A_342, %add3A_394 : i32
          %add3A_396 = arith.addi %add3A_8, %add3A_395 : i32
          %mul3A_397 = arith.constant 128 : i32
          %mul3A_398 = arith.muli %add3A_396, %mul3A_397 : i32
          %dma_start3A_399 = arith.constant 0 : i32
          %dma_start3A_400 = arith.constant 0 : i32
          %dma_start3A_401 = arith.constant 0 : i32
          %dma_start3A_402 = tpu.memref_slice %arg9[%dma_start3A_400, %dma_start3A_401] : memref<4x128xi32, #tpu.memory_space<vmem>> -> memref<1x128xi32, #tpu.memory_space<vmem>>
          %dma_start3A_403 = tpu.memref_squeeze %dma_start3A_402 : memref<1x128xi32, #tpu.memory_space<vmem>> -> memref<128xi32, #tpu.memory_space<vmem>>
          %dma_start3A_404 = arith.constant 0 : i32
          %dma_start3A_405 = tpu.memref_slice %arg3[%dma_start3A_399, %dma_start3A_404] : memref<2x320000xi32, #tpu.memory_space<hbm>> -> memref<1x320000xi32, #tpu.memory_space<hbm>>
          %dma_start3A_406 = tpu.memref_squeeze %dma_start3A_405 : memref<1x320000xi32, #tpu.memory_space<hbm>> -> memref<320000xi32, #tpu.memory_space<hbm>>
          %dma_start3A_407 = tpu.memref_slice %dma_start3A_406[%mul3A_398] : memref<320000xi32, #tpu.memory_space<hbm>> -> memref<128xi32, #tpu.memory_space<hbm>>
          %dma_start3A_408 = arith.constant 0 : i32
          %dma_start3A_409 = tpu.memref_slice %arg9[%dma_start3A_400, %dma_start3A_408] : memref<4x128xi32, #tpu.memory_space<vmem>> -> memref<1x128xi32, #tpu.memory_space<vmem>>
          %dma_start3A_410 = tpu.memref_squeeze %dma_start3A_409 : memref<1x128xi32, #tpu.memory_space<vmem>> -> memref<128xi32, #tpu.memory_space<vmem>>
          %dma_start3A_411 = arith.constant 0 : i32
          %dma_start3A_412 = tpu.memref_slice %arg3[%dma_start3A_399, %dma_start3A_411] : memref<2x320000xi32, #tpu.memory_space<hbm>> -> memref<1x320000xi32, #tpu.memory_space<hbm>>
          %dma_start3A_413 = tpu.memref_squeeze %dma_start3A_412 : memref<1x320000xi32, #tpu.memory_space<hbm>> -> memref<320000xi32, #tpu.memory_space<hbm>>
          %dma_start3A_414 = tpu.memref_slice %dma_start3A_413[%mul3A_398] : memref<320000xi32, #tpu.memory_space<hbm>> -> memref<128xi32, #tpu.memory_space<hbm>>
          tpu.enqueue_dma source(%dma_start3A_414 : memref<128xi32, #tpu.memory_space<hbm>>) target(%dma_start3A_410 : memref<128xi32, #tpu.memory_space<vmem>>) target_semaphore(%arg15 : memref<!tpu.dma_semaphore, #tpu.memory_space<semaphore_mem>>)
          %dma_start3A_415 = arith.constant 1 : i32
          %dma_start3A_416 = arith.constant 0 : i32
          %dma_start3A_417 = arith.constant 0 : i32
          %dma_start3A_418 = tpu.memref_slice %arg10[%dma_start3A_416, %dma_start3A_417] : memref<4x128xi32, #tpu.memory_space<vmem>> -> memref<1x128xi32, #tpu.memory_space<vmem>>
          %dma_start3A_419 = tpu.memref_squeeze %dma_start3A_418 : memref<1x128xi32, #tpu.memory_space<vmem>> -> memref<128xi32, #tpu.memory_space<vmem>>
          %dma_start3A_420 = arith.constant 0 : i32
          %dma_start3A_421 = tpu.memref_slice %arg3[%dma_start3A_415, %dma_start3A_420] : memref<2x320000xi32, #tpu.memory_space<hbm>> -> memref<1x320000xi32, #tpu.memory_space<hbm>>
          %dma_start3A_422 = tpu.memref_squeeze %dma_start3A_421 : memref<1x320000xi32, #tpu.memory_space<hbm>> -> memref<320000xi32, #tpu.memory_space<hbm>>
          %dma_start3A_423 = tpu.memref_slice %dma_start3A_422[%mul3A_398] : memref<320000xi32, #tpu.memory_space<hbm>> -> memref<128xi32, #tpu.memory_space<hbm>>
          %dma_start3A_424 = arith.constant 0 : i32
          %dma_start3A_425 = tpu.memref_slice %arg10[%dma_start3A_416, %dma_start3A_424] : memref<4x128xi32, #tpu.memory_space<vmem>> -> memref<1x128xi32, #tpu.memory_space<vmem>>
          %dma_start3A_426 = tpu.memref_squeeze %dma_start3A_425 : memref<1x128xi32, #tpu.memory_space<vmem>> -> memref<128xi32, #tpu.memory_space<vmem>>
          %dma_start3A_427 = arith.constant 0 : i32
          %dma_start3A_428 = tpu.memref_slice %arg3[%dma_start3A_415, %dma_start3A_427] : memref<2x320000xi32, #tpu.memory_space<hbm>> -> memref<1x320000xi32, #tpu.memory_space<hbm>>
          %dma_start3A_429 = tpu.memref_squeeze %dma_start3A_428 : memref<1x320000xi32, #tpu.memory_space<hbm>> -> memref<320000xi32, #tpu.memory_space<hbm>>
          %dma_start3A_430 = tpu.memref_slice %dma_start3A_429[%mul3A_398] : memref<320000xi32, #tpu.memory_space<hbm>> -> memref<128xi32, #tpu.memory_space<hbm>>
          tpu.enqueue_dma source(%dma_start3A_430 : memref<128xi32, #tpu.memory_space<hbm>>) target(%dma_start3A_426 : memref<128xi32, #tpu.memory_space<vmem>>) target_semaphore(%arg15 : memref<!tpu.dma_semaphore, #tpu.memory_space<semaphore_mem>>)
        } else {
        }
      } else {
      }
      %add3A_329 = arith.constant 2 : i32
      %add3A_330 = arith.addi %mul3A_272, %add3A_329 : i32
      %lt3A_331 = arith.cmpi slt, %add3A_330, %add3A_4 : i32
      %convert_element_type3A_332 = arith.extui %lt3A_331 : i1 to i32
      %cond3A_333 = arith.constant 0 : i32
      %cond3A_334 = arith.cmpi ne, %convert_element_type3A_332, %cond3A_333 : i32
      scf.if %cond3A_334 {
        %add3A_341 = arith.constant 2 : i32
        %add3A_342 = arith.addi %mul3A_272, %add3A_341 : i32
        %dma_wait3A_343 = arith.constant 2 : i32
        %dma_wait3A_344 = arith.constant 0 : i32
        %dma_wait3A_345 = arith.constant 0 : i32
        %dma_wait3A_346 = arith.constant 0 : i32
        %dma_wait3A_347 = tpu.memref_slice %arg11[%dma_wait3A_344, %dma_wait3A_345, %dma_wait3A_346] : memref<2x128x128xf32, #tpu.memory_space<vmem>> -> memref<1x128x128xf32, #tpu.memory_space<vmem>>
        %dma_wait3A_348 = tpu.memref_squeeze %dma_wait3A_347 : memref<1x128x128xf32, #tpu.memory_space<vmem>> -> memref<128x128xf32, #tpu.memory_space<vmem>>
        %dma_wait3A_349 = arith.constant 0 : i32
        %dma_wait3A_350 = tpu.memref_slice %arg9[%dma_wait3A_343, %dma_wait3A_349] : memref<4x128xi32, #tpu.memory_space<vmem>> -> memref<1x128xi32, #tpu.memory_space<vmem>>
        %dma_wait3A_351 = tpu.memref_squeeze %dma_wait3A_350 : memref<1x128xi32, #tpu.memory_space<vmem>> -> memref<128xi32, #tpu.memory_space<vmem>>
        %dma_wait3A_352 = arith.constant 0 : i32
        %dma_wait3A_353 = arith.constant 0 : i32
        %dma_wait3A_354 = tpu.memref_slice %arg2[%dma_wait3A_352, %dma_wait3A_353] : memref<10000x128xf32, #tpu.memory_space<hbm>> -> memref<10000x128xf32, #tpu.memory_space<hbm>>
        tpu.wait_indirect_dma semaphore(%arg19 : memref<!tpu.dma_semaphore, #tpu.memory_space<semaphore_mem>>) src(%dma_wait3A_354 : memref<10000x128xf32, #tpu.memory_space<hbm>>) dst(%dma_wait3A_348 : memref<128x128xf32, #tpu.memory_space<vmem>>)
        %ge3A_355 = arith.constant 1 : i32
        %ge3A_356 = arith.cmpi sge, %add3A_342, %ge3A_355 : i32
        %convert_element_type3A_357 = arith.extui %ge3A_356 : i1 to i32
        %cond3A_358 = arith.constant 0 : i32
        %cond3A_359 = arith.cmpi ne, %convert_element_type3A_357, %cond3A_358 : i32
        scf.if %cond3A_359 {
          %dma_wait3A_394 = arith.constant 1 : i32
          %dma_wait3A_395 = arith.constant 0 : i32
          %dma_wait3A_396 = arith.constant 0 : i32
          %dma_wait3A_397 = arith.constant 0 : i32
          %dma_wait3A_398 = tpu.memref_slice %arg11[%dma_wait3A_394, %dma_wait3A_396, %dma_wait3A_397] : memref<2x128x128xf32, #tpu.memory_space<vmem>> -> memref<1x128x128xf32, #tpu.memory_space<vmem>>
          %dma_wait3A_399 = tpu.memref_squeeze %dma_wait3A_398 : memref<1x128x128xf32, #tpu.memory_space<vmem>> -> memref<128x128xf32, #tpu.memory_space<vmem>>
          %dma_wait3A_400 = arith.constant 0 : i32
          %dma_wait3A_401 = tpu.memref_slice %arg10[%dma_wait3A_395, %dma_wait3A_400] : memref<4x128xi32, #tpu.memory_space<vmem>> -> memref<1x128xi32, #tpu.memory_space<vmem>>
          %dma_wait3A_402 = tpu.memref_squeeze %dma_wait3A_401 : memref<1x128xi32, #tpu.memory_space<vmem>> -> memref<128xi32, #tpu.memory_space<vmem>>
          %dma_wait3A_403 = arith.constant 0 : i32
          %dma_wait3A_404 = arith.constant 0 : i32
          %dma_wait3A_405 = tpu.memref_slice %arg13[%dma_wait3A_403, %dma_wait3A_404] : memref<10112x128xf32, #tpu.memory_space<vmem_shared>> -> memref<10112x128xf32, #tpu.memory_space<vmem_shared>>
          tpu.wait_indirect_dma semaphore(%arg22 : memref<!tpu.dma_semaphore, #tpu.memory_space<semaphore_mem>>) src(%dma_wait3A_399 : memref<128x128xf32, #tpu.memory_space<vmem>>) dst(%dma_wait3A_405 : memref<10112x128xf32, #tpu.memory_space<vmem_shared>>)
          %dma_wait3A_406 = arith.constant 0 : i32
          %dma_wait3A_407 = arith.constant 0 : i32
          %dma_wait3A_408 = tpu.memref_slice %arg10[%dma_wait3A_406, %dma_wait3A_407] : memref<4x128xi32, #tpu.memory_space<vmem>> -> memref<1x128xi32, #tpu.memory_space<vmem>>
          %dma_wait3A_409 = tpu.memref_squeeze %dma_wait3A_408 : memref<1x128xi32, #tpu.memory_space<vmem>> -> memref<128xi32, #tpu.memory_space<vmem>>
          %dma_wait3A_410 = arith.constant 0 : i32
          %dma_wait3A_411 = arith.constant 0 : i32
          %dma_wait3A_412 = tpu.memref_slice %arg14[%dma_wait3A_410, %dma_wait3A_411] : memref<10112x16xf32, #tpu.memory_space<vmem_shared>> -> memref<10112x16xf32, #tpu.memory_space<vmem_shared>>
          tpu.wait_indirect_dma semaphore(%arg24 : memref<!tpu.dma_semaphore, #tpu.memory_space<semaphore_mem>>) src(%arg12 : memref<128x16xf32, #tpu.memory_space<vmem>>) dst(%dma_wait3A_412 : memref<10112x16xf32, #tpu.memory_space<vmem_shared>>)
        } else {
        }
        %add3A_360 = arith.constant 1 : i32
        %add3A_361 = arith.addi %add3A_342, %add3A_360 : i32
        %lt3A_362 = arith.cmpi slt, %add3A_361, %add3A_4 : i32
        %convert_element_type3A_363 = arith.extui %lt3A_362 : i1 to i32
        %cond3A_364 = arith.constant 0 : i32
        %cond3A_365 = arith.cmpi ne, %convert_element_type3A_363, %cond3A_364 : i32
        scf.if %cond3A_365 {
          %add3A_394 = arith.constant 1 : i32
          %add3A_395 = arith.addi %add3A_342, %add3A_394 : i32
          %add3A_396 = arith.addi %add3A_8, %add3A_395 : i32
          %mul3A_397 = arith.constant 128 : i32
          %mul3A_398 = arith.muli %add3A_396, %mul3A_397 : i32
          %dma_wait3A_399 = arith.constant 0 : i32
          %dma_wait3A_400 = arith.constant 3 : i32
          %dma_wait3A_401 = arith.constant 0 : i32
          %dma_wait3A_402 = tpu.memref_slice %arg9[%dma_wait3A_400, %dma_wait3A_401] : memref<4x128xi32, #tpu.memory_space<vmem>> -> memref<1x128xi32, #tpu.memory_space<vmem>>
          %dma_wait3A_403 = tpu.memref_squeeze %dma_wait3A_402 : memref<1x128xi32, #tpu.memory_space<vmem>> -> memref<128xi32, #tpu.memory_space<vmem>>
          %dma_wait3A_404 = arith.constant 0 : i32
          %dma_wait3A_405 = tpu.memref_slice %arg3[%dma_wait3A_399, %dma_wait3A_404] : memref<2x320000xi32, #tpu.memory_space<hbm>> -> memref<1x320000xi32, #tpu.memory_space<hbm>>
          %dma_wait3A_406 = tpu.memref_squeeze %dma_wait3A_405 : memref<1x320000xi32, #tpu.memory_space<hbm>> -> memref<320000xi32, #tpu.memory_space<hbm>>
          %dma_wait3A_407 = tpu.memref_slice %dma_wait3A_406[%mul3A_398] : memref<320000xi32, #tpu.memory_space<hbm>> -> memref<128xi32, #tpu.memory_space<hbm>>
          %dma_wait3A_408 = arith.constant 0 : i32
          %dma_wait3A_409 = tpu.memref_slice %arg9[%dma_wait3A_400, %dma_wait3A_408] : memref<4x128xi32, #tpu.memory_space<vmem>> -> memref<1x128xi32, #tpu.memory_space<vmem>>
          %dma_wait3A_410 = tpu.memref_squeeze %dma_wait3A_409 : memref<1x128xi32, #tpu.memory_space<vmem>> -> memref<128xi32, #tpu.memory_space<vmem>>
          %dma_wait3A_411 = arith.constant 0 : i32
          %dma_wait3A_412 = tpu.memref_slice %arg3[%dma_wait3A_399, %dma_wait3A_411] : memref<2x320000xi32, #tpu.memory_space<hbm>> -> memref<1x320000xi32, #tpu.memory_space<hbm>>
          %dma_wait3A_413 = tpu.memref_squeeze %dma_wait3A_412 : memref<1x320000xi32, #tpu.memory_space<hbm>> -> memref<320000xi32, #tpu.memory_space<hbm>>
          %dma_wait3A_414 = tpu.memref_slice %dma_wait3A_413[%mul3A_398] : memref<320000xi32, #tpu.memory_space<hbm>> -> memref<128xi32, #tpu.memory_space<hbm>>
          tpu.wait_dma2 semaphore(%arg18 : memref<!tpu.dma_semaphore, #tpu.memory_space<semaphore_mem>>) src(%dma_wait3A_414 : memref<128xi32, #tpu.memory_space<hbm>>) dst(%dma_wait3A_410 : memref<128xi32, #tpu.memory_space<vmem>>)
          %dma_wait3A_415 = arith.constant 1 : i32
          %dma_wait3A_416 = arith.constant 3 : i32
          %dma_wait3A_417 = arith.constant 0 : i32
          %dma_wait3A_418 = tpu.memref_slice %arg10[%dma_wait3A_416, %dma_wait3A_417] : memref<4x128xi32, #tpu.memory_space<vmem>> -> memref<1x128xi32, #tpu.memory_space<vmem>>
          %dma_wait3A_419 = tpu.memref_squeeze %dma_wait3A_418 : memref<1x128xi32, #tpu.memory_space<vmem>> -> memref<128xi32, #tpu.memory_space<vmem>>
          %dma_wait3A_420 = arith.constant 0 : i32
          %dma_wait3A_421 = tpu.memref_slice %arg3[%dma_wait3A_415, %dma_wait3A_420] : memref<2x320000xi32, #tpu.memory_space<hbm>> -> memref<1x320000xi32, #tpu.memory_space<hbm>>
          %dma_wait3A_422 = tpu.memref_squeeze %dma_wait3A_421 : memref<1x320000xi32, #tpu.memory_space<hbm>> -> memref<320000xi32, #tpu.memory_space<hbm>>
          %dma_wait3A_423 = tpu.memref_slice %dma_wait3A_422[%mul3A_398] : memref<320000xi32, #tpu.memory_space<hbm>> -> memref<128xi32, #tpu.memory_space<hbm>>
          %dma_wait3A_424 = arith.constant 0 : i32
          %dma_wait3A_425 = tpu.memref_slice %arg10[%dma_wait3A_416, %dma_wait3A_424] : memref<4x128xi32, #tpu.memory_space<vmem>> -> memref<1x128xi32, #tpu.memory_space<vmem>>
          %dma_wait3A_426 = tpu.memref_squeeze %dma_wait3A_425 : memref<1x128xi32, #tpu.memory_space<vmem>> -> memref<128xi32, #tpu.memory_space<vmem>>
          %dma_wait3A_427 = arith.constant 0 : i32
          %dma_wait3A_428 = tpu.memref_slice %arg3[%dma_wait3A_415, %dma_wait3A_427] : memref<2x320000xi32, #tpu.memory_space<hbm>> -> memref<1x320000xi32, #tpu.memory_space<hbm>>
          %dma_wait3A_429 = tpu.memref_squeeze %dma_wait3A_428 : memref<1x320000xi32, #tpu.memory_space<hbm>> -> memref<320000xi32, #tpu.memory_space<hbm>>
          %dma_wait3A_430 = tpu.memref_slice %dma_wait3A_429[%mul3A_398] : memref<320000xi32, #tpu.memory_space<hbm>> -> memref<128xi32, #tpu.memory_space<hbm>>
          tpu.wait_dma2 semaphore(%arg18 : memref<!tpu.dma_semaphore, #tpu.memory_space<semaphore_mem>>) src(%dma_wait3A_430 : memref<128xi32, #tpu.memory_space<hbm>>) dst(%dma_wait3A_426 : memref<128xi32, #tpu.memory_space<vmem>>)
          %dma_start3A_431 = arith.constant 3 : i32
          %dma_start3A_432 = arith.constant 1 : i32
          %dma_start3A_433 = arith.constant 0 : i32
          %dma_start3A_434 = arith.constant 0 : i32
          %dma_start3A_435 = tpu.memref_slice %arg11[%dma_start3A_432, %dma_start3A_433, %dma_start3A_434] : memref<2x128x128xf32, #tpu.memory_space<vmem>> -> memref<1x128x128xf32, #tpu.memory_space<vmem>>
          %dma_start3A_436 = tpu.memref_squeeze %dma_start3A_435 : memref<1x128x128xf32, #tpu.memory_space<vmem>> -> memref<128x128xf32, #tpu.memory_space<vmem>>
          %dma_start3A_437 = arith.constant 0 : i32
          %dma_start3A_438 = tpu.memref_slice %arg9[%dma_start3A_431, %dma_start3A_437] : memref<4x128xi32, #tpu.memory_space<vmem>> -> memref<1x128xi32, #tpu.memory_space<vmem>>
          %dma_start3A_439 = tpu.memref_squeeze %dma_start3A_438 : memref<1x128xi32, #tpu.memory_space<vmem>> -> memref<128xi32, #tpu.memory_space<vmem>>
          %dma_start3A_440 = arith.constant 0 : i32
          %dma_start3A_441 = arith.constant 0 : i32
          %dma_start3A_442 = tpu.memref_slice %arg2[%dma_start3A_440, %dma_start3A_441] : memref<10000x128xf32, #tpu.memory_space<hbm>> -> memref<10000x128xf32, #tpu.memory_space<hbm>>
          tpu.enqueue_indirect_dma source(%dma_start3A_442 : memref<10000x128xf32, #tpu.memory_space<hbm>>) target(%dma_start3A_436 : memref<128x128xf32, #tpu.memory_space<vmem>>) offsets(%dma_start3A_439 : memref<128xi32, #tpu.memory_space<vmem>>) semaphore(%arg20 : memref<!tpu.dma_semaphore, #tpu.memory_space<semaphore_mem>>)
        } else {
        }
        %dma_start3A_366 = arith.constant 0 : i32
        %dma_start3A_367 = arith.constant 2 : i32
        %dma_start3A_368 = arith.constant 0 : i32
        %dma_start3A_369 = arith.constant 0 : i32
        %dma_start3A_370 = tpu.memref_slice %arg11[%dma_start3A_366, %dma_start3A_368, %dma_start3A_369] : memref<2x128x128xf32, #tpu.memory_space<vmem>> -> memref<1x128x128xf32, #tpu.memory_space<vmem>>
        %dma_start3A_371 = tpu.memref_squeeze %dma_start3A_370 : memref<1x128x128xf32, #tpu.memory_space<vmem>> -> memref<128x128xf32, #tpu.memory_space<vmem>>
        %dma_start3A_372 = arith.constant 0 : i32
        %dma_start3A_373 = tpu.memref_slice %arg10[%dma_start3A_367, %dma_start3A_372] : memref<4x128xi32, #tpu.memory_space<vmem>> -> memref<1x128xi32, #tpu.memory_space<vmem>>
        %dma_start3A_374 = tpu.memref_squeeze %dma_start3A_373 : memref<1x128xi32, #tpu.memory_space<vmem>> -> memref<128xi32, #tpu.memory_space<vmem>>
        %dma_start3A_375 = arith.constant 0 : i32
        %dma_start3A_376 = arith.constant 0 : i32
        %dma_start3A_377 = tpu.memref_slice %arg13[%dma_start3A_375, %dma_start3A_376] : memref<10112x128xf32, #tpu.memory_space<vmem_shared>> -> memref<10112x128xf32, #tpu.memory_space<vmem_shared>>
        tpu.enqueue_indirect_dma source(%dma_start3A_371 : memref<128x128xf32, #tpu.memory_space<vmem>>) target(%dma_start3A_377 : memref<10112x128xf32, #tpu.memory_space<vmem_shared>>) offsets(%dma_start3A_374 : memref<128xi32, #tpu.memory_space<vmem>>) semaphore(%arg21 : memref<!tpu.dma_semaphore, #tpu.memory_space<semaphore_mem>>) {add = true}
        %dma_start3A_378 = arith.constant 2 : i32
        %dma_start3A_379 = arith.constant 0 : i32
        %dma_start3A_380 = tpu.memref_slice %arg10[%dma_start3A_378, %dma_start3A_379] : memref<4x128xi32, #tpu.memory_space<vmem>> -> memref<1x128xi32, #tpu.memory_space<vmem>>
        %dma_start3A_381 = tpu.memref_squeeze %dma_start3A_380 : memref<1x128xi32, #tpu.memory_space<vmem>> -> memref<128xi32, #tpu.memory_space<vmem>>
        %dma_start3A_382 = arith.constant 0 : i32
        %dma_start3A_383 = arith.constant 0 : i32
        %dma_start3A_384 = tpu.memref_slice %arg14[%dma_start3A_382, %dma_start3A_383] : memref<10112x16xf32, #tpu.memory_space<vmem_shared>> -> memref<10112x16xf32, #tpu.memory_space<vmem_shared>>
        tpu.enqueue_indirect_dma source(%arg12 : memref<128x16xf32, #tpu.memory_space<vmem>>) target(%dma_start3A_384 : memref<10112x16xf32, #tpu.memory_space<vmem_shared>>) offsets(%dma_start3A_381 : memref<128xi32, #tpu.memory_space<vmem>>) semaphore(%arg23 : memref<!tpu.dma_semaphore, #tpu.memory_space<semaphore_mem>>) {add = true}
        %add3A_385 = arith.constant 3 : i32
        %add3A_386 = arith.addi %add3A_342, %add3A_385 : i32
        %lt3A_387 = arith.cmpi slt, %add3A_386, %add3A_4 : i32
        %ge3A_388 = arith.constant 1 : i32
        %ge3A_389 = arith.cmpi sge, %add3A_342, %ge3A_388 : i32
        %and3A_390 = arith.andi %lt3A_387, %ge3A_389 : i1
        %convert_element_type3A_391 = arith.extui %and3A_390 : i1 to i32
        %cond3A_392 = arith.constant 0 : i32
        %cond3A_393 = arith.cmpi ne, %convert_element_type3A_391, %cond3A_392 : i32
        scf.if %cond3A_393 {
          %add3A_394 = arith.constant 3 : i32
          %add3A_395 = arith.addi %add3A_342, %add3A_394 : i32
          %add3A_396 = arith.addi %add3A_8, %add3A_395 : i32
          %mul3A_397 = arith.constant 128 : i32
          %mul3A_398 = arith.muli %add3A_396, %mul3A_397 : i32
          %dma_start3A_399 = arith.constant 0 : i32
          %dma_start3A_400 = arith.constant 1 : i32
          %dma_start3A_401 = arith.constant 0 : i32
          %dma_start3A_402 = tpu.memref_slice %arg9[%dma_start3A_400, %dma_start3A_401] : memref<4x128xi32, #tpu.memory_space<vmem>> -> memref<1x128xi32, #tpu.memory_space<vmem>>
          %dma_start3A_403 = tpu.memref_squeeze %dma_start3A_402 : memref<1x128xi32, #tpu.memory_space<vmem>> -> memref<128xi32, #tpu.memory_space<vmem>>
          %dma_start3A_404 = arith.constant 0 : i32
          %dma_start3A_405 = tpu.memref_slice %arg3[%dma_start3A_399, %dma_start3A_404] : memref<2x320000xi32, #tpu.memory_space<hbm>> -> memref<1x320000xi32, #tpu.memory_space<hbm>>
          %dma_start3A_406 = tpu.memref_squeeze %dma_start3A_405 : memref<1x320000xi32, #tpu.memory_space<hbm>> -> memref<320000xi32, #tpu.memory_space<hbm>>
          %dma_start3A_407 = tpu.memref_slice %dma_start3A_406[%mul3A_398] : memref<320000xi32, #tpu.memory_space<hbm>> -> memref<128xi32, #tpu.memory_space<hbm>>
          %dma_start3A_408 = arith.constant 0 : i32
          %dma_start3A_409 = tpu.memref_slice %arg9[%dma_start3A_400, %dma_start3A_408] : memref<4x128xi32, #tpu.memory_space<vmem>> -> memref<1x128xi32, #tpu.memory_space<vmem>>
          %dma_start3A_410 = tpu.memref_squeeze %dma_start3A_409 : memref<1x128xi32, #tpu.memory_space<vmem>> -> memref<128xi32, #tpu.memory_space<vmem>>
          %dma_start3A_411 = arith.constant 0 : i32
          %dma_start3A_412 = tpu.memref_slice %arg3[%dma_start3A_399, %dma_start3A_411] : memref<2x320000xi32, #tpu.memory_space<hbm>> -> memref<1x320000xi32, #tpu.memory_space<hbm>>
          %dma_start3A_413 = tpu.memref_squeeze %dma_start3A_412 : memref<1x320000xi32, #tpu.memory_space<hbm>> -> memref<320000xi32, #tpu.memory_space<hbm>>
          %dma_start3A_414 = tpu.memref_slice %dma_start3A_413[%mul3A_398] : memref<320000xi32, #tpu.memory_space<hbm>> -> memref<128xi32, #tpu.memory_space<hbm>>
          tpu.enqueue_dma source(%dma_start3A_414 : memref<128xi32, #tpu.memory_space<hbm>>) target(%dma_start3A_410 : memref<128xi32, #tpu.memory_space<vmem>>) target_semaphore(%arg16 : memref<!tpu.dma_semaphore, #tpu.memory_space<semaphore_mem>>)
          %dma_start3A_415 = arith.constant 1 : i32
          %dma_start3A_416 = arith.constant 1 : i32
          %dma_start3A_417 = arith.constant 0 : i32
          %dma_start3A_418 = tpu.memref_slice %arg10[%dma_start3A_416, %dma_start3A_417] : memref<4x128xi32, #tpu.memory_space<vmem>> -> memref<1x128xi32, #tpu.memory_space<vmem>>
          %dma_start3A_419 = tpu.memref_squeeze %dma_start3A_418 : memref<1x128xi32, #tpu.memory_space<vmem>> -> memref<128xi32, #tpu.memory_space<vmem>>
          %dma_start3A_420 = arith.constant 0 : i32
          %dma_start3A_421 = tpu.memref_slice %arg3[%dma_start3A_415, %dma_start3A_420] : memref<2x320000xi32, #tpu.memory_space<hbm>> -> memref<1x320000xi32, #tpu.memory_space<hbm>>
          %dma_start3A_422 = tpu.memref_squeeze %dma_start3A_421 : memref<1x320000xi32, #tpu.memory_space<hbm>> -> memref<320000xi32, #tpu.memory_space<hbm>>
          %dma_start3A_423 = tpu.memref_slice %dma_start3A_422[%mul3A_398] : memref<320000xi32, #tpu.memory_space<hbm>> -> memref<128xi32, #tpu.memory_space<hbm>>
          %dma_start3A_424 = arith.constant 0 : i32
          %dma_start3A_425 = tpu.memref_slice %arg10[%dma_start3A_416, %dma_start3A_424] : memref<4x128xi32, #tpu.memory_space<vmem>> -> memref<1x128xi32, #tpu.memory_space<vmem>>
          %dma_start3A_426 = tpu.memref_squeeze %dma_start3A_425 : memref<1x128xi32, #tpu.memory_space<vmem>> -> memref<128xi32, #tpu.memory_space<vmem>>
          %dma_start3A_427 = arith.constant 0 : i32
          %dma_start3A_428 = tpu.memref_slice %arg3[%dma_start3A_415, %dma_start3A_427] : memref<2x320000xi32, #tpu.memory_space<hbm>> -> memref<1x320000xi32, #tpu.memory_space<hbm>>
          %dma_start3A_429 = tpu.memref_squeeze %dma_start3A_428 : memref<1x320000xi32, #tpu.memory_space<hbm>> -> memref<320000xi32, #tpu.memory_space<hbm>>
          %dma_start3A_430 = tpu.memref_slice %dma_start3A_429[%mul3A_398] : memref<320000xi32, #tpu.memory_space<hbm>> -> memref<128xi32, #tpu.memory_space<hbm>>
          tpu.enqueue_dma source(%dma_start3A_430 : memref<128xi32, #tpu.memory_space<hbm>>) target(%dma_start3A_426 : memref<128xi32, #tpu.memory_space<vmem>>) target_semaphore(%arg16 : memref<!tpu.dma_semaphore, #tpu.memory_space<semaphore_mem>>)
        } else {
        }
      } else {
      }
      %add3A_335 = arith.constant 3 : i32
      %add3A_336 = arith.addi %mul3A_272, %add3A_335 : i32
      %lt3A_337 = arith.cmpi slt, %add3A_336, %add3A_4 : i32
      %convert_element_type3A_338 = arith.extui %lt3A_337 : i1 to i32
      %cond3A_339 = arith.constant 0 : i32
      %cond3A_340 = arith.cmpi ne, %convert_element_type3A_338, %cond3A_339 : i32
      scf.if %cond3A_340 {
        %add3A_341 = arith.constant 3 : i32
        %add3A_342 = arith.addi %mul3A_272, %add3A_341 : i32
        %dma_wait3A_343 = arith.constant 3 : i32
        %dma_wait3A_344 = arith.constant 1 : i32
        %dma_wait3A_345 = arith.constant 0 : i32
        %dma_wait3A_346 = arith.constant 0 : i32
        %dma_wait3A_347 = tpu.memref_slice %arg11[%dma_wait3A_344, %dma_wait3A_345, %dma_wait3A_346] : memref<2x128x128xf32, #tpu.memory_space<vmem>> -> memref<1x128x128xf32, #tpu.memory_space<vmem>>
        %dma_wait3A_348 = tpu.memref_squeeze %dma_wait3A_347 : memref<1x128x128xf32, #tpu.memory_space<vmem>> -> memref<128x128xf32, #tpu.memory_space<vmem>>
        %dma_wait3A_349 = arith.constant 0 : i32
        %dma_wait3A_350 = tpu.memref_slice %arg9[%dma_wait3A_343, %dma_wait3A_349] : memref<4x128xi32, #tpu.memory_space<vmem>> -> memref<1x128xi32, #tpu.memory_space<vmem>>
        %dma_wait3A_351 = tpu.memref_squeeze %dma_wait3A_350 : memref<1x128xi32, #tpu.memory_space<vmem>> -> memref<128xi32, #tpu.memory_space<vmem>>
        %dma_wait3A_352 = arith.constant 0 : i32
        %dma_wait3A_353 = arith.constant 0 : i32
        %dma_wait3A_354 = tpu.memref_slice %arg2[%dma_wait3A_352, %dma_wait3A_353] : memref<10000x128xf32, #tpu.memory_space<hbm>> -> memref<10000x128xf32, #tpu.memory_space<hbm>>
        tpu.wait_indirect_dma semaphore(%arg20 : memref<!tpu.dma_semaphore, #tpu.memory_space<semaphore_mem>>) src(%dma_wait3A_354 : memref<10000x128xf32, #tpu.memory_space<hbm>>) dst(%dma_wait3A_348 : memref<128x128xf32, #tpu.memory_space<vmem>>)
        %ge3A_355 = arith.constant 1 : i32
        %ge3A_356 = arith.cmpi sge, %add3A_342, %ge3A_355 : i32
        %convert_element_type3A_357 = arith.extui %ge3A_356 : i1 to i32
        %cond3A_358 = arith.constant 0 : i32
        %cond3A_359 = arith.cmpi ne, %convert_element_type3A_357, %cond3A_358 : i32
        scf.if %cond3A_359 {
          %dma_wait3A_394 = arith.constant 0 : i32
          %dma_wait3A_395 = arith.constant 0 : i32
          %dma_wait3A_396 = arith.constant 0 : i32
          %dma_wait3A_397 = arith.constant 0 : i32
          %dma_wait3A_398 = tpu.memref_slice %arg11[%dma_wait3A_394, %dma_wait3A_396, %dma_wait3A_397] : memref<2x128x128xf32, #tpu.memory_space<vmem>> -> memref<1x128x128xf32, #tpu.memory_space<vmem>>
          %dma_wait3A_399 = tpu.memref_squeeze %dma_wait3A_398 : memref<1x128x128xf32, #tpu.memory_space<vmem>> -> memref<128x128xf32, #tpu.memory_space<vmem>>
          %dma_wait3A_400 = arith.constant 0 : i32
          %dma_wait3A_401 = tpu.memref_slice %arg10[%dma_wait3A_395, %dma_wait3A_400] : memref<4x128xi32, #tpu.memory_space<vmem>> -> memref<1x128xi32, #tpu.memory_space<vmem>>
          %dma_wait3A_402 = tpu.memref_squeeze %dma_wait3A_401 : memref<1x128xi32, #tpu.memory_space<vmem>> -> memref<128xi32, #tpu.memory_space<vmem>>
          %dma_wait3A_403 = arith.constant 0 : i32
          %dma_wait3A_404 = arith.constant 0 : i32
          %dma_wait3A_405 = tpu.memref_slice %arg13[%dma_wait3A_403, %dma_wait3A_404] : memref<10112x128xf32, #tpu.memory_space<vmem_shared>> -> memref<10112x128xf32, #tpu.memory_space<vmem_shared>>
          tpu.wait_indirect_dma semaphore(%arg21 : memref<!tpu.dma_semaphore, #tpu.memory_space<semaphore_mem>>) src(%dma_wait3A_399 : memref<128x128xf32, #tpu.memory_space<vmem>>) dst(%dma_wait3A_405 : memref<10112x128xf32, #tpu.memory_space<vmem_shared>>)
          %dma_wait3A_406 = arith.constant 0 : i32
          %dma_wait3A_407 = arith.constant 0 : i32
          %dma_wait3A_408 = tpu.memref_slice %arg10[%dma_wait3A_406, %dma_wait3A_407] : memref<4x128xi32, #tpu.memory_space<vmem>> -> memref<1x128xi32, #tpu.memory_space<vmem>>
          %dma_wait3A_409 = tpu.memref_squeeze %dma_wait3A_408 : memref<1x128xi32, #tpu.memory_space<vmem>> -> memref<128xi32, #tpu.memory_space<vmem>>
          %dma_wait3A_410 = arith.constant 0 : i32
          %dma_wait3A_411 = arith.constant 0 : i32
          %dma_wait3A_412 = tpu.memref_slice %arg14[%dma_wait3A_410, %dma_wait3A_411] : memref<10112x16xf32, #tpu.memory_space<vmem_shared>> -> memref<10112x16xf32, #tpu.memory_space<vmem_shared>>
          tpu.wait_indirect_dma semaphore(%arg23 : memref<!tpu.dma_semaphore, #tpu.memory_space<semaphore_mem>>) src(%arg12 : memref<128x16xf32, #tpu.memory_space<vmem>>) dst(%dma_wait3A_412 : memref<10112x16xf32, #tpu.memory_space<vmem_shared>>)
        } else {
        }
        %add3A_360 = arith.constant 1 : i32
        %add3A_361 = arith.addi %add3A_342, %add3A_360 : i32
        %lt3A_362 = arith.cmpi slt, %add3A_361, %add3A_4 : i32
        %convert_element_type3A_363 = arith.extui %lt3A_362 : i1 to i32
        %cond3A_364 = arith.constant 0 : i32
        %cond3A_365 = arith.cmpi ne, %convert_element_type3A_363, %cond3A_364 : i32
        scf.if %cond3A_365 {
          %add3A_394 = arith.constant 1 : i32
          %add3A_395 = arith.addi %add3A_342, %add3A_394 : i32
          %add3A_396 = arith.addi %add3A_8, %add3A_395 : i32
          %mul3A_397 = arith.constant 128 : i32
          %mul3A_398 = arith.muli %add3A_396, %mul3A_397 : i32
          %dma_wait3A_399 = arith.constant 0 : i32
          %dma_wait3A_400 = arith.constant 0 : i32
          %dma_wait3A_401 = arith.constant 0 : i32
          %dma_wait3A_402 = tpu.memref_slice %arg9[%dma_wait3A_400, %dma_wait3A_401] : memref<4x128xi32, #tpu.memory_space<vmem>> -> memref<1x128xi32, #tpu.memory_space<vmem>>
          %dma_wait3A_403 = tpu.memref_squeeze %dma_wait3A_402 : memref<1x128xi32, #tpu.memory_space<vmem>> -> memref<128xi32, #tpu.memory_space<vmem>>
          %dma_wait3A_404 = arith.constant 0 : i32
          %dma_wait3A_405 = tpu.memref_slice %arg3[%dma_wait3A_399, %dma_wait3A_404] : memref<2x320000xi32, #tpu.memory_space<hbm>> -> memref<1x320000xi32, #tpu.memory_space<hbm>>
          %dma_wait3A_406 = tpu.memref_squeeze %dma_wait3A_405 : memref<1x320000xi32, #tpu.memory_space<hbm>> -> memref<320000xi32, #tpu.memory_space<hbm>>
          %dma_wait3A_407 = tpu.memref_slice %dma_wait3A_406[%mul3A_398] : memref<320000xi32, #tpu.memory_space<hbm>> -> memref<128xi32, #tpu.memory_space<hbm>>
          %dma_wait3A_408 = arith.constant 0 : i32
          %dma_wait3A_409 = tpu.memref_slice %arg9[%dma_wait3A_400, %dma_wait3A_408] : memref<4x128xi32, #tpu.memory_space<vmem>> -> memref<1x128xi32, #tpu.memory_space<vmem>>
          %dma_wait3A_410 = tpu.memref_squeeze %dma_wait3A_409 : memref<1x128xi32, #tpu.memory_space<vmem>> -> memref<128xi32, #tpu.memory_space<vmem>>
          %dma_wait3A_411 = arith.constant 0 : i32
          %dma_wait3A_412 = tpu.memref_slice %arg3[%dma_wait3A_399, %dma_wait3A_411] : memref<2x320000xi32, #tpu.memory_space<hbm>> -> memref<1x320000xi32, #tpu.memory_space<hbm>>
          %dma_wait3A_413 = tpu.memref_squeeze %dma_wait3A_412 : memref<1x320000xi32, #tpu.memory_space<hbm>> -> memref<320000xi32, #tpu.memory_space<hbm>>
          %dma_wait3A_414 = tpu.memref_slice %dma_wait3A_413[%mul3A_398] : memref<320000xi32, #tpu.memory_space<hbm>> -> memref<128xi32, #tpu.memory_space<hbm>>
          tpu.wait_dma2 semaphore(%arg15 : memref<!tpu.dma_semaphore, #tpu.memory_space<semaphore_mem>>) src(%dma_wait3A_414 : memref<128xi32, #tpu.memory_space<hbm>>) dst(%dma_wait3A_410 : memref<128xi32, #tpu.memory_space<vmem>>)
          %dma_wait3A_415 = arith.constant 1 : i32
          %dma_wait3A_416 = arith.constant 0 : i32
          %dma_wait3A_417 = arith.constant 0 : i32
          %dma_wait3A_418 = tpu.memref_slice %arg10[%dma_wait3A_416, %dma_wait3A_417] : memref<4x128xi32, #tpu.memory_space<vmem>> -> memref<1x128xi32, #tpu.memory_space<vmem>>
          %dma_wait3A_419 = tpu.memref_squeeze %dma_wait3A_418 : memref<1x128xi32, #tpu.memory_space<vmem>> -> memref<128xi32, #tpu.memory_space<vmem>>
          %dma_wait3A_420 = arith.constant 0 : i32
          %dma_wait3A_421 = tpu.memref_slice %arg3[%dma_wait3A_415, %dma_wait3A_420] : memref<2x320000xi32, #tpu.memory_space<hbm>> -> memref<1x320000xi32, #tpu.memory_space<hbm>>
          %dma_wait3A_422 = tpu.memref_squeeze %dma_wait3A_421 : memref<1x320000xi32, #tpu.memory_space<hbm>> -> memref<320000xi32, #tpu.memory_space<hbm>>
          %dma_wait3A_423 = tpu.memref_slice %dma_wait3A_422[%mul3A_398] : memref<320000xi32, #tpu.memory_space<hbm>> -> memref<128xi32, #tpu.memory_space<hbm>>
          %dma_wait3A_424 = arith.constant 0 : i32
          %dma_wait3A_425 = tpu.memref_slice %arg10[%dma_wait3A_416, %dma_wait3A_424] : memref<4x128xi32, #tpu.memory_space<vmem>> -> memref<1x128xi32, #tpu.memory_space<vmem>>
          %dma_wait3A_426 = tpu.memref_squeeze %dma_wait3A_425 : memref<1x128xi32, #tpu.memory_space<vmem>> -> memref<128xi32, #tpu.memory_space<vmem>>
          %dma_wait3A_427 = arith.constant 0 : i32
          %dma_wait3A_428 = tpu.memref_slice %arg3[%dma_wait3A_415, %dma_wait3A_427] : memref<2x320000xi32, #tpu.memory_space<hbm>> -> memref<1x320000xi32, #tpu.memory_space<hbm>>
          %dma_wait3A_429 = tpu.memref_squeeze %dma_wait3A_428 : memref<1x320000xi32, #tpu.memory_space<hbm>> -> memref<320000xi32, #tpu.memory_space<hbm>>
          %dma_wait3A_430 = tpu.memref_slice %dma_wait3A_429[%mul3A_398] : memref<320000xi32, #tpu.memory_space<hbm>> -> memref<128xi32, #tpu.memory_space<hbm>>
          tpu.wait_dma2 semaphore(%arg15 : memref<!tpu.dma_semaphore, #tpu.memory_space<semaphore_mem>>) src(%dma_wait3A_430 : memref<128xi32, #tpu.memory_space<hbm>>) dst(%dma_wait3A_426 : memref<128xi32, #tpu.memory_space<vmem>>)
          %dma_start3A_431 = arith.constant 0 : i32
          %dma_start3A_432 = arith.constant 0 : i32
          %dma_start3A_433 = arith.constant 0 : i32
          %dma_start3A_434 = arith.constant 0 : i32
          %dma_start3A_435 = tpu.memref_slice %arg11[%dma_start3A_432, %dma_start3A_433, %dma_start3A_434] : memref<2x128x128xf32, #tpu.memory_space<vmem>> -> memref<1x128x128xf32, #tpu.memory_space<vmem>>
          %dma_start3A_436 = tpu.memref_squeeze %dma_start3A_435 : memref<1x128x128xf32, #tpu.memory_space<vmem>> -> memref<128x128xf32, #tpu.memory_space<vmem>>
          %dma_start3A_437 = arith.constant 0 : i32
          %dma_start3A_438 = tpu.memref_slice %arg9[%dma_start3A_431, %dma_start3A_437] : memref<4x128xi32, #tpu.memory_space<vmem>> -> memref<1x128xi32, #tpu.memory_space<vmem>>
          %dma_start3A_439 = tpu.memref_squeeze %dma_start3A_438 : memref<1x128xi32, #tpu.memory_space<vmem>> -> memref<128xi32, #tpu.memory_space<vmem>>
          %dma_start3A_440 = arith.constant 0 : i32
          %dma_start3A_441 = arith.constant 0 : i32
          %dma_start3A_442 = tpu.memref_slice %arg2[%dma_start3A_440, %dma_start3A_441] : memref<10000x128xf32, #tpu.memory_space<hbm>> -> memref<10000x128xf32, #tpu.memory_space<hbm>>
          tpu.enqueue_indirect_dma source(%dma_start3A_442 : memref<10000x128xf32, #tpu.memory_space<hbm>>) target(%dma_start3A_436 : memref<128x128xf32, #tpu.memory_space<vmem>>) offsets(%dma_start3A_439 : memref<128xi32, #tpu.memory_space<vmem>>) semaphore(%arg19 : memref<!tpu.dma_semaphore, #tpu.memory_space<semaphore_mem>>)
        } else {
        }
        %dma_start3A_366 = arith.constant 1 : i32
        %dma_start3A_367 = arith.constant 3 : i32
        %dma_start3A_368 = arith.constant 0 : i32
        %dma_start3A_369 = arith.constant 0 : i32
        %dma_start3A_370 = tpu.memref_slice %arg11[%dma_start3A_366, %dma_start3A_368, %dma_start3A_369] : memref<2x128x128xf32, #tpu.memory_space<vmem>> -> memref<1x128x128xf32, #tpu.memory_space<vmem>>
        %dma_start3A_371 = tpu.memref_squeeze %dma_start3A_370 : memref<1x128x128xf32, #tpu.memory_space<vmem>> -> memref<128x128xf32, #tpu.memory_space<vmem>>
        %dma_start3A_372 = arith.constant 0 : i32
        %dma_start3A_373 = tpu.memref_slice %arg10[%dma_start3A_367, %dma_start3A_372] : memref<4x128xi32, #tpu.memory_space<vmem>> -> memref<1x128xi32, #tpu.memory_space<vmem>>
        %dma_start3A_374 = tpu.memref_squeeze %dma_start3A_373 : memref<1x128xi32, #tpu.memory_space<vmem>> -> memref<128xi32, #tpu.memory_space<vmem>>
        %dma_start3A_375 = arith.constant 0 : i32
        %dma_start3A_376 = arith.constant 0 : i32
        %dma_start3A_377 = tpu.memref_slice %arg13[%dma_start3A_375, %dma_start3A_376] : memref<10112x128xf32, #tpu.memory_space<vmem_shared>> -> memref<10112x128xf32, #tpu.memory_space<vmem_shared>>
        tpu.enqueue_indirect_dma source(%dma_start3A_371 : memref<128x128xf32, #tpu.memory_space<vmem>>) target(%dma_start3A_377 : memref<10112x128xf32, #tpu.memory_space<vmem_shared>>) offsets(%dma_start3A_374 : memref<128xi32, #tpu.memory_space<vmem>>) semaphore(%arg22 : memref<!tpu.dma_semaphore, #tpu.memory_space<semaphore_mem>>) {add = true}
        %dma_start3A_378 = arith.constant 3 : i32
        %dma_start3A_379 = arith.constant 0 : i32
        %dma_start3A_380 = tpu.memref_slice %arg10[%dma_start3A_378, %dma_start3A_379] : memref<4x128xi32, #tpu.memory_space<vmem>> -> memref<1x128xi32, #tpu.memory_space<vmem>>
        %dma_start3A_381 = tpu.memref_squeeze %dma_start3A_380 : memref<1x128xi32, #tpu.memory_space<vmem>> -> memref<128xi32, #tpu.memory_space<vmem>>
        %dma_start3A_382 = arith.constant 0 : i32
        %dma_start3A_383 = arith.constant 0 : i32
        %dma_start3A_384 = tpu.memref_slice %arg14[%dma_start3A_382, %dma_start3A_383] : memref<10112x16xf32, #tpu.memory_space<vmem_shared>> -> memref<10112x16xf32, #tpu.memory_space<vmem_shared>>
        tpu.enqueue_indirect_dma source(%arg12 : memref<128x16xf32, #tpu.memory_space<vmem>>) target(%dma_start3A_384 : memref<10112x16xf32, #tpu.memory_space<vmem_shared>>) offsets(%dma_start3A_381 : memref<128xi32, #tpu.memory_space<vmem>>) semaphore(%arg24 : memref<!tpu.dma_semaphore, #tpu.memory_space<semaphore_mem>>) {add = true}
        %add3A_385 = arith.constant 3 : i32
        %add3A_386 = arith.addi %add3A_342, %add3A_385 : i32
        %lt3A_387 = arith.cmpi slt, %add3A_386, %add3A_4 : i32
        %ge3A_388 = arith.constant 1 : i32
        %ge3A_389 = arith.cmpi sge, %add3A_342, %ge3A_388 : i32
        %and3A_390 = arith.andi %lt3A_387, %ge3A_389 : i1
        %convert_element_type3A_391 = arith.extui %and3A_390 : i1 to i32
        %cond3A_392 = arith.constant 0 : i32
        %cond3A_393 = arith.cmpi ne, %convert_element_type3A_391, %cond3A_392 : i32
        scf.if %cond3A_393 {
          %add3A_394 = arith.constant 3 : i32
          %add3A_395 = arith.addi %add3A_342, %add3A_394 : i32
          %add3A_396 = arith.addi %add3A_8, %add3A_395 : i32
          %mul3A_397 = arith.constant 128 : i32
          %mul3A_398 = arith.muli %add3A_396, %mul3A_397 : i32
          %dma_start3A_399 = arith.constant 0 : i32
          %dma_start3A_400 = arith.constant 2 : i32
          %dma_start3A_401 = arith.constant 0 : i32
          %dma_start3A_402 = tpu.memref_slice %arg9[%dma_start3A_400, %dma_start3A_401] : memref<4x128xi32, #tpu.memory_space<vmem>> -> memref<1x128xi32, #tpu.memory_space<vmem>>
          %dma_start3A_403 = tpu.memref_squeeze %dma_start3A_402 : memref<1x128xi32, #tpu.memory_space<vmem>> -> memref<128xi32, #tpu.memory_space<vmem>>
          %dma_start3A_404 = arith.constant 0 : i32
          %dma_start3A_405 = tpu.memref_slice %arg3[%dma_start3A_399, %dma_start3A_404] : memref<2x320000xi32, #tpu.memory_space<hbm>> -> memref<1x320000xi32, #tpu.memory_space<hbm>>
          %dma_start3A_406 = tpu.memref_squeeze %dma_start3A_405 : memref<1x320000xi32, #tpu.memory_space<hbm>> -> memref<320000xi32, #tpu.memory_space<hbm>>
          %dma_start3A_407 = tpu.memref_slice %dma_start3A_406[%mul3A_398] : memref<320000xi32, #tpu.memory_space<hbm>> -> memref<128xi32, #tpu.memory_space<hbm>>
          %dma_start3A_408 = arith.constant 0 : i32
          %dma_start3A_409 = tpu.memref_slice %arg9[%dma_start3A_400, %dma_start3A_408] : memref<4x128xi32, #tpu.memory_space<vmem>> -> memref<1x128xi32, #tpu.memory_space<vmem>>
          %dma_start3A_410 = tpu.memref_squeeze %dma_start3A_409 : memref<1x128xi32, #tpu.memory_space<vmem>> -> memref<128xi32, #tpu.memory_space<vmem>>
          %dma_start3A_411 = arith.constant 0 : i32
          %dma_start3A_412 = tpu.memref_slice %arg3[%dma_start3A_399, %dma_start3A_411] : memref<2x320000xi32, #tpu.memory_space<hbm>> -> memref<1x320000xi32, #tpu.memory_space<hbm>>
          %dma_start3A_413 = tpu.memref_squeeze %dma_start3A_412 : memref<1x320000xi32, #tpu.memory_space<hbm>> -> memref<320000xi32, #tpu.memory_space<hbm>>
          %dma_start3A_414 = tpu.memref_slice %dma_start3A_413[%mul3A_398] : memref<320000xi32, #tpu.memory_space<hbm>> -> memref<128xi32, #tpu.memory_space<hbm>>
          tpu.enqueue_dma source(%dma_start3A_414 : memref<128xi32, #tpu.memory_space<hbm>>) target(%dma_start3A_410 : memref<128xi32, #tpu.memory_space<vmem>>) target_semaphore(%arg17 : memref<!tpu.dma_semaphore, #tpu.memory_space<semaphore_mem>>)
          %dma_start3A_415 = arith.constant 1 : i32
          %dma_start3A_416 = arith.constant 2 : i32
          %dma_start3A_417 = arith.constant 0 : i32
          %dma_start3A_418 = tpu.memref_slice %arg10[%dma_start3A_416, %dma_start3A_417] : memref<4x128xi32, #tpu.memory_space<vmem>> -> memref<1x128xi32, #tpu.memory_space<vmem>>
          %dma_start3A_419 = tpu.memref_squeeze %dma_start3A_418 : memref<1x128xi32, #tpu.memory_space<vmem>> -> memref<128xi32, #tpu.memory_space<vmem>>
          %dma_start3A_420 = arith.constant 0 : i32
          %dma_start3A_421 = tpu.memref_slice %arg3[%dma_start3A_415, %dma_start3A_420] : memref<2x320000xi32, #tpu.memory_space<hbm>> -> memref<1x320000xi32, #tpu.memory_space<hbm>>
          %dma_start3A_422 = tpu.memref_squeeze %dma_start3A_421 : memref<1x320000xi32, #tpu.memory_space<hbm>> -> memref<320000xi32, #tpu.memory_space<hbm>>
          %dma_start3A_423 = tpu.memref_slice %dma_start3A_422[%mul3A_398] : memref<320000xi32, #tpu.memory_space<hbm>> -> memref<128xi32, #tpu.memory_space<hbm>>
          %dma_start3A_424 = arith.constant 0 : i32
          %dma_start3A_425 = tpu.memref_slice %arg10[%dma_start3A_416, %dma_start3A_424] : memref<4x128xi32, #tpu.memory_space<vmem>> -> memref<1x128xi32, #tpu.memory_space<vmem>>
          %dma_start3A_426 = tpu.memref_squeeze %dma_start3A_425 : memref<1x128xi32, #tpu.memory_space<vmem>> -> memref<128xi32, #tpu.memory_space<vmem>>
          %dma_start3A_427 = arith.constant 0 : i32
          %dma_start3A_428 = tpu.memref_slice %arg3[%dma_start3A_415, %dma_start3A_427] : memref<2x320000xi32, #tpu.memory_space<hbm>> -> memref<1x320000xi32, #tpu.memory_space<hbm>>
          %dma_start3A_429 = tpu.memref_squeeze %dma_start3A_428 : memref<1x320000xi32, #tpu.memory_space<hbm>> -> memref<320000xi32, #tpu.memory_space<hbm>>
          %dma_start3A_430 = tpu.memref_slice %dma_start3A_429[%mul3A_398] : memref<320000xi32, #tpu.memory_space<hbm>> -> memref<128xi32, #tpu.memory_space<hbm>>
          tpu.enqueue_dma source(%dma_start3A_430 : memref<128xi32, #tpu.memory_space<hbm>>) target(%dma_start3A_426 : memref<128xi32, #tpu.memory_space<vmem>>) target_semaphore(%arg17 : memref<!tpu.dma_semaphore, #tpu.memory_space<semaphore_mem>>)
        } else {
        }
      } else {
      }
    }
    %sub3A_236 = arith.constant 1 : i32
    %sub3A_237 = arith.subi %add3A_4, %sub3A_236 : i32
    %jit3A_238 = arith.constant 2 : i32
    %eq3A = arith.constant 0 : i32
    %eq3A_239 = arith.cmpi eq, %jit3A_238, %eq3A : i32
    %jit3A_240 = arith.constant 1 : i32
    %select_n3A_241 = arith.select %eq3A_239, %jit3A_240, %jit3A_238 : i32
    %rem3A_242 = arith.remsi %sub3A_237, %select_n3A_241 : i32
    %ne3A_243 = arith.constant 0 : i32
    %ne3A_244 = arith.cmpi ne, %rem3A_242, %ne3A_243 : i32
    %lt3A_245 = arith.constant 0 : i32
    %lt3A_246 = arith.cmpi slt, %rem3A_242, %lt3A_245 : i32
    %lt3A_247 = arith.constant 0 : i32
    %lt3A_248 = arith.cmpi slt, %select_n3A_241, %lt3A_247 : i32
    %ne3A_249 = arith.xori %lt3A_246, %lt3A_248 : i1
    %and3A_250 = arith.andi %ne3A_249, %ne3A_244 : i1
    %add3A_251 = arith.addi %rem3A_242, %select_n3A_241 : i32
    %select_n3A_252 = arith.select %and3A_250, %add3A_251, %rem3A_242 : i32
    %eq3A_253 = arith.constant 0 : i32
    %eq3A_254 = arith.cmpi eq, %select_n3A_252, %eq3A_253 : i32
    %convert_element_type3A = arith.extui %eq3A_254 : i1 to i32
    %cond3A = arith.constant 0 : i32
    %cond3A_255 = arith.cmpi ne, %convert_element_type3A, %cond3A : i32
    scf.if %cond3A_255 {
      %dma_wait3A_270 = arith.constant 0 : i32
      %dma_wait3A_271 = arith.constant 0 : i32
      %dma_wait3A_272 = arith.constant 0 : i32
      %dma_wait3A_273 = arith.constant 0 : i32
      %dma_wait3A_274 = tpu.memref_slice %arg11[%dma_wait3A_270, %dma_wait3A_272, %dma_wait3A_273] : memref<2x128x128xf32, #tpu.memory_space<vmem>> -> memref<1x128x128xf32, #tpu.memory_space<vmem>>
      %dma_wait3A_275 = tpu.memref_squeeze %dma_wait3A_274 : memref<1x128x128xf32, #tpu.memory_space<vmem>> -> memref<128x128xf32, #tpu.memory_space<vmem>>
      %dma_wait3A_276 = arith.constant 0 : i32
      %dma_wait3A_277 = tpu.memref_slice %arg10[%dma_wait3A_271, %dma_wait3A_276] : memref<4x128xi32, #tpu.memory_space<vmem>> -> memref<1x128xi32, #tpu.memory_space<vmem>>
      %dma_wait3A_278 = tpu.memref_squeeze %dma_wait3A_277 : memref<1x128xi32, #tpu.memory_space<vmem>> -> memref<128xi32, #tpu.memory_space<vmem>>
      %dma_wait3A_279 = arith.constant 0 : i32
      %dma_wait3A_280 = arith.constant 0 : i32
      %dma_wait3A_281 = tpu.memref_slice %arg13[%dma_wait3A_279, %dma_wait3A_280] : memref<10112x128xf32, #tpu.memory_space<vmem_shared>> -> memref<10112x128xf32, #tpu.memory_space<vmem_shared>>
      tpu.wait_indirect_dma semaphore(%arg21 : memref<!tpu.dma_semaphore, #tpu.memory_space<semaphore_mem>>) src(%dma_wait3A_275 : memref<128x128xf32, #tpu.memory_space<vmem>>) dst(%dma_wait3A_281 : memref<10112x128xf32, #tpu.memory_space<vmem_shared>>)
      %dma_wait3A_282 = arith.constant 0 : i32
      %dma_wait3A_283 = arith.constant 0 : i32
      %dma_wait3A_284 = tpu.memref_slice %arg10[%dma_wait3A_282, %dma_wait3A_283] : memref<4x128xi32, #tpu.memory_space<vmem>> -> memref<1x128xi32, #tpu.memory_space<vmem>>
      %dma_wait3A_285 = tpu.memref_squeeze %dma_wait3A_284 : memref<1x128xi32, #tpu.memory_space<vmem>> -> memref<128xi32, #tpu.memory_space<vmem>>
      %dma_wait3A_286 = arith.constant 0 : i32
      %dma_wait3A_287 = arith.constant 0 : i32
      %dma_wait3A_288 = tpu.memref_slice %arg14[%dma_wait3A_286, %dma_wait3A_287] : memref<10112x16xf32, #tpu.memory_space<vmem_shared>> -> memref<10112x16xf32, #tpu.memory_space<vmem_shared>>
      tpu.wait_indirect_dma semaphore(%arg23 : memref<!tpu.dma_semaphore, #tpu.memory_space<semaphore_mem>>) src(%arg12 : memref<128x16xf32, #tpu.memory_space<vmem>>) dst(%dma_wait3A_288 : memref<10112x16xf32, #tpu.memory_space<vmem_shared>>)
    } else {
    }
    %eq3A_256 = arith.constant 1 : i32
    %eq3A_257 = arith.cmpi eq, %select_n3A_252, %eq3A_256 : i32
    %convert_element_type3A_258 = arith.extui %eq3A_257 : i1 to i32
    %cond3A_259 = arith.constant 0 : i32
    %cond3A_260 = arith.cmpi ne, %convert_element_type3A_258, %cond3A_259 : i32
    scf.if %cond3A_260 {
      %dma_wait3A_270 = arith.constant 1 : i32
      %dma_wait3A_271 = arith.constant 0 : i32
      %dma_wait3A_272 = arith.constant 0 : i32
      %dma_wait3A_273 = arith.constant 0 : i32
      %dma_wait3A_274 = tpu.memref_slice %arg11[%dma_wait3A_270, %dma_wait3A_272, %dma_wait3A_273] : memref<2x128x128xf32, #tpu.memory_space<vmem>> -> memref<1x128x128xf32, #tpu.memory_space<vmem>>
      %dma_wait3A_275 = tpu.memref_squeeze %dma_wait3A_274 : memref<1x128x128xf32, #tpu.memory_space<vmem>> -> memref<128x128xf32, #tpu.memory_space<vmem>>
      %dma_wait3A_276 = arith.constant 0 : i32
      %dma_wait3A_277 = tpu.memref_slice %arg10[%dma_wait3A_271, %dma_wait3A_276] : memref<4x128xi32, #tpu.memory_space<vmem>> -> memref<1x128xi32, #tpu.memory_space<vmem>>
      %dma_wait3A_278 = tpu.memref_squeeze %dma_wait3A_277 : memref<1x128xi32, #tpu.memory_space<vmem>> -> memref<128xi32, #tpu.memory_space<vmem>>
      %dma_wait3A_279 = arith.constant 0 : i32
      %dma_wait3A_280 = arith.constant 0 : i32
      %dma_wait3A_281 = tpu.memref_slice %arg13[%dma_wait3A_279, %dma_wait3A_280] : memref<10112x128xf32, #tpu.memory_space<vmem_shared>> -> memref<10112x128xf32, #tpu.memory_space<vmem_shared>>
      tpu.wait_indirect_dma semaphore(%arg22 : memref<!tpu.dma_semaphore, #tpu.memory_space<semaphore_mem>>) src(%dma_wait3A_275 : memref<128x128xf32, #tpu.memory_space<vmem>>) dst(%dma_wait3A_281 : memref<10112x128xf32, #tpu.memory_space<vmem_shared>>)
      %dma_wait3A_282 = arith.constant 0 : i32
      %dma_wait3A_283 = arith.constant 0 : i32
      %dma_wait3A_284 = tpu.memref_slice %arg10[%dma_wait3A_282, %dma_wait3A_283] : memref<4x128xi32, #tpu.memory_space<vmem>> -> memref<1x128xi32, #tpu.memory_space<vmem>>
      %dma_wait3A_285 = tpu.memref_squeeze %dma_wait3A_284 : memref<1x128xi32, #tpu.memory_space<vmem>> -> memref<128xi32, #tpu.memory_space<vmem>>
      %dma_wait3A_286 = arith.constant 0 : i32
      %dma_wait3A_287 = arith.constant 0 : i32
      %dma_wait3A_288 = tpu.memref_slice %arg14[%dma_wait3A_286, %dma_wait3A_287] : memref<10112x16xf32, #tpu.memory_space<vmem_shared>> -> memref<10112x16xf32, #tpu.memory_space<vmem_shared>>
      tpu.wait_indirect_dma semaphore(%arg24 : memref<!tpu.dma_semaphore, #tpu.memory_space<semaphore_mem>>) src(%arg12 : memref<128x16xf32, #tpu.memory_space<vmem>>) dst(%dma_wait3A_288 : memref<10112x16xf32, #tpu.memory_space<vmem_shared>>)
    } else {
    }
    %barrier3A_261 = arith.constant 0 : index
    tpu.barrier barrier_id(%barrier3A_261)
    %mul3A_262 = arith.constant 632 : i32
    %mul3A_263 = arith.muli %arg1, %mul3A_262 : i32
    %mul3A_264 = arith.constant 632 : i32
    %mul3A_265 = arith.muli %arg1, %mul3A_264 : i32
    "tpu.region"() ({
      %run_scoped3A = tpu.sem_alloc : memref<!tpu.dma_semaphore, #tpu.memory_space<semaphore_mem>>
      %dma_start3A_270 = arith.constant 0 : i32
      %dma_start3A_271 = arith.constant 0 : i32
      %dma_start3A_272 = tpu.memref_slice %arg7[%arg0, %dma_start3A_270, %dma_start3A_271] : memref<2x10112x128xf32, #tpu.memory_space<hbm>> -> memref<1x10112x128xf32, #tpu.memory_space<hbm>>
      %dma_start3A_273 = tpu.memref_squeeze %dma_start3A_272 : memref<1x10112x128xf32, #tpu.memory_space<hbm>> -> memref<10112x128xf32, #tpu.memory_space<hbm>>
      %dma_start3A_274 = arith.constant 0 : i32
      %dma_start3A_275 = tpu.memref_slice %dma_start3A_273[%mul3A_265, %dma_start3A_274] : memref<10112x128xf32, #tpu.memory_space<hbm>> -> memref<632x128xf32, #tpu.memory_space<hbm>>
      %dma_start3A_276 = arith.constant 0 : i32
      %dma_start3A_277 = tpu.memref_slice %arg13[%mul3A_263, %dma_start3A_276] : memref<10112x128xf32, #tpu.memory_space<vmem_shared>> -> memref<632x128xf32, #tpu.memory_space<vmem_shared>>
      tpu.enqueue_dma source(%dma_start3A_277 : memref<632x128xf32, #tpu.memory_space<vmem_shared>>) target(%dma_start3A_275 : memref<632x128xf32, #tpu.memory_space<hbm>>) target_semaphore(%run_scoped3A : memref<!tpu.dma_semaphore, #tpu.memory_space<semaphore_mem>>)
      %dma_wait3A_278 = arith.constant 0 : i32
      %dma_wait3A_279 = arith.constant 0 : i32
      %dma_wait3A_280 = tpu.memref_slice %arg7[%arg0, %dma_wait3A_278, %dma_wait3A_279] : memref<2x10112x128xf32, #tpu.memory_space<hbm>> -> memref<1x10112x128xf32, #tpu.memory_space<hbm>>
      %dma_wait3A_281 = tpu.memref_squeeze %dma_wait3A_280 : memref<1x10112x128xf32, #tpu.memory_space<hbm>> -> memref<10112x128xf32, #tpu.memory_space<hbm>>
      %dma_wait3A_282 = arith.constant 0 : i32
      %dma_wait3A_283 = tpu.memref_slice %dma_wait3A_281[%mul3A_265, %dma_wait3A_282] : memref<10112x128xf32, #tpu.memory_space<hbm>> -> memref<632x128xf32, #tpu.memory_space<hbm>>
      %dma_wait3A_284 = arith.constant 0 : i32
      %dma_wait3A_285 = tpu.memref_slice %arg13[%mul3A_263, %dma_wait3A_284] : memref<10112x128xf32, #tpu.memory_space<vmem_shared>> -> memref<632x128xf32, #tpu.memory_space<vmem_shared>>
      tpu.wait_dma2 semaphore(%run_scoped3A : memref<!tpu.dma_semaphore, #tpu.memory_space<semaphore_mem>>) src(%dma_wait3A_285 : memref<632x128xf32, #tpu.memory_space<vmem_shared>>) dst(%dma_wait3A_283 : memref<632x128xf32, #tpu.memory_space<hbm>>)
      tpu.yield
    }) : () -> ()
    %mul3A_266 = arith.constant 632 : i32
    %mul3A_267 = arith.muli %arg1, %mul3A_266 : i32
    %mul3A_268 = arith.constant 632 : i32
    %mul3A_269 = arith.muli %arg1, %mul3A_268 : i32
    "tpu.region"() ({
      %run_scoped3A = tpu.sem_alloc : memref<!tpu.dma_semaphore, #tpu.memory_space<semaphore_mem>>
      %dma_start3A_270 = arith.constant 0 : i32
      %dma_start3A_271 = arith.constant 0 : i32
      %dma_start3A_272 = tpu.memref_slice %arg8[%arg0, %dma_start3A_270, %dma_start3A_271] : memref<2x10112x16xf32, #tpu.memory_space<hbm>> -> memref<1x10112x16xf32, #tpu.memory_space<hbm>>
      %dma_start3A_273 = tpu.memref_squeeze %dma_start3A_272 : memref<1x10112x16xf32, #tpu.memory_space<hbm>> -> memref<10112x16xf32, #tpu.memory_space<hbm>>
      %dma_start3A_274 = arith.constant 0 : i32
      %dma_start3A_275 = tpu.memref_slice %dma_start3A_273[%mul3A_269, %dma_start3A_274] : memref<10112x16xf32, #tpu.memory_space<hbm>> -> memref<632x16xf32, #tpu.memory_space<hbm>>
      %dma_start3A_276 = arith.constant 0 : i32
      %dma_start3A_277 = tpu.memref_slice %arg14[%mul3A_267, %dma_start3A_276] : memref<10112x16xf32, #tpu.memory_space<vmem_shared>> -> memref<632x16xf32, #tpu.memory_space<vmem_shared>>
      tpu.enqueue_dma source(%dma_start3A_277 : memref<632x16xf32, #tpu.memory_space<vmem_shared>>) target(%dma_start3A_275 : memref<632x16xf32, #tpu.memory_space<hbm>>) target_semaphore(%run_scoped3A : memref<!tpu.dma_semaphore, #tpu.memory_space<semaphore_mem>>)
      %dma_wait3A_278 = arith.constant 0 : i32
      %dma_wait3A_279 = arith.constant 0 : i32
      %dma_wait3A_280 = tpu.memref_slice %arg8[%arg0, %dma_wait3A_278, %dma_wait3A_279] : memref<2x10112x16xf32, #tpu.memory_space<hbm>> -> memref<1x10112x16xf32, #tpu.memory_space<hbm>>
      %dma_wait3A_281 = tpu.memref_squeeze %dma_wait3A_280 : memref<1x10112x16xf32, #tpu.memory_space<hbm>> -> memref<10112x16xf32, #tpu.memory_space<hbm>>
      %dma_wait3A_282 = arith.constant 0 : i32
      %dma_wait3A_283 = tpu.memref_slice %dma_wait3A_281[%mul3A_269, %dma_wait3A_282] : memref<10112x16xf32, #tpu.memory_space<hbm>> -> memref<632x16xf32, #tpu.memory_space<hbm>>
      %dma_wait3A_284 = arith.constant 0 : i32
      %dma_wait3A_285 = tpu.memref_slice %arg14[%mul3A_267, %dma_wait3A_284] : memref<10112x16xf32, #tpu.memory_space<vmem_shared>> -> memref<632x16xf32, #tpu.memory_space<vmem_shared>>
      tpu.wait_dma2 semaphore(%run_scoped3A : memref<!tpu.dma_semaphore, #tpu.memory_space<semaphore_mem>>) src(%dma_wait3A_285 : memref<632x16xf32, #tpu.memory_space<vmem_shared>>) dst(%dma_wait3A_283 : memref<632x16xf32, #tpu.memory_space<hbm>>)
      tpu.yield
    }) : () -> ()
    return
  }
}

module attributes {stable_mosaic.version = 14 : i64} {
  func.func @_bn_body(%arg0: memref<10000x128xf32, #tpu.memory_space<vmem>>, %arg1: memref<1x128xf32, #tpu.memory_space<vmem>>, %arg2: memref<1x128xf32, #tpu.memory_space<vmem>>, %arg3: memref<10000x128xf32, #tpu.memory_space<vmem>>) attributes {dimension_semantics = [], scalar_prefetch = 0 : i64, scratch_operands = 0 : i64, tpu.core_type = #tpu.core_type<tc>} {
    %get3A = arith.constant 0 : index
    %get3A_0 = arith.constant 0 : index
    %get3A_1 = vector.load %arg0[%get3A, %get3A_0] : memref<10000x128xf32, #tpu.memory_space<vmem>>, vector<10000x128xf32>
    %reduce_sum3A = arith.constant dense<0.000000e+00> : vector<128xf32>
    %reduce_sum3A_2 = vector.multi_reduction <add>, %get3A_1, %reduce_sum3A [0] : vector<10000x128xf32> to vector<128xf32>
    %broadcast_in_dim3A = vector.shape_cast %reduce_sum3A_2 : vector<128xf32> to vector<1x128xf32>
    %div3A = arith.constant 1.000000e+04 : f32
    %div3A_3 = vector.broadcast %div3A : f32 to vector<1x128xf32>
    %div3A_4 = arith.divf %broadcast_in_dim3A, %div3A_3 : vector<1x128xf32>
    %sub3A = vector.broadcast %div3A_4 : vector<1x128xf32> to vector<10000x128xf32>
    %sub3A_5 = arith.subf %get3A_1, %sub3A : vector<10000x128xf32>
    %mul3A = arith.mulf %sub3A_5, %sub3A_5 : vector<10000x128xf32>
    %reduce_sum3A_6 = arith.constant dense<0.000000e+00> : vector<128xf32>
    %reduce_sum3A_7 = vector.multi_reduction <add>, %mul3A, %reduce_sum3A_6 [0] : vector<10000x128xf32> to vector<128xf32>
    %broadcast_in_dim3A_8 = vector.shape_cast %reduce_sum3A_7 : vector<128xf32> to vector<1x128xf32>
    %div3A_9 = arith.constant 1.000000e+04 : f32
    %div3A_10 = vector.broadcast %div3A_9 : f32 to vector<1x128xf32>
    %div3A_11 = arith.divf %broadcast_in_dim3A_8, %div3A_10 : vector<1x128xf32>
    %add3A = arith.constant 9.99999974E-6 : f32
    %add3A_12 = vector.broadcast %add3A : f32 to vector<1x128xf32>
    %add3A_13 = arith.addf %div3A_11, %add3A_12 : vector<1x128xf32>
    %rsqrt3A = math.rsqrt %add3A_13 : vector<1x128xf32>
    %mul3A_14 = vector.broadcast %rsqrt3A : vector<1x128xf32> to vector<10000x128xf32>
    %mul3A_15 = arith.mulf %sub3A_5, %mul3A_14 : vector<10000x128xf32>
    %get3A_16 = arith.constant 0 : index
    %get3A_17 = arith.constant 0 : index
    %get3A_18 = vector.load %arg1[%get3A_16, %get3A_17] : memref<1x128xf32, #tpu.memory_space<vmem>>, vector<1x128xf32>
    %mul3A_19 = vector.broadcast %get3A_18 : vector<1x128xf32> to vector<10000x128xf32>
    %mul3A_20 = arith.mulf %mul3A_15, %mul3A_19 : vector<10000x128xf32>
    %get3A_21 = arith.constant 0 : index
    %get3A_22 = arith.constant 0 : index
    %get3A_23 = vector.load %arg2[%get3A_21, %get3A_22] : memref<1x128xf32, #tpu.memory_space<vmem>>, vector<1x128xf32>
    %add3A_24 = vector.broadcast %get3A_23 : vector<1x128xf32> to vector<10000x128xf32>
    %add3A_25 = arith.addf %mul3A_20, %add3A_24 : vector<10000x128xf32>
    %swap3A = arith.constant 0 : index
    %swap3A_26 = arith.constant 0 : index
    %swap3A_27 = vector.load %arg3[%swap3A, %swap3A_26] : memref<10000x128xf32, #tpu.memory_space<vmem>>, vector<10000x128xf32>
    tpu.vector_store %arg3[%swap3A, %swap3A_26], %add3A_25 {strides = array<i32>} : memref<10000x128xf32, #tpu.memory_space<vmem>>, vector<10000x128xf32>,
    return
  }
}

module attributes {stable_mosaic.version = 14 : i64} {
  func.func @_head_body(%arg0: i32, %arg1: memref<2x2000x128xf32, #tpu.memory_space<vmem>>, %arg2: memref<2x2000x16xf32, #tpu.memory_space<vmem>>, %arg3: memref<2000x128xf32, #tpu.memory_space<vmem>>, %arg4: memref<128x128xf32, #tpu.memory_space<vmem>>, %arg5: memref<1x128xf32, #tpu.memory_space<vmem>>, %arg6: memref<128x128xf32, #tpu.memory_space<vmem>>, %arg7: memref<16x128xf32, #tpu.memory_space<vmem>>, %arg8: memref<1x16xf32, #tpu.memory_space<vmem>>, %arg9: memref<2x16xf32, #tpu.memory_space<vmem>>, %arg10: memref<1x2xf32, #tpu.memory_space<vmem>>, %arg11: memref<2000x2xf32, #tpu.memory_space<vmem>>) attributes {dimension_semantics = [#tpu.dimension_semantics<arbitrary>], iteration_bounds = array<i64: 5>, scalar_prefetch = 0 : i64, scratch_operands = 0 : i64, tpu.core_type = #tpu.core_type<tc>, window_params = [{transform_indices = @transform_0, window_bounds = array<i64: 2, 2000, 128>}, {transform_indices = @transform_1, window_bounds = array<i64: 2, 2000, 16>}, {transform_indices = @transform_2, window_bounds = array<i64: 2000, 128>}, {pipeline_mode = #tpu.pipeline_mode<synchronous>, transform_indices = @transform_3, window_bounds = array<i64: 128, 128>}, {pipeline_mode = #tpu.pipeline_mode<synchronous>, transform_indices = @transform_4, window_bounds = array<i64: 1, 128>}, {pipeline_mode = #tpu.pipeline_mode<synchronous>, transform_indices = @transform_5, window_bounds = array<i64: 128, 128>}, {pipeline_mode = #tpu.pipeline_mode<synchronous>, transform_indices = @transform_6, window_bounds = array<i64: 16, 128>}, {pipeline_mode = #tpu.pipeline_mode<synchronous>, transform_indices = @transform_7, window_bounds = array<i64: 1, 16>}, {pipeline_mode = #tpu.pipeline_mode<synchronous>, transform_indices = @transform_8, window_bounds = array<i64: 2, 16>}, {pipeline_mode = #tpu.pipeline_mode<synchronous>, transform_indices = @transform_9, window_bounds = array<i64: 1, 2>}, {transform_indices = @transform_10, window_bounds = array<i64: 2000, 2>}]} {
    %get3A = arith.constant 0 : index
    %get3A_0 = arith.constant 0 : index
    %get3A_1 = arith.constant 0 : index
    %get3A_2 = vector.load %arg1[%get3A, %get3A_0, %get3A_1] : memref<2x2000x128xf32, #tpu.memory_space<vmem>>, vector<1x2000x128xf32>
    %get3A_3 = vector.shape_cast %get3A_2 : vector<1x2000x128xf32> to vector<2000x128xf32>
    %get3A_4 = arith.constant 1 : index
    %get3A_5 = arith.constant 0 : index
    %get3A_6 = arith.constant 0 : index
    %get3A_7 = vector.load %arg1[%get3A_4, %get3A_5, %get3A_6] : memref<2x2000x128xf32, #tpu.memory_space<vmem>>, vector<1x2000x128xf32>
    %get3A_8 = vector.shape_cast %get3A_7 : vector<1x2000x128xf32> to vector<2000x128xf32>
    %add3A = arith.addf %get3A_3, %get3A_8 : vector<2000x128xf32>
    %get3A_9 = arith.constant 0 : index
    %get3A_10 = arith.constant 0 : index
    %get3A_11 = arith.constant 0 : index
    %get3A_12 = vector.load %arg2[%get3A_9, %get3A_10, %get3A_11] : memref<2x2000x16xf32, #tpu.memory_space<vmem>>, vector<1x2000x16xf32>
    %get3A_13 = vector.shape_cast %get3A_12 : vector<1x2000x16xf32> to vector<2000x16xf32>
    %get3A_14 = arith.constant 1 : index
    %get3A_15 = arith.constant 0 : index
    %get3A_16 = arith.constant 0 : index
    %get3A_17 = vector.load %arg2[%get3A_14, %get3A_15, %get3A_16] : memref<2x2000x16xf32, #tpu.memory_space<vmem>>, vector<1x2000x16xf32>
    %get3A_18 = vector.shape_cast %get3A_17 : vector<1x2000x16xf32> to vector<2000x16xf32>
    %add3A_19 = arith.addf %get3A_13, %get3A_18 : vector<2000x16xf32>
    %slice3A = vector.extract_strided_slice %add3A_19 {offsets = [0, 0], sizes = [2000, 1], strides = [1, 1]} : vector<2000x16xf32> to vector<2000x1xf32>
    %max3A = arith.constant 1.000000e+00 : f32
    %max3A_20 = vector.broadcast %max3A : f32 to vector<2000x1xf32>
    %max3A_21 = arith.maximumf %slice3A, %max3A_20 : vector<2000x1xf32>
    %div3A = vector.broadcast %max3A_21 : vector<2000x1xf32> to vector<2000x128xf32>
    %div3A_22 = arith.divf %add3A, %div3A : vector<2000x128xf32>
    %get3A_23 = arith.constant 0 : index
    %get3A_24 = arith.constant 0 : index
    %get3A_25 = vector.load %arg3[%get3A_23, %get3A_24] : memref<2000x128xf32, #tpu.memory_space<vmem>>, vector<2000x128xf32>
    %get3A_26 = arith.constant 0 : index
    %get3A_27 = arith.constant 0 : index
    %get3A_28 = vector.load %arg4[%get3A_26, %get3A_27] : memref<128x128xf32, #tpu.memory_space<vmem>>, vector<128x128xf32>
    %dot_general3A = arith.constant dense<0.000000e+00> : vector<2000x128xf32>
    %dot_general3A_29 = tpu.matmul %div3A_22, %get3A_28, %dot_general3A {dimension_numbers = #tpu.dot_dimension_numbers<[1], [1], [0], [0], [0, 0, 1, 0], [], []>, transpose_lhs_hint = false} : vector<2000x128xf32>, vector<128x128xf32>, vector<2000x128xf32> -> vector<2000x128xf32>
    %get3A_30 = arith.constant 0 : index
    %get3A_31 = arith.constant 0 : index
    %get3A_32 = vector.load %arg6[%get3A_30, %get3A_31] : memref<128x128xf32, #tpu.memory_space<vmem>>, vector<128x128xf32>
    %dot_general3A_33 = arith.constant dense<0.000000e+00> : vector<2000x128xf32>
    %dot_general3A_34 = tpu.matmul %get3A_25, %get3A_32, %dot_general3A_33 {dimension_numbers = #tpu.dot_dimension_numbers<[1], [1], [0], [0], [0, 0, 1, 0], [], []>, transpose_lhs_hint = false} : vector<2000x128xf32>, vector<128x128xf32>, vector<2000x128xf32> -> vector<2000x128xf32>
    %add3A_35 = arith.addf %dot_general3A_29, %dot_general3A_34 : vector<2000x128xf32>
    %get3A_36 = arith.constant 0 : index
    %get3A_37 = arith.constant 0 : index
    %get3A_38 = vector.load %arg5[%get3A_36, %get3A_37] : memref<1x128xf32, #tpu.memory_space<vmem>>, vector<1x128xf32>
    %add3A_39 = vector.broadcast %get3A_38 : vector<1x128xf32> to vector<2000x128xf32>
    %add3A_40 = arith.addf %add3A_35, %add3A_39 : vector<2000x128xf32>
    %max3A_41 = arith.constant 0.000000e+00 : f32
    %max3A_42 = vector.broadcast %max3A_41 : f32 to vector<2000x128xf32>
    %max3A_43 = arith.maximumf %add3A_40, %max3A_42 : vector<2000x128xf32>
    %get3A_44 = arith.constant 0 : index
    %get3A_45 = arith.constant 0 : index
    %get3A_46 = vector.load %arg7[%get3A_44, %get3A_45] : memref<16x128xf32, #tpu.memory_space<vmem>>, vector<16x128xf32>
    %dot_general3A_47 = arith.constant dense<0.000000e+00> : vector<2000x16xf32>
    %dot_general3A_48 = tpu.matmul %max3A_43, %get3A_46, %dot_general3A_47 {dimension_numbers = #tpu.dot_dimension_numbers<[1], [1], [0], [0], [0, 0, 1, 0], [], []>, transpose_lhs_hint = false} : vector<2000x128xf32>, vector<16x128xf32>, vector<2000x16xf32> -> vector<2000x16xf32>
    %get3A_49 = arith.constant 0 : index
    %get3A_50 = arith.constant 0 : index
    %get3A_51 = vector.load %arg8[%get3A_49, %get3A_50] : memref<1x16xf32, #tpu.memory_space<vmem>>, vector<1x16xf32>
    %add3A_52 = vector.broadcast %get3A_51 : vector<1x16xf32> to vector<2000x16xf32>
    %add3A_53 = arith.addf %dot_general3A_48, %add3A_52 : vector<2000x16xf32>
    %max3A_54 = arith.constant 0.000000e+00 : f32
    %max3A_55 = vector.broadcast %max3A_54 : f32 to vector<2000x16xf32>
    %max3A_56 = arith.maximumf %add3A_53, %max3A_55 : vector<2000x16xf32>
    %get3A_57 = arith.constant 0 : index
    %get3A_58 = arith.constant 0 : index
    %get3A_59 = vector.load %arg9[%get3A_57, %get3A_58] : memref<2x16xf32, #tpu.memory_space<vmem>>, vector<2x16xf32>
    %dot_general3A_60 = arith.constant dense<0.000000e+00> : vector<2000x2xf32>
    %dot_general3A_61 = tpu.matmul %max3A_56, %get3A_59, %dot_general3A_60 {dimension_numbers = #tpu.dot_dimension_numbers<[1], [1], [0], [0], [0, 0, 1, 0], [], []>, transpose_lhs_hint = false} : vector<2000x16xf32>, vector<2x16xf32>, vector<2000x2xf32> -> vector<2000x2xf32>
    %get3A_62 = arith.constant 0 : index
    %get3A_63 = arith.constant 0 : index
    %get3A_64 = vector.load %arg10[%get3A_62, %get3A_63] : memref<1x2xf32, #tpu.memory_space<vmem>>, vector<1x2xf32>
    %add3A_65 = vector.broadcast %get3A_64 : vector<1x2xf32> to vector<2000x2xf32>
    %add3A_66 = arith.addf %dot_general3A_61, %add3A_65 : vector<2000x2xf32>
    %swap3A = arith.constant 0 : index
    %swap3A_67 = arith.constant 0 : index
    %swap3A_68 = vector.load %arg11[%swap3A, %swap3A_67] : memref<2000x2xf32, #tpu.memory_space<vmem>>, vector<2000x2xf32>
    tpu.vector_store %arg11[%swap3A, %swap3A_67], %add3A_66 {strides = array<i32>} : memref<2000x2xf32, #tpu.memory_space<vmem>>, vector<2000x2xf32>,
    return
  }
  func.func @transform_0(%arg0: i32) -> (i32, i32, i32) {
    %c0_i32 = arith.constant 0 : i32
    %c0_i32_0 = arith.constant 0 : i32
    %c0_i32_1 = arith.constant 0 : i32
    return %c0_i32, %arg0, %c0_i32_0 : i32, i32, i32
  }
  func.func @transform_1(%arg0: i32) -> (i32, i32, i32) {
    %c0_i32 = arith.constant 0 : i32
    %c0_i32_0 = arith.constant 0 : i32
    %c0_i32_1 = arith.constant 0 : i32
    return %c0_i32, %arg0, %c0_i32_0 : i32, i32, i32
  }
  func.func @transform_2(%arg0: i32) -> (i32, i32) {
    %c0_i32 = arith.constant 0 : i32
    %c0_i32_0 = arith.constant 0 : i32
    return %arg0, %c0_i32 : i32, i32
  }
  func.func @transform_3(%arg0: i32) -> (i32, i32) {
    %c0_i32 = arith.constant 0 : i32
    %c0_i32_0 = arith.constant 0 : i32
    %c0_i32_1 = arith.constant 0 : i32
    return %c0_i32, %c0_i32_0 : i32, i32
  }
  func.func @transform_4(%arg0: i32) -> (i32, i32) {
    %c0_i32 = arith.constant 0 : i32
    %c0_i32_0 = arith.constant 0 : i32
    %c0_i32_1 = arith.constant 0 : i32
    return %c0_i32, %c0_i32_0 : i32, i32
  }
  func.func @transform_5(%arg0: i32) -> (i32, i32) {
    %c0_i32 = arith.constant 0 : i32
    %c0_i32_0 = arith.constant 0 : i32
    %c0_i32_1 = arith.constant 0 : i32
    return %c0_i32, %c0_i32_0 : i32, i32
  }
  func.func @transform_6(%arg0: i32) -> (i32, i32) {
    %c0_i32 = arith.constant 0 : i32
    %c0_i32_0 = arith.constant 0 : i32
    %c0_i32_1 = arith.constant 0 : i32
    return %c0_i32, %c0_i32_0 : i32, i32
  }
  func.func @transform_7(%arg0: i32) -> (i32, i32) {
    %c0_i32 = arith.constant 0 : i32
    %c0_i32_0 = arith.constant 0 : i32
    %c0_i32_1 = arith.constant 0 : i32
    return %c0_i32, %c0_i32_0 : i32, i32
  }
  func.func @transform_8(%arg0: i32) -> (i32, i32) {
    %c0_i32 = arith.constant 0 : i32
    %c0_i32_0 = arith.constant 0 : i32
    %c0_i32_1 = arith.constant 0 : i32
    return %c0_i32, %c0_i32_0 : i32, i32
  }
  func.func @transform_9(%arg0: i32) -> (i32, i32) {
    %c0_i32 = arith.constant 0 : i32
    %c0_i32_0 = arith.constant 0 : i32
    %c0_i32_1 = arith.constant 0 : i32
    return %c0_i32, %c0_i32_0 : i32, i32
  }
  func.func @transform_10(%arg0: i32) -> (i32, i32) {
    %c0_i32 = arith.constant 0 : i32
    %c0_i32_0 = arith.constant 0 : i32
    return %arg0, %c0_i32 : i32, i32
  }
}

</mosaic_0001>

<sc_bundles>
// kernel: kernel.5.cloned.1.call-start
scs
__scs_entry_jumppad:
0x0: {  	(pc) =	sbr.rel $0x88, $3  }
0x1: {  	(tag) =	ssettag $0x0;
	lr =	simm.s32 $0x1  }
0x2: {  	[smem:$0x3F96] =	sst lr;
	_ =	strace $0xD0000000  }
0x3: {  	_ = 	snop  }
0x4: {  	_ = 	snop  }
0x5: {  	_ = 	snop  }
0x6: {  	_ = 	snop  }
0x7: {  	_ = 	snop  }
__scs_overlays_trampoline_lowered:
0x8: {  	[smem:$0x3FA5] =	sst s0  }
0x9: {  	[smem:$0x3FA6] =	sst s1  }
0xa: {  	[smem:$0x3FA7] =	sst s2  }
0xb: {  	[smem:$0x3FA8] =	sst s3  }
0xc: {  	[smem:$0x3FA9] =	sst s4  }
0xd: {  	[smem:$0x3FAA] =	sst s5  }
0xe: {  	[smem:$0x3FAB] =	sst s6  }
0xf: {  	[smem:$0x3FAC] =	sst s7  }
0x10: {  	[smem:$0x3FAD] =	sst s8  }
0x11: {  	[smem:$0x3FAE] =	sst s9;
	s0 =	simm.s32 @!p0 $0x0  }
0x12: {  	s1 =	sld [smem:$0x3F94];
	s0 =	simm.s32 @p0 $0x1  }
0x13: {  	[smem:$0x3FAF] =	sst s0;
	s0 =	simm.s32 @!p1 $0x0  }
0x14: {  	s2 =	sld [smem:$0x3F93];
	s0 =	simm.s32 @p1 $0x1  }
0x15: {  	[smem:$0x3FB0] =	sst s0;
	s0 =	simm.s32 @!p2 $0x0  }
0x16: {  	s3 =	sld [smem:$0x3FDB];
	s0 =	simm.s32 @p2 $0x1  }
0x17: {  	s4 =	simm.s32 $0x1BF5;
	[smem:$0x3FB2] =	sst s0  }
0x18: {  	s0 =	sld [smem:$0x3F95];
	_ =	swait.ge [sflag:s4], $0x0  }
0x19: {  	s7 =	sld [smem:$0x3F96]  }
0x1a: {  	s8 =	sadd.s32 $0xFFFFE003, lr  }
0x1b: {  	s9 =	sadd.s32 $0xFFFFFEF7, lr;
	s5 =	simm.s32 $0xFFFFFFFF;
	p2 =	slt.u32 s8, $0xFFFFF086  }
0x1c: {  	p1 =	slt.u32 s9, $0xF7A;
	s5 =	simm.s32 @!p2 $0x0  }
0x1d: {  	s5 =	simm.s32 @p1 $0x1;
	p0 =	seq.s32 s7, s2  }
0x1e: {  	s7 =	smul.u32 @!p0 $0xF7A, s2;
	p2 =	seq.s32 @!p0 s5, $0x0  }
0x1f: {  	s9 =	smul.u32 $0xF7A, s1;
	s8 =	simm.s32 @!p0 $0x1BF5;
	p2 =	por !p2, p0  }
0x20: {  	[sflag:s8] =	ssyncset.s32 @!p0 $0xFFFFF086;
	s6 =	sadd.s32 @!p0 s3, s7;
	s7 =	simm.s32 @!p0 $0x108  }
0x21: {  	s3 =	sadd.s32 s3, s9;
	s6 =	sadd.s32 @!p0 $0x88, s6;
	s7 =	simm.s32 @p2 $0x1082  }
0x22: {  	[simem:s7], [sflag:s8] =	dma.local @!p0 [hbm:s6], $0xF7A  }
0x23: {  	s9 =	sor.u32 $0xD0000000, s2;
	s6 =	simm.s32 $0x108;
	_ =	swait.ge @!p0 [sflag:s8], $0x0  }
0x24: {  	s3 =	sadd.s32 $0x88, s3;
	s6 =	simm.s32 @!p1 $0x1082;
	[sflag:s4] =	ssyncset.s32 $0xFFFFF086  }
0x25: {  	[simem:s6], [sflag:s4] =	dma.local [hbm:s3], $0xF7A  }
0x26: {  	[smem:$0x3F96] =	sst s1;
	(tag) =	ssettag s2;
	_ =	strace s9  }
0x27: {  	s1 =	sld [smem:$0x3FA6]  }
0x28: {  	s2 =	sld [smem:$0x3FA7]  }
0x29: {  	s4 =	sld [smem:$0x3FA9]  }
0x2a: {  	p0 =	seq.s32 s5, $0x0;
	s5 =	sld [smem:$0x3FAA]  }
0x2b: {  	s6 =	sld [smem:$0x3FAB]  }
0x2c: {  	s7 =	sld [smem:$0x3FAC]  }
0x2d: {  	s3 =	simm.s32 $0x108;
	s8 =	sld [smem:$0x3FAD]  }
0x2e: {  	s3 =	simm.s32 @!p0 $0x1082;
	s9 =	sld [smem:$0x3FAE]  }
0x2f: {  	lr =	sadd.s32 s0, s3;
	s0 =	sld [smem:$0x3FA5]  }
0x30: {  	s3 =	sld [smem:$0x3FA8]  }
0x31: {  	[smem:$0x3FB1] =	sst s10  }
0x32: {  	s10 =	sld [smem:$0x3FAF];
	_ =	sdelay $0x3  }
0x33: {  	p0 =	seq.s32 s10, $0x1;
	s10 =	sld [smem:$0x3FB1];
	_ =	sdelay $0x3  }
0x34: {  	[smem:$0x3FB1] =	sst s10  }
0x35: {  	s10 =	sld [smem:$0x3FB0];
	_ =	sdelay $0x3  }
0x36: {  	p1 =	seq.s32 s10, $0x1;
	s10 =	sld [smem:$0x3FB1];
	_ =	sdelay $0x3  }
0x37: {  	[smem:$0x3FB1] =	sst s10  }
0x38: {  	s10 =	sld [smem:$0x3FB2]  }
0x39: {  	_ = 	snop;
	(pc) =	sbr.ind lr, $3  }
0x3a: {  	_ = 	snop  }
0x3b: {  	_ = 	snop  }
0x3c: {  	p2 =	seq.s32 s10, $0x1;
	s10 =	sld [smem:$0x3FB1]  }
0x3d: {  	_ =	shalt  }
0x3e: {  	_ =	shalt  }
0x3f: {  	_ =	shalt  }
0x40: {  	_ =	shalt  }
0x41: {  	_ =	shalt  }
0x42: {  	_ =	shalt  }
0x43: {  	_ =	shalt  }
0x44: {  	_ =	shalt  }
0x45: {  	_ =	shalt  }
0x46: {  	_ =	shalt  }
0x47: {  	_ =	shalt  }
0x48: {  	_ =	shalt  }
0x49: {  	_ =	shalt  }
0x4a: {  	_ =	shalt  }
0x4b: {  	_ =	shalt  }
0x4c: {  	_ =	shalt  }
0x4d: {  	_ =	shalt  }
0x4e: {  	_ =	shalt  }
0x4f: {  	_ =	shalt  }
0x50: {  	_ =	shalt  }
0x51: {  	_ =	shalt  }
0x52: {  	_ =	shalt  }
0x53: {  	_ =	shalt  }
0x54: {  	_ =	shalt  }
0x55: {  	_ =	shalt  }
0x56: {  	_ =	shalt  }
0x57: {  	_ =	shalt  }
0x58: {  	_ =	shalt  }
0x59: {  	_ =	shalt  }
0x5a: {  	_ =	shalt  }
0x5b: {  	_ =	shalt  }
0x5c: {  	_ =	shalt  }
0x5d: {  	_ =	shalt  }
0x5e: {  	_ =	shalt  }
0x5f: {  	_ =	shalt  }
0x60: {  	_ =	shalt  }
0x61: {  	_ =	shalt  }
0x62: {  	_ =	shalt  }
0x63: {  	_ =	shalt  }
0x64: {  	_ =	shalt  }
0x65: {  	_ =	shalt  }
0x66: {  	_ =	shalt  }
0x67: {  	_ =	shalt  }
0x68: {  	_ =	shalt  }
0x69: {  	_ =	shalt  }
0x6a: {  	_ =	shalt  }
0x6b: {  	_ =	shalt  }
0x6c: {  	_ =	shalt  }
0x6d: {  	_ =	shalt  }
0x6e: {  	_ =	shalt  }
0x6f: {  	_ =	shalt  }
0x70: {  	_ =	shalt  }
0x71: {  	_ =	shalt  }
0x72: {  	_ =	shalt  }
0x73: {  	_ =	shalt  }
0x74: {  	_ =	shalt  }
0x75: {  	_ =	shalt  }
0x76: {  	_ =	shalt  }
0x77: {  	_ =	shalt  }
0x78: {  	_ =	shalt  }
0x79: {  	_ =	shalt  }
0x7a: {  	_ =	shalt  }
0x7b: {  	_ =	shalt  }
0x7c: {  	_ =	shalt  }
0x7d: {  	_ =	shalt  }
0x7e: {  	_ =	shalt  }
0x7f: {  	_ =	shalt  }
0x80: {  	_ =	shalt  }
0x81: {  	_ =	shalt  }
0x82: {  	_ =	shalt  }
0x83: {  	_ =	shalt  }
0x84: {  	_ =	shalt  }
0x85: {  	_ =	shalt  }
0x86: {  	_ =	shalt  }
0x87: {  	_ =	shalt  }
.Lfunc_end0:
.L_simem_size_0:
called_computation_lowered:
.L_overlay_start_0:
0x88: {  	s2 =	sld [smem:$0x3FD9]  }
0x89: {  	s3 =	sld [smem:$0x3FFE];
	_ =	sdelay $0x1  }
0x8a: {  	s1 =	srdreg.scid  }
0x8b: {  	s0 =	sand.u32 $0x1, s1  }
0x8c: {  	s17 =	sshll.u32 s0, $0xA;
	s2 =	sadd.s32 s3, s2  }
0x8d: {  	s2 =	sadd.s32 s2, s17  }
0x8e: {  	[smem:$0x3FBD] =	sst s2  }
0x8f: {  	_ = 	snop  }
0x90: {  	s2 =	sld [smem:$0x3FD0];
	(tm) =	ssettm $0x1  }
0x91: {  	s18 =	sld [smem:$0x3FFB];
	_ =	sdelay $0x3  }
0x92: {  	_ =	strace s18  }
0x93: {  	s3 =	sld [smem:$0x3FFC];
	_ =	sdelay $0x3  }
0x94: {  	_ =	strace s3  }
0x95: {  	s3 =	sld [smem:$0x3FFD];
	_ =	sdelay $0x3  }
0x96: {  	_ =	strace s3  }
0x97: {  	_ =	strace $0x8FFFFFFF  }
0x98: {  	s19 =	sld [smem:$0x3FDB];
	_ =	sdelay $0x1  }
0x99: {  	s4 =	simm.s32 $_scs_section_size  }
0x9a: {  	s5 =	simm.s32 $_size__tile_overlayer_lowered;
	s6 =	simm.s32 $_tile_overlayer_lowered  }
0x9b: {  	s22 =	simm.s32 $0x1BFF;
	s21 =	sshll.u32 s6, $0x1;
	s3 =	sadd.s32 s4, s19  }
0x9c: {  	s7 =	simm.s32 $0x0;
	s20 =	sshll.u32 s5, $0x1;
	s5 =	sadd.s32 s21, s3  }
0x9d: {  	[timem:s7], [sflag:s22] =	dma.local [hbm:s5], s20  }
0x9e: {  	_ =	swait.ge [sflag:s22], s20  }
0x9f: {  	s4 =	ssub.s32 $0x0, s20;
	[sflag:s22] =	ssyncset.done $0x0  }
0xa0: {  	[sflag:s22] =	ssyncadd.s32 s4;
	_ =	sdelay $0x1  }
0xa1: {  	s23 =	simm.s32 $0x1B8B  }
0xa2: {  	_ =	swait.ge [sflag:s23], $0x1  }
0xa3: {  	[sflag:s23] =	ssyncset.done $0x0  }
0xa4: {  	s25 =	simm.s32 $0x1B8E;
	s24 =	sld [smem:$0x3FFE];
	[sflag:s23] =	ssyncadd.s32 $0xFFFFFFFF  }
0xa5: {  	s26 =	simm.s32 $execute0_lowered;
	[smem:$0x3FD2] =	sst s25  }
0xa6: {  	s5 =	sshll.u32 s26, $0x1;
	_ =	strace $0x80000046;
	[dreg:$0x1] =	wrdreg $0xFFFFFFFF  }
0xa7: {  	s28 =	simm.s32 $_size_execute0_lowered;
	s3 =	sadd.s32 s3, s5;
	[dreg:$0x0] =	wrdreg $0x0  }
0xa8: {  	s5 =	sshll.u32 s28, $0x1;
	[dreg:$0x2] =	wrdreg s3  }
0xa9: {  	[dreg:$0x3] =	wrdreg s5  }
0xaa: {  	[dreg:$0x4] =	wrdreg $0xC0  }
0xab: {  	_ =	task [dreg:s7], $0x5FFFF  }
0xac: {  	[dreg:$0x1] =	wrdreg $0xFFFFFFFF  }
0xad: {  	[dreg:$0x0] =	wrdreg $0x60  }
0xae: {  	[dreg:$0x2] =	wrdreg s24  }
0xaf: {  	[dreg:$0x3] =	wrdreg s2  }
0xb0: {  	[dreg:$0x4] =	wrdreg $0x8C000  }
0xb1: {  	[dreg:$0x5] =	wrdreg $0x1C8000  }
0xb2: {  	[dreg:$0x6] =	wrdreg $0x9  }
0xb3: {  	_ =	task.clear_ibuf [dreg:s7], $0x7FFFF;
	_ =	strace $0x90000046  }
0xb4: {  	s29 =	simm.s32 $0x9;
	_ =	strace $0x80000048  }
0xb5: {  	_ =	swait.ge [sflag:s29], $0x1  }
0xb6: {  	[sflag:s29] =	ssyncadd.s32 $0xFFFFFFFF  }
0xb7: {  	_ =	strace $0x90000048  }
0xb8: {  	_ =	sfence  }
0xb9: {  	s30 =	sld [smem:$0x0];
	_ =	sdelay $0x2  }
0xba: {  	s31 =	sshll.u32 s1, $0xD;
	s1 =	sshrl.u32 s1, $0x2  }
0xbb: {  	s3 =	sand.u32 $0x4000, s31;
	s1 =	sadd.s32 s1, s30  }
0xbc: {  	s0 =	sor.u32 s3, s0;
	s1 =	sshll.u32 s1, $0x11  }
0xbd: {  	s0 =	sor.u32 s1, s0  }
0xbe: {  	s0 =	sadd.s32 $0x8F2B, s0  }
0xbf: {  	[sflag:s0] =	ssyncadd.remote.s32 $0x1  }
0xc0: {  	_ =	sfence.sel $0xFFFF  }
0xc1: {  	[dreg:$0x0] =	wrdreg $0xFFFFFFFF;
	(pc) =	sbr.abs _section_cstart, $3  }
0xc2: {  	[dreg:$0x1] =	wrdreg $0xFFFFFFFF  }
0xc3: {  	_ =	task.clear_ibuf [dreg:s7], $0x2FFFF;
	_ =	strace $0x9FFFFFFF  }
0xc4: {  	(tm) =	ssettm $0x7FFFFFFF  }
0xc5: {  	_ =	shalt  }
tec
execute0_lowered:
.L_overlay_start_1:
0x0: {  	(tag) =	ssettag $0x1  }
0x1: {  	s0 =	rddreg [dreg:$0x0]  }
0x2: {  	s3 =	rddreg [dreg:$0x2]  }
0x3: {  	s4 =	rddreg [dreg:$0x3];
	s5 =	stileid.u32  }
0x4: {  	s2 =	simm.s32 $0x0;
	s6 =	srdreg.scid;
	s28 =	simm.s32 $0x200  }
0x5: {  	s29 =	simm.s32 $0x80;
	s30 =	simm.s32 $0x280;
	s1 =	smul.u32 $0x13C00, s5  }
0x6: {  	s31 =	simm.s32 $0x8400;
	[smem:$0x7FF] =	sst s2;
	s2 =	smul.u32 $0x2780, s5  }
0x7: {  	s7 =	sand.u32 $0x1, s6;
	s8 =	sshll.u32 s5, $0x1;
	s16 =	smul.u32 $0x9C, s5  }
0x8: {  	s6 =	sadd.s32 $0x15C00, s0;
	s12 =	sadd.s32 $0x2200, s0;
	s9 =	smul.u32 $0x27800, s7  }
0x9: {  	p0 =	slt.u32 s5, $0x2;
	_ =	strace $0x80000047;
	s10 =	smul.u32 $0x4F00, s7  }
0xa: {  	s11 =	sor.u32 s7, s8;
	s15 =	ssub.s32 $0x2, s7;
	s18 =	smul.u32 $0x4E, s7  }
0xb: {  	s7 =	simm.s32 $0x4F;
	s8 =	sshrl.u32 s1, $0x3;
	s13 =	smul.u32 $0x4E, s11  }
0xc: {  	s17 =	sshrl.u32 s15, $0x1;
	s11 =	smin.u32 s11, $0x4;
	s7 =	simm.s32 @!p0 $0x4E  }
0xd: {  	s1 =	sadd.s32 s1, s3;
	s14 =	sadd.s32 s8, s0;
	s15 =	ssub.s32 s15, s17  }
0xe: {  	s16 =	sadd.s32 s18, s16;
	s18 =	sadd.s32 $0xFFFFFFFE, s7;
	s19 =	sadd.s32 $0xFFFFFFFC, s7  }
0xf: {  	[dreg:$0x17] =	wrdreg s1;
	s13 =	sadd.s32 s11, s13;
	s11 =	sadd.s32 s11, s16  }
0x10: {  	s16 =	sadd.s32 $0xBE40, s0;
	[dreg:$0x5] =	wrdreg s18;
	s13 =	sshll.u32 s13, $0x4  }
0x11: {  	[dreg:$0x6] =	wrdreg s19;
	s11 =	sshll.u32 s11, $0x4;
	s17 =	sadd.s32 s12, s13  }
0x12: {  	s20 =	sadd.s32 $0x50, s11;
	s21 =	sadd.s32 s13, s16;
	[dreg:$0xf] =	wrdreg s17  }
0x13: {  	s9 =	sadd.s32 s9, s0;
	[dreg:$0x10] =	wrdreg s21;
	s22 =	sadd.s32 s20, s12  }
0x14: {  	s24 =	sadd.s32 $0x30, s11;
	s23 =	sadd.s32 s20, s16;
	[dreg:$0x7] =	wrdreg s22  }
0x15: {  	s10 =	sadd.s32 s10, s0;
	s25 =	sadd.s32 s24, s12;
	[dreg:$0x8] =	wrdreg s23  }
0x16: {  	s5 =	sadd.s32 s11, s12;
	s26 =	sadd.s32 s24, s16;
	[dreg:$0x9] =	wrdreg s25  }
0x17: {  	s19 =	sadd.s32 $0x10, s13;
	s18 =	sadd.s32 $0x40, s5;
	[dreg:$0xa] =	wrdreg s26  }
0x18: {  	s1 =	simm.s32 $0x400;
	s24 =	sadd.s32 s19, s16;
	[dreg:$0xb] =	wrdreg s18  }
0x19: {  	s20 =	sadd.s32 s11, s16;
	s22 =	sadd.s32 s12, s19;
	[dreg:$0x12] =	wrdreg s24  }
0x1a: {  	s11 =	sadd.s32 $0x60, s11;
	s21 =	sadd.s32 $0x40, s20;
	[dreg:$0x11] =	wrdreg s22  }
0x1b: {  	s23 =	sadd.s32 s11, s12;
	s25 =	sadd.s32 $0x20, s13;
	[dreg:$0xc] =	wrdreg s21  }
0x1c: {  	s13 =	sadd.s32 $0x30, s13;
	s11 =	sadd.s32 s11, s16;
	[dreg:$0xd] =	wrdreg s23  }
0x1d: {  	s20 =	sshrl.u32 s2, $0x3;
	s26 =	sadd.s32 s12, s25;
	[dreg:$0xe] =	wrdreg s11  }
0x1e: {  	s24 =	sadd.s32 $0x69600, s10;
	s17 =	sadd.s32 s25, s16;
	[dreg:$0x13] =	wrdreg s26  }
0x1f: {  	s10 =	simm.s32 $0x4400;
	s18 =	sadd.s32 s12, s13;
	[dreg:$0x14] =	wrdreg s17  }
0x20: {  	s19 =	sadd.s32 s13, s16;
	s0 =	sadd.s32 s20, s0;
	[dreg:$0x15] =	wrdreg s18  }
0x21: {  	s21 =	sadd.s32 $0x41E00, s14;
	s22 =	sadd.s32 s2, s4;
	[dreg:$0x16] =	wrdreg s19  }
0x22: {  	s23 =	sadd.s32 $0x73400, s9;
	s25 =	smax.u32 s15, $0x1;
	[dreg:$0x18] =	wrdreg s21  }
0x23: {  	s9 =	simm.s32 $0x2;
	[dreg:$0x19] =	wrdreg s22;
	s0 =	sadd.s32 $0x3CE00, s0  }
0x24: {  	s11 =	simm.s32 $0x6;
	[dreg:$0x1a] =	wrdreg s0;
	s0 =	sadd.s32 s8, s23  }
0x25: {  	s12 =	simm.s32 $0x0;
	[dreg:$0x1c] =	wrdreg s0;
	s0 =	simm.s32 $0x7  }
0x26: {  	[dreg:$0x1b] =	wrdreg s25;
	s21 =	simm.s32 $0x7;
	s0 =	simm.s32 @!p0 $0x8  }
0x27: {  	s26 =	sadd.s32 s20, s24;
	[dreg:$0x1d] =	wrdreg s0;
	s0 =	simm.s32 $0x9  }
0x28: {  	[dreg:$0x1e] =	wrdreg s26;
	s26 =	simm.s32 $0x9;
	s0 =	simm.s32 @!p0 $0xA  }
0x29: {  	s8 =	simm.s32 $0x5;
	[dreg:$0x1f] =	wrdreg s0;
	s0 =	simm.s32 $0xB  }
.LBB2_1:
0x2a: {  	s5 =	simm.s32 $0x0;
	s2 =	rddreg [dreg:$0xf]  }
0x2b: {  	[tilespmem:s5], [sflag:$0x1] =	stream.linear.gather [hbm4b:s2+s5], $0x80, $0x38;
	[tilespmem:$0x1EF80] =	vst v63  }
0x2c: {  	s17 =	rddreg [dreg:$0x10]  }
0x2d: {  	[tilespmem:s28], [sflag:$0x1] =	stream.linear.gather [hbm4b:s17+s5], $0x80, $0x38;
	[tilespmem:$0x1EF80] =	vst v63  }
0x2e: {  	s18 =	rddreg [dreg:$0x11]  }
0x2f: {  	[tilespmem:s29], [sflag:$0x2] =	stream.linear.gather [hbm4b:s18+s5], $0x80, $0x38;
	[tilespmem:$0x1EF80] =	vst v63  }
0x30: {  	s19 =	rddreg [dreg:$0x12]  }
0x31: {  	[tilespmem:s30], [sflag:$0x2] =	stream.linear.gather [hbm4b:s19+s5], $0x80, $0x38;
	[tilespmem:$0x1EF80] =	vst v63  }
0x32: {  	s20 =	rddreg [dreg:$0x13];
	s13 =	simm.s32 $0x100  }
0x33: {  	[tilespmem:s13], [sflag:$0x3] =	stream.linear.gather [hbm4b:s20+s5], $0x80, $0x38;
	[tilespmem:$0x1EF80] =	vst v63  }
0x34: {  	s22 =	rddreg [dreg:$0x14];
	s23 =	simm.s32 $0x300  }
0x35: {  	[tilespmem:s23], [sflag:$0x3] =	stream.linear.gather [hbm4b:s22+s5], $0x80, $0x38;
	[tilespmem:$0x1EF80] =	vst v63  }
0x36: {  	s24 =	rddreg [dreg:$0x15];
	s25 =	simm.s32 $0x180  }
0x37: {  	[tilespmem:s25], [sflag:$0x4] =	stream.linear.gather [hbm4b:s24+s5], $0x80, $0x38;
	[tilespmem:$0x1EF80] =	vst v63  }
0x38: {  	s14 =	simm.s32 $0x380;
	s13 =	rddreg [dreg:$0x16]  }
0x39: {  	[tilespmem:s14], [sflag:$0x4] =	stream.linear.gather [hbm4b:s13+s5], $0x80, $0x38;
	[tilespmem:$0x1EF80] =	vst v63  }
0x3a: {  	s15 =	rddreg [dreg:$0x1]  }
0x3b: {  	[tilespmem:s31], [sflag:$0xB] =	stream.linear.gather [hbm4b:s15+s5], $0x800, $0x38;
	[tilespmem:$0x1EF80] =	vst v63  }
0x3c: {  	s16 =	stileid.u32;
	_ =	swait.ge [sflag:s0], $0x800  }
0x3d: {  	s17 =	sshll.u32 s16, $0x6;
	s18 =	rddreg [dreg:$0x17]  }
0x3e: {  	[sflag:s0] =	ssyncset.done $0x0;
	s19 =	rddreg [dreg:$0x18];
	s14 =	sshrl.u32 s18, $0x3  }
0x3f: {  	s13 =	sor.u32 $0x1C0B, s17;
	[sflag:s0] =	ssyncadd.s32 $0xFFFFF800;
	[smem:$0x7FC] =	sst s14  }
0x40: {  	[spmem:s14], [sflag:s13] =	dma.local [hbm:s19], $0x2780  }
0x41: {  	_ =	swait.ge [sflag:s0], $0x2780  }
0x42: {  	s20 =	rddreg [dreg:$0x19]  }
0x43: {  	[sflag:s0] =	ssyncset.done $0x0;
	s23 =	rddreg [dreg:$0x1a];
	s22 =	sshrl.u32 s20, $0x3  }
0x44: {  	[sflag:s0] =	ssyncadd.s32 $0xFFFFD880;
	[smem:$0x7FD] =	sst s22  }
0x45: {  	[spmem:s22], [sflag:s13] =	dma.local [hbm:s23], $0x4F0  }
0x46: {  	_ =	swait.ge [sflag:s0], $0x4F0  }
0x47: {  	[sflag:s0] =	ssyncset.done $0x0  }
0x48: {  	[sflag:s0] =	ssyncadd.s32 $0xFFFFFB10  }
0x49: {  	s24 =	simm.s32 $0x1;
	[bflag:$0x0] =	sbarrier.arrive $0xFFFF  }
0x4a: {  	_ =	swait.ge [sflag:s24], $0x80  }
0x4b: {  	[sflag:s24] =	ssyncset.done $0x0  }
0x4c: {  	[sflag:s24] =	ssyncadd.s32 $0xFFFFFF80  }
0x4d: {  	_ =	swait.ge [sflag:s24], $0x80  }
0x4e: {  	[sflag:s24] =	ssyncset.done $0x0  }
0x4f: {  	[sflag:s24] =	ssyncadd.s32 $0xFFFFFF80  }
0x50: {  	[tilespmem:s1], [sflag:$0x5] =	stream.indirect.gather [hbm4b:s6+s29], $0x80, s5, s29, $0xb8;
	[tilespmem:$0x1EF80] =	vst v63  }
0x51: {  	_ =	swait.ge [sflag:s8], $0x4000  }
0x52: {  	p0 =	por $0x1, $0x1;
	[sflag:s8] =	ssyncset.done $0x0  }
0x53: {  	s16 =	simm.s32 @!p0 $0x8;
	[sflag:s8] =	ssyncadd.s32 $0xFFFFC000  }
0x54: {  	_ =	swait.ge @!p0 [sflag:s16], $0x4000  }
0x55: {  	[sflag:s16] =	ssyncset.done @!p0 $0x0  }
0x56: {  	s17 =	simm.s32 @!p0 $0xA;
	[sflag:s16] =	ssyncadd.s32 @!p0 $0xFFFFC000  }
0x57: {  	_ =	swait.ge @!p0 [sflag:s17], $0x800  }
0x58: {  	[sflag:s17] =	ssyncset.done @!p0 $0x0  }
0x59: {  	[sflag:s17] =	ssyncadd.s32 @!p0 $0xFFFFF800  }
0x5a: {  	_ =	swait.ge [sflag:s9], $0x80  }
0x5b: {  	[sflag:s9] =	ssyncset.done $0x0  }
0x5c: {  	[sflag:s9] =	ssyncadd.s32 $0xFFFFFF80  }
0x5d: {  	_ =	swait.ge [sflag:s9], $0x80  }
0x5e: {  	[sflag:s9] =	ssyncset.done $0x0  }
0x5f: {  	p1 =	sle.u32 @!p0 s7, $0x3;
	[sflag:s9] =	ssyncadd.s32 $0xFFFFFF80  }
0x60: {  	[tilespmem:s10], [sflag:$0x6] =	stream.indirect.gather [hbm4b:s6+s29], $0x80, s29, s29, $0xb8;
	[tilespmem:$0x1EF80] =	vst v63  }
0x61: {  	p0 =	por p1, p0  }
0x62: {  	[spmem:s3] =	stream.indirect.scatter.add.f32 [tilespmem:s1], [sflag:$0x7], $0x80, s28, s29, $0xb8;
	[tilespmem:$0x1EF80] =	vst v63  }
0x63: {  	s18 =	simm.s32 @!p0 $0x0;
	s16 =	rddreg [dreg:$0x9]  }
0x64: {  	[spmem:s4] =	stream.indirect.scatter.add.f32 [tilespmem:s31], [sflag:$0x9], $0x10, s28, s29, $0xb8;
	[tilespmem:$0x1EF80] =	vst v63  }
0x65: {  	s19 =	simm.s32 @!p0 $0x180;
	s17 =	rddreg [dreg:$0xa];
	s16 =	sadd.s32 @!p0 $0x0, s16  }
0x66: {  	[tilespmem:s19], [sflag:$0x4] =	stream.linear.gather @!p0 [hbm4b:s16+s18], $0x80, $0x38;
	[tilespmem:$0x1EF80] =	vst v63  }
0x67: {  	s16 =	sadd.s32 @!p0 $0x0, s17;
	s17 =	simm.s32 @!p0 $0x380  }
0x68: {  	[tilespmem:s17], [sflag:$0x4] =	stream.linear.gather @!p0 [hbm4b:s16+s18], $0x80, $0x38;
	[tilespmem:$0x1EF80] =	vst v63  }
0x69: {  	_ =	swait.ge [sflag:s11], $0x4000  }
0x6a: {  	[sflag:s11] =	ssyncset.done $0x0  }
0x6b: {  	[sflag:s11] =	ssyncadd.s32 $0xFFFFC000  }
0x6c: {  	_ =	swait.ge [sflag:s21], $0x4000  }
0x6d: {  	[sflag:s21] =	ssyncset.done $0x0  }
0x6e: {  	[sflag:s21] =	ssyncadd.s32 $0xFFFFC000  }
0x6f: {  	_ =	swait.ge [sflag:s26], $0x800  }
0x70: {  	s25 =	rddreg [dreg:$0x5]  }
0x71: {  	[sflag:s26] =	ssyncset.done $0x0;
	p0 =	sle.u32 s25, $0x0  }
0x72: {  	[sflag:s26] =	ssyncadd.s32 $0xFFFFF800;
	s16 =	simm.s32 @!p0 $0x3  }
0x73: {  	_ =	swait.ge @!p0 [sflag:s16], $0x80  }
0x74: {  	[sflag:s16] =	ssyncset.done @!p0 $0x0  }
0x75: {  	[sflag:s16] =	ssyncadd.s32 @!p0 $0xFFFFFF80  }
0x76: {  	_ =	swait.ge @!p0 [sflag:s16], $0x80  }
0x77: {  	s17 =	simm.s32 @!p0 $0x400;
	[sflag:s16] =	ssyncset.done @!p0 $0x0  }
0x78: {  	s18 =	simm.s32 @!p0 $0x80;
	s19 =	simm.s32 @!p0 $0x100;
	[sflag:s16] =	ssyncadd.s32 @!p0 $0xFFFFFF80  }
0x79: {  	[tilespmem:s17], [sflag:$0x5] =	stream.indirect.gather @!p0 [hbm4b:s6+s18], $0x80, s19, s18, $0xb8;
	[tilespmem:$0x1EF80] =	vst v63  }
0x7a: {  	_ = 	snop  }
0x7b: {  	[spmem:s3] =	stream.indirect.scatter.add.f32 [tilespmem:s10], [sflag:$0x8], $0x80, s30, s29, $0xb8;
	[tilespmem:$0x1EF80] =	vst v63  }
0x7c: {  	p1 =	sle.u32 s7, $0x4;
	s16 =	rddreg [dreg:$0xb]  }
0x7d: {  	[spmem:s4] =	stream.indirect.scatter.add.f32 [tilespmem:s31], [sflag:$0xA], $0x10, s30, s29, $0xb8;
	[tilespmem:$0x1EF80] =	vst v63  }
0x7e: {  	s20 =	simm.s32 @!p1 $0x0;
	s19 =	rddreg [dreg:$0xc];
	s16 =	sadd.s32 @!p1 $0x0, s16  }
0x7f: {  	[tilespmem:s20], [sflag:$0x1] =	stream.linear.gather @!p1 [hbm4b:s16+s20], $0x80, $0x38;
	[tilespmem:$0x1EF80] =	vst v63  }
0x80: {  	s22 =	simm.s32 @!p0 $0x5;
	s16 =	sadd.s32 @!p1 $0x0, s19;
	s19 =	simm.s32 @!p1 $0x200  }
0x81: {  	[tilespmem:s19], [sflag:$0x1] =	stream.linear.gather @!p1 [hbm4b:s16+s20], $0x80, $0x38;
	[tilespmem:$0x1EF80] =	vst v63  }
0x82: {  	_ =	swait.ge @!p0 [sflag:s22], $0x4000  }
0x83: {  	[sflag:s22] =	ssyncset.done @!p0 $0x0  }
0x84: {  	s16 =	simm.s32 @!p0 $0x8;
	[sflag:s22] =	ssyncadd.s32 @!p0 $0xFFFFC000  }
0x85: {  	_ =	swait.ge @!p0 [sflag:s16], $0x4000  }
0x86: {  	[sflag:s16] =	ssyncset.done @!p0 $0x0  }
0x87: {  	s19 =	simm.s32 @!p0 $0xA;
	[sflag:s16] =	ssyncadd.s32 @!p0 $0xFFFFC000  }
0x88: {  	p1 =	sle.u32 @!p0 s7, $0x3;
	_ =	swait.ge @!p0 [sflag:s19], $0x800  }
0x89: {  	p1 =	por p1, p0;
	[sflag:s19] =	ssyncset.done @!p0 $0x0  }
0x8a: {  	s16 =	simm.s32 @!p1 $0x4;
	[sflag:s19] =	ssyncadd.s32 @!p0 $0xFFFFF800  }
0x8b: {  	_ =	swait.ge @!p1 [sflag:s16], $0x80  }
0x8c: {  	[sflag:s16] =	ssyncset.done @!p1 $0x0  }
0x8d: {  	[sflag:s16] =	ssyncadd.s32 @!p1 $0xFFFFFF80  }
0x8e: {  	_ =	swait.ge @!p1 [sflag:s16], $0x80  }
0x8f: {  	s20 =	simm.s32 @!p1 $0x80;
	[sflag:s16] =	ssyncset.done @!p1 $0x0  }
0x90: {  	s22 =	simm.s32 @!p1 $0x180;
	s19 =	simm.s32 @!p1 $0x4400;
	[sflag:s16] =	ssyncadd.s32 @!p1 $0xFFFFFF80  }
0x91: {  	[tilespmem:s19], [sflag:$0x6] =	stream.indirect.gather @!p1 [hbm4b:s6+s20], $0x80, s22, s20, $0xb8;
	[tilespmem:$0x1EF80] =	vst v63  }
0x92: {  	s19 =	rddreg [dreg:$0x7]  }
0x93: {  	s16 =	simm.s32 @!p0 $0x300;
	p1 =	sle.u32 @!p0 s7, $0x5;
	s20 =	rddreg [dreg:$0x8]  }
0x94: {  	[spmem:s3] =	stream.indirect.scatter.add.f32 @!p0 [tilespmem:s17], [sflag:$0x7], $0x80, s16, s18, $0xb8;
	[tilespmem:$0x1EF80] =	vst v63  }
0x95: {  	p2 =	por p1, p0;
	p1 =	sle.u32 s7, $0x3;
	s17 =	simm.s32 @!p0 $0x8400  }
0x96: {  	[spmem:s4] =	stream.indirect.scatter.add.f32 @!p0 [tilespmem:s17], [sflag:$0x9], $0x10, s16, s18, $0xb8;
	[tilespmem:$0x1EF80] =	vst v63  }
0x97: {  	s16 =	sadd.s32 @!p2 $0x0, s19;
	s17 =	simm.s32 @!p2 $0x0;
	s18 =	simm.s32 @!p2 $0x80  }
0x98: {  	[tilespmem:s18], [sflag:$0x2] =	stream.linear.gather @!p2 [hbm4b:s16+s17], $0x80, $0x38;
	[tilespmem:$0x1EF80] =	vst v63  }
0x99: {  	s19 =	simm.s32 @!p1 $0x6;
	s16 =	simm.s32 @!p2 $0x280;
	s18 =	sadd.s32 @!p2 $0x0, s20  }
0x9a: {  	[tilespmem:s16], [sflag:$0x2] =	stream.linear.gather @!p2 [hbm4b:s18+s17], $0x80, $0x38;
	[tilespmem:$0x1EF80] =	vst v63  }
0x9b: {  	_ =	swait.ge @!p1 [sflag:s19], $0x4000  }
0x9c: {  	[sflag:s19] =	ssyncset.done @!p1 $0x0  }
0x9d: {  	s16 =	simm.s32 @!p1 $0x7;
	[sflag:s19] =	ssyncadd.s32 @!p1 $0xFFFFC000  }
0x9e: {  	_ =	swait.ge @!p1 [sflag:s16], $0x4000  }
0x9f: {  	[sflag:s16] =	ssyncset.done @!p1 $0x0  }
0xa0: {  	s18 =	simm.s32 @!p1 $0x9;
	[sflag:s16] =	ssyncadd.s32 @!p1 $0xFFFFC000  }
0xa1: {  	_ =	swait.ge @!p1 [sflag:s18], $0x800  }
0xa2: {  	s16 =	rddreg [dreg:$0x6]  }
0xa3: {  	p0 =	sle.u32 @!p1 s16, $0x0  }
0xa4: {  	s22 =	simm.s32 @!p1 $0x4400;
	[sflag:s18] =	ssyncset.done @!p1 $0x0;
	p3 =	por p0, p1  }
0xa5: {  	s20 =	simm.s32 @!p1 $0x380;
	[sflag:s18] =	ssyncadd.s32 @!p1 $0xFFFFF800;
	s24 =	simm.s32 @!p3 $0x1  }
0xa6: {  	s17 =	simm.s32 $0x4;
	p2 =	sle.u32 @!p1 s7, $0x6;
	_ =	swait.ge @!p3 [sflag:s24], $0x80  }
0xa7: {  	s16 =	simm.s32 $0x40;
	s18 =	simm.s32 $0x0;
	[sflag:s24] =	ssyncset.done @!p3 $0x0  }
.LBB2_2:
0xa8: {  	[sflag:s24] =	ssyncadd.s32 @!p3 $0xFFFFFF80  }
0xa9: {  	_ =	swait.ge @!p3 [sflag:s24], $0x80  }
0xaa: {  	s25 =	simm.s32 @!p3 $0x0;
	[sflag:s24] =	ssyncset.done @!p3 $0x0  }
0xab: {  	s14 =	simm.s32 @!p3 $0x400;
	s15 =	simm.s32 @!p3 $0x80;
	[sflag:s24] =	ssyncadd.s32 @!p3 $0xFFFFFF80  }
0xac: {  	[tilespmem:s14], [sflag:$0x5] =	stream.indirect.gather @!p3 [hbm4b:s6+s15], $0x80, s25, s15, $0xb8;
	[tilespmem:$0x1EF80] =	vst v63  }
0xad: {  	s23 =	simm.s32 @!p1 $0x80;
	s5 =	rddreg [dreg:$0xd]  }
0xae: {  	[spmem:s3] =	stream.indirect.scatter.add.f32 @!p1 [tilespmem:s22], [sflag:$0x8], $0x80, s20, s23, $0xb8;
	[tilespmem:$0x1EF80] =	vst v63  }
0xaf: {  	p2 =	por p2, p1;
	s24 =	rddreg [dreg:$0xe];
	s14 =	simm.s32 @!p1 $0x8400  }
0xb0: {  	[spmem:s4] =	stream.indirect.scatter.add.f32 @!p1 [tilespmem:s14], [sflag:$0xA], $0x10, s20, s23, $0xb8;
	[tilespmem:$0x1EF80] =	vst v63  }
0xb1: {  	s5 =	sadd.s32 @!p2 s18, s5;
	s15 =	simm.s32 @!p2 $0x100;
	s14 =	simm.s32 @!p2 $0x0  }
0xb2: {  	[tilespmem:s15], [sflag:$0x3] =	stream.linear.gather @!p2 [hbm4b:s5+s14], $0x80, $0x38;
	[tilespmem:$0x1EF80] =	vst v63  }
0xb3: {  	s18 =	sadd.s32 @!p2 s18, s24;
	s5 =	simm.s32 @!p2 $0x300  }
0xb4: {  	[tilespmem:s5], [sflag:$0x3] =	stream.linear.gather @!p2 [hbm4b:s18+s14], $0x80, $0x38;
	[tilespmem:$0x1EF80] =	vst v63  }
0xb5: {  	s2 =	smov.u32 s16;
	_ =	swait.ge [sflag:s8], $0x4000  }
0xb6: {  	p1 =	seq.s32 s2, $0x0;
	[sflag:s8] =	ssyncset.done $0x0  }
0xb7: {  	s14 =	simm.s32 @!p1 $0x8;
	[sflag:s8] =	ssyncadd.s32 $0xFFFFC000  }
0xb8: {  	_ =	swait.ge @!p1 [sflag:s14], $0x4000  }
0xb9: {  	[sflag:s14] =	ssyncset.done @!p1 $0x0  }
0xba: {  	s5 =	simm.s32 @!p1 $0xA;
	[sflag:s14] =	ssyncadd.s32 @!p1 $0xFFFFC000  }
0xbb: {  	_ =	swait.ge @!p1 [sflag:s5], $0x800  }
0xbc: {  	[sflag:s5] =	ssyncset.done @!p1 $0x0  }
0xbd: {  	[sflag:s5] =	ssyncadd.s32 @!p1 $0xFFFFF800  }
0xbe: {  	_ =	swait.ge [sflag:s9], $0x80  }
0xbf: {  	[sflag:s9] =	ssyncset.done $0x0  }
0xc0: {  	[sflag:s9] =	ssyncadd.s32 $0xFFFFFF80  }
0xc1: {  	_ =	swait.ge [sflag:s9], $0x80  }
0xc2: {  	s20 =	sadd.s32 $0x3, s17;
	[sflag:s9] =	ssyncset.done $0x0  }
0xc3: {  	p2 =	sge.u32 @!p1 s20, s7;
	[sflag:s9] =	ssyncadd.s32 $0xFFFFFF80  }
0xc4: {  	[tilespmem:s10], [sflag:$0x6] =	stream.indirect.gather [hbm4b:s6+s29], $0x80, s29, s29, $0xb8;
	[tilespmem:$0x1EF80] =	vst v63  }
0xc5: {  	p1 =	por p2, p1  }
0xc6: {  	[spmem:s3] =	stream.indirect.scatter.add.f32 [tilespmem:s1], [sflag:$0x7], $0x80, s28, s29, $0xb8;
	[tilespmem:$0x1EF80] =	vst v63  }
0xc7: {  	s18 =	smov.u32 s2;
	s14 =	simm.s32 @!p1 $0x0;
	s2 =	rddreg [dreg:$0x9]  }
0xc8: {  	[spmem:s4] =	stream.indirect.scatter.add.f32 [tilespmem:s31], [sflag:$0x9], $0x10, s28, s29, $0xb8;
	[tilespmem:$0x1EF80] =	vst v63  }
0xc9: {  	s15 =	simm.s32 @!p1 $0x180;
	s5 =	rddreg [dreg:$0xa];
	s2 =	sadd.s32 @!p1 s18, s2  }
0xca: {  	[tilespmem:s15], [sflag:$0x4] =	stream.linear.gather @!p1 [hbm4b:s2+s14], $0x80, $0x38;
	[tilespmem:$0x1EF80] =	vst v63  }
0xcb: {  	s2 =	sadd.s32 @!p1 s18, s5;
	s5 =	simm.s32 @!p1 $0x380  }
0xcc: {  	[tilespmem:s5], [sflag:$0x4] =	stream.linear.gather @!p1 [hbm4b:s2+s14], $0x80, $0x38;
	[tilespmem:$0x1EF80] =	vst v63  }
0xcd: {  	_ =	swait.ge [sflag:s11], $0x4000  }
0xce: {  	[sflag:s11] =	ssyncset.done $0x0  }
0xcf: {  	[sflag:s11] =	ssyncadd.s32 $0xFFFFC000  }
0xd0: {  	_ =	swait.ge [sflag:s21], $0x4000  }
0xd1: {  	[sflag:s21] =	ssyncset.done $0x0  }
0xd2: {  	[sflag:s21] =	ssyncadd.s32 $0xFFFFC000  }
0xd3: {  	_ =	swait.ge [sflag:s26], $0x800  }
0xd4: {  	s25 =	rddreg [dreg:$0x5]  }
0xd5: {  	[sflag:s26] =	ssyncset.done $0x0;
	p1 =	sge.u32 s17, s25  }
0xd6: {  	[sflag:s26] =	ssyncadd.s32 $0xFFFFF800;
	s2 =	simm.s32 @!p1 $0x3  }
0xd7: {  	_ =	swait.ge @!p1 [sflag:s2], $0x80  }
0xd8: {  	[sflag:s2] =	ssyncset.done @!p1 $0x0  }
0xd9: {  	[sflag:s2] =	ssyncadd.s32 @!p1 $0xFFFFFF80  }
0xda: {  	s5 =	sadd.s32 @!p1 $0x5, s17;
	_ =	swait.ge @!p1 [sflag:s2], $0x80  }
0xdb: {  	s24 =	simm.s32 @!p1 $0x400;
	s22 =	simm.s32 @!p1 $0x80;
	[sflag:s2] =	ssyncset.done @!p1 $0x0  }
0xdc: {  	p2 =	sge.u32 @!p1 s5, s7;
	s5 =	simm.s32 @!p1 $0x100;
	[sflag:s2] =	ssyncadd.s32 @!p1 $0xFFFFFF80  }
0xdd: {  	[tilespmem:s24], [sflag:$0x5] =	stream.indirect.gather @!p1 [hbm4b:s6+s22], $0x80, s5, s22, $0xb8;
	[tilespmem:$0x1EF80] =	vst v63  }
0xde: {  	s19 =	smov.u32 s17;
	s17 =	sadd.s32 $0x4, s17  }
0xdf: {  	[spmem:s3] =	stream.indirect.scatter.add.f32 [tilespmem:s10], [sflag:$0x8], $0x80, s30, s29, $0xb8;
	[tilespmem:$0x1EF80] =	vst v63  }
0xe0: {  	p4 =	sge.u32 s17, s7;
	s5 =	rddreg [dreg:$0xb]  }
0xe1: {  	[spmem:s4] =	stream.indirect.scatter.add.f32 [tilespmem:s31], [sflag:$0xA], $0x10, s30, s29, $0xb8;
	[tilespmem:$0x1EF80] =	vst v63  }
0xe2: {  	s14 =	simm.s32 @!p4 $0x0;
	s2 =	rddreg [dreg:$0xc];
	s5 =	sadd.s32 @!p4 s18, s5  }
0xe3: {  	[tilespmem:s14], [sflag:$0x1] =	stream.linear.gather @!p4 [hbm4b:s5+s14], $0x80, $0x38;
	[tilespmem:$0x1EF80] =	vst v63  }
0xe4: {  	s15 =	simm.s32 @!p1 $0x5;
	s2 =	sadd.s32 @!p4 s18, s2;
	s5 =	simm.s32 @!p4 $0x200  }
0xe5: {  	[tilespmem:s5], [sflag:$0x1] =	stream.linear.gather @!p4 [hbm4b:s2+s14], $0x80, $0x38;
	[tilespmem:$0x1EF80] =	vst v63  }
0xe6: {  	_ =	swait.ge @!p1 [sflag:s15], $0x4000  }
0xe7: {  	[sflag:s15] =	ssyncset.done @!p1 $0x0  }
0xe8: {  	s2 =	simm.s32 @!p1 $0x8;
	[sflag:s15] =	ssyncadd.s32 @!p1 $0xFFFFC000  }
0xe9: {  	_ =	swait.ge @!p1 [sflag:s2], $0x4000  }
0xea: {  	[sflag:s2] =	ssyncset.done @!p1 $0x0  }
0xeb: {  	s5 =	simm.s32 @!p1 $0xA;
	[sflag:s2] =	ssyncadd.s32 @!p1 $0xFFFFC000  }
0xec: {  	p3 =	sge.u32 @!p1 s20, s7;
	_ =	swait.ge @!p1 [sflag:s5], $0x800  }
0xed: {  	p3 =	por p3, p1;
	[sflag:s5] =	ssyncset.done @!p1 $0x0  }
0xee: {  	s2 =	simm.s32 @!p3 $0x4;
	[sflag:s5] =	ssyncadd.s32 @!p1 $0xFFFFF800  }
0xef: {  	_ =	swait.ge @!p3 [sflag:s2], $0x80  }
0xf0: {  	[sflag:s2] =	ssyncset.done @!p3 $0x0  }
0xf1: {  	[sflag:s2] =	ssyncadd.s32 @!p3 $0xFFFFFF80  }
0xf2: {  	_ =	swait.ge @!p3 [sflag:s2], $0x80  }
0xf3: {  	s23 =	simm.s32 @!p3 $0x180;
	[sflag:s2] =	ssyncset.done @!p3 $0x0  }
0xf4: {  	s14 =	simm.s32 @!p3 $0x4400;
	s15 =	simm.s32 @!p3 $0x80;
	[sflag:s2] =	ssyncadd.s32 @!p3 $0xFFFFFF80  }
0xf5: {  	[tilespmem:s14], [sflag:$0x6] =	stream.indirect.gather @!p3 [hbm4b:s6+s15], $0x80, s23, s15, $0xb8;
	[tilespmem:$0x1EF80] =	vst v63  }
0xf6: {  	s2 =	simm.s32 @!p1 $0x300  }
0xf7: {  	[spmem:s3] =	stream.indirect.scatter.add.f32 @!p1 [tilespmem:s24], [sflag:$0x7], $0x80, s2, s22, $0xb8;
	[tilespmem:$0x1EF80] =	vst v63  }
0xf8: {  	p2 =	por p2, p1;
	s5 =	simm.s32 @!p1 $0x8400;
	s14 =	rddreg [dreg:$0x7]  }
0xf9: {  	[spmem:s4] =	stream.indirect.scatter.add.f32 @!p1 [tilespmem:s5], [sflag:$0x9], $0x10, s2, s22, $0xb8;
	[tilespmem:$0x1EF80] =	vst v63  }
0xfa: {  	s15 =	rddreg [dreg:$0x8];
	s2 =	sadd.s32 @!p2 s18, s14  }
0xfb: {  	s5 =	simm.s32 @!p2 $0x0;
	s14 =	simm.s32 @!p2 $0x80;
	p1 =	sge.u32 s20, s7  }
0xfc: {  	[tilespmem:s14], [sflag:$0x2] =	stream.linear.gather @!p2 [hbm4b:s2+s5], $0x80, $0x38;
	[tilespmem:$0x1EF80] =	vst v63  }
0xfd: {  	s23 =	simm.s32 @!p2 $0x280;
	s2 =	sadd.s32 @!p2 s18, s15;
	s14 =	simm.s32 @!p1 $0x6  }
0xfe: {  	[tilespmem:s23], [sflag:$0x2] =	stream.linear.gather @!p2 [hbm4b:s2+s5], $0x80, $0x38;
	[tilespmem:$0x1EF80] =	vst v63  }
0xff: {  	_ =	swait.ge @!p1 [sflag:s14], $0x4000  }
0x100: {  	[sflag:s14] =	ssyncset.done @!p1 $0x0  }
0x101: {  	s2 =	simm.s32 @!p1 $0x7;
	[sflag:s14] =	ssyncadd.s32 @!p1 $0xFFFFC000  }
0x102: {  	_ =	swait.ge @!p1 [sflag:s2], $0x4000  }
0x103: {  	[sflag:s2] =	ssyncset.done @!p1 $0x0  }
0x104: {  	s5 =	simm.s32 @!p1 $0x9;
	[sflag:s2] =	ssyncadd.s32 @!p1 $0xFFFFC000  }
0x105: {  	s16 =	sadd.s32 $0x40, s16;
	_ =	swait.ge @!p1 [sflag:s5], $0x800  }
0x106: {  	p0 =	sne.s32 s16, $0x500;
	s2 =	rddreg [dreg:$0x6]  }
.Ltmp0:
0x107: {  	p3 =	sge.u32 @!p1 s19, s2;
	(pc) =	sbr.rel @p0 .LBB2_2-.Ltmp0, $4  }
0x108: {  	[sflag:s5] =	ssyncset.done @!p1 $0x0;
	p3 =	por p3, p1  }
0x109: {  	[sflag:s5] =	ssyncadd.s32 @!p1 $0xFFFFF800;
	s24 =	simm.s32 @!p3 $0x1  }
0x10a: {  	s20 =	simm.s32 @!p1 $0x380;
	s15 =	sadd.s32 @!p1 $0x6, s19;
	_ =	swait.ge @!p3 [sflag:s24], $0x80  }
0x10b: {  	s22 =	simm.s32 @!p1 $0x4400;
	p2 =	sge.u32 @!p1 s15, s7;
	[sflag:s24] =	ssyncset.done @!p3 $0x0  }
0x10c: {  	[sflag:s24] =	ssyncadd.s32 @!p3 $0xFFFFFF80  }
0x10d: {  	_ =	swait.ge @!p3 [sflag:s24], $0x80  }
0x10e: {  	s2 =	simm.s32 @!p3 $0x0;
	[sflag:s24] =	ssyncset.done @!p3 $0x0  }
0x10f: {  	s5 =	simm.s32 @!p3 $0x400;
	s14 =	simm.s32 @!p3 $0x80;
	[sflag:s24] =	ssyncadd.s32 @!p3 $0xFFFFFF80  }
0x110: {  	[tilespmem:s5], [sflag:$0x5] =	stream.indirect.gather @!p3 [hbm4b:s6+s14], $0x80, s2, s14, $0xb8;
	[tilespmem:$0x1EF80] =	vst v63  }
0x111: {  	s2 =	simm.s32 @!p1 $0x80;
	s5 =	rddreg [dreg:$0xd]  }
0x112: {  	[spmem:s3] =	stream.indirect.scatter.add.f32 @!p1 [tilespmem:s22], [sflag:$0x8], $0x80, s20, s2, $0xb8;
	[tilespmem:$0x1EF80] =	vst v63  }
0x113: {  	s15 =	simm.s32 @!p1 $0x8400;
	p0 =	por p2, p1;
	s14 =	rddreg [dreg:$0xe]  }
0x114: {  	[spmem:s4] =	stream.indirect.scatter.add.f32 @!p1 [tilespmem:s15], [sflag:$0xA], $0x10, s20, s2, $0xb8;
	[tilespmem:$0x1EF80] =	vst v63  }
0x115: {  	s2 =	sadd.s32 @!p0 s18, s5;
	s5 =	simm.s32 @!p0 $0x0;
	s15 =	simm.s32 @!p0 $0x100  }
0x116: {  	[tilespmem:s15], [sflag:$0x3] =	stream.linear.gather @!p0 [hbm4b:s2+s5], $0x80, $0x38;
	[tilespmem:$0x1EF80] =	vst v63  }
0x117: {  	s2 =	sadd.s32 @!p0 s18, s14;
	s14 =	simm.s32 @!p0 $0x300;
	s18 =	rddreg [dreg:$0x1d]  }
0x118: {  	[tilespmem:s14], [sflag:$0x3] =	stream.linear.gather @!p0 [hbm4b:s2+s5], $0x80, $0x38;
	[tilespmem:$0x1EF80] =	vst v63  }
0x119: {  	_ =	swait.ge [sflag:s18], $0x4000  }
0x11a: {  	[sflag:s18] =	ssyncset.done $0x0  }
0x11b: {  	s19 =	rddreg [dreg:$0x1f];
	[sflag:s18] =	ssyncadd.s32 $0xFFFFC000  }
0x11c: {  	_ =	swait.ge [sflag:s19], $0x800  }
0x11d: {  	[sflag:s19] =	ssyncset.done $0x0  }
0x11e: {  	[sflag:s19] =	ssyncadd.s32 $0xFFFFF800  }
0x11f: {  	[bflag:$0x0] =	sbarrier.arrive $0xFFFF  }
0x120: {  	s22 =	sld [smem:$0x7FC];
	_ =	sdelay $0x1  }
0x121: {  	s20 =	rddreg [dreg:$0x1c]  }
0x122: {  	[hbm:s20], [sflag:s13] =	dma.local [spmem:s22], $0x2780  }
0x123: {  	_ =	swait.ge [sflag:s0], $0x2780  }
0x124: {  	s24 =	sld [smem:$0x7FD]  }
0x125: {  	[sflag:s0] =	ssyncset.done $0x0  }
0x126: {  	s23 =	rddreg [dreg:$0x1e];
	[sflag:s0] =	ssyncadd.s32 $0xFFFFD880  }
0x127: {  	[hbm:s23], [sflag:s13] =	dma.local [spmem:s24], $0x4F0  }
0x128: {  	_ =	swait.ge [sflag:s0], $0x4F0  }
0x129: {  	s12 =	sadd.s32 $0x1, s12;
	s25 =	rddreg [dreg:$0x1b]  }
0x12a: {  	p0 =	sne.s32 s12, s25  }
.Ltmp1:
0x12b: {  	_ = 	snop;
	(pc) =	sbr.rel @p0 .LBB2_1-.Ltmp1, $3  }
0x12c: {  	_ =	sdelay $0x1  }
0x12d: {  	[sflag:s0] =	ssyncset.done $0x0  }
0x12e: {  	[sflag:s0] =	ssyncadd.s32 $0xFFFFFB10  }
0x12f: {  	_ =	sfence.sel $0x180000  }
0x130: {  	[bflag:$0x0] =	sbarrier.arrive $0xFFFF  }
0x131: {  	_ =	strace $0x90000047  }
0x132: {  	s0 =	stileid.u32;
	[bflag:$0x2] =	sbarrier.arrive $0xFFFF  }
0x133: {  	p0 =	sne.s32 s0, $0x0;
	s0 =	rddreg [dreg:$0x4]  }
0x134: {  	s0 =	sadd.s32 @!p0 $0x100000, s0  }
0x135: {  	[sflag:s0] =	ssyncadd.tile.s32 @!p0 $0x1;
	_ =	shalt  }
.Lfunc_end2:
_tile_overlayer_lowered:
.L_overlay_start_2:
0x136: {  	(tag) =	ssettag $0x2  }
0x137: {  	s0 =	rddreg [dreg:$0x0];
	s2 =	stileid.u32  }
0x138: {  	s1 =	rddreg [dreg:$0x1];
	p0 =	sne.s32 s2, $0x0  }
0x139: {  	s3 =	rddreg [dreg:$0x2];
	[bflag:$0x3] =	sbarrier.arrive $0xFFFF;
	s2 =	simm.s32 @!p0 $0x1C0B  }
0x13a: {  	[timem:s3], [sflag:s2] =	dma.local @!p0 [hbm:s0], s1  }
0x13b: {  	s0 =	simm.s32 @!p0 $0xB  }
0x13c: {  	_ =	swait.ge @!p0 [sflag:s0], s1  }
0x13d: {  	s1 =	ssub.s32 @!p0 $0x0, s1;
	[sflag:s0] =	ssyncset.done @!p0 $0x0  }
0x13e: {  	[sflag:s0] =	ssyncadd.s32 @!p0 s1  }
0x13f: {  	[bflag:$0x3] =	sbarrier.arrive $0xFFFF  }
0x140: {  	_ =	shalt  }

</sc_bundles>
